<compile_context>
chip_gen: v7x
topology: tpu7x:2x2x1
jax: 0.10.2.dev20260603
libtpu: 0.0.44.dev20260713+nightly
codegen_flags: <defaults>
</compile_context>

<pallas_src>
import functools

import jax
import jax.numpy as jnp
from jax import lax
from jax.experimental import pallas as pl
from jax.experimental.pallas import tpu as pltpu
from jax.experimental.pallas import tpu_sc as plsc

NUM_NODES = 4096
H = 16
B = 1024
L = 50
LL = L * L
PW = 79
GB = B // 16
NW = 32
VT = NUM_NODES + 1
LPAD = 64


def _sc_body(seqt_hbm, spd_hbm, embt_hbm, out_hbm,
             rsi_a, rsj_a, rsi_b, rsj_b, idx_a, idx_b, spd_a, spd_b,
             embt_v, out_a, out_b,
             sem_sa, sem_sb, sem_r, sem_oa, sem_ob):
    wid = lax.axis_index("s") * 2 + lax.axis_index("c")
    pltpu.sync_copy(embt_hbm, embt_v)

    s0 = wid * PW
    n_w = jnp.minimum(PW, LL - s0)
    i0 = lax.shift_right_logical(s0 * 5243, 18)
    j0 = s0 - i0 * L

    def step(i, j, p):
        adv = (p + 1) < n_w
        jn = j + 1
        wrap = jn >= L
        j2 = jnp.where(wrap, 0, jn)
        i2 = i + wrap.astype(jnp.int32)
        return (jnp.where(adv, i2, i), jnp.where(adv, j2, j),
                jnp.where(adv, p + 1, p))

    def fetch_rows(i, j, rsi, rsj, sem):
        c1 = pltpu.async_copy(seqt_hbm.at[i], rsi, sem)
        c2 = pltpu.async_copy(seqt_hbm.at[j], rsj, sem)
        return c1, c2

    def build_idx(rsi, rsj, idx_v):
        @plsc.parallel_loop(0, GB, unroll=4)
        def _(g):
            si = rsi[pl.ds(g * 16, 16)]
            sj = rsj[pl.ds(g * 16, 16)]
            idx_v[pl.ds(g * 16, 16)] = si * NUM_NODES + sj

    def fill(spd_v, out_v):
        hsplat = [lax.iota(jnp.int32, 16) * 0 + h for h in range(H)]

        @plsc.parallel_loop(0, GB, unroll=2)
        def _(g):
            sv = spd_v[pl.ds(g * 16, 16)]
            base = g * 16 + lax.iota(jnp.int32, 16)
            for h in range(H):
                val = plsc.load_gather(embt_v, [sv + (h * VT)])
                plsc.store_scatter(out_v, [hsplat[h], base], val)

    def fire_spd(idx_v, spd_v, sem):
        return pltpu.async_copy(spd_hbm.at[idx_v], spd_v, sem)

    def fire_out(out_v, i, j, sem):
        return pltpu.async_copy(out_v, out_hbm.at[i, j], sem)

    def drain_out(out_v, sem):
        pltpu.make_async_copy(out_v, out_hbm.at[0, 0], sem).wait()

    c1, c2 = fetch_rows(i0, j0, rsi_a, rsj_a, sem_r)
    c1.wait()
    c2.wait()
    build_idx(rsi_a, rsj_a, idx_a)
    fire_spd(idx_a, spd_a, sem_sa).wait()
    i1, j1, _p1 = step(i0, j0, 0)
    c1, c2 = fetch_rows(i1, j1, rsi_b, rsj_b, sem_r)
    c1.wait()
    c2.wait()
    fire_out(out_a, i0, j0, sem_oa)
    fire_out(out_b, i1, j1, sem_ob)

    def pair_body(m, carry):
        ie, je, pe = carry
        io, jo, po = step(ie, je, pe)
        i2, j2, p2 = step(io, jo, po)
        i3, j3, _p3 = step(i2, j2, p2)

        build_idx(rsi_b, rsj_b, idx_b)
        cp_sb = fire_spd(idx_b, spd_b, sem_sb)
        cr1, cr2 = fetch_rows(i2, j2, rsi_a, rsj_a, sem_r)
        cr3, cr4 = fetch_rows(i3, j3, rsi_b, rsj_b, sem_r)
        drain_out(out_a, sem_oa)
        fill(spd_a, out_a)
        fire_out(out_a, ie, je, sem_oa)
        cp_sb.wait()

        cr1.wait()
        cr2.wait()
        build_idx(rsi_a, rsj_a, idx_a)
        cp_sa = fire_spd(idx_a, spd_a, sem_sa)
        drain_out(out_b, sem_ob)
        fill(spd_b, out_b)
        fire_out(out_b, io, jo, sem_ob)
        cp_sa.wait()
        cr3.wait()
        cr4.wait()
        return (i2, j2, p2)

    lax.fori_loop(0, PW // 2 + 1, pair_body, (i0, j0, jnp.int32(0)))
    drain_out(out_a, sem_oa)
    drain_out(out_b, sem_ob)


@functools.partial(
    pl.kernel,
    mesh=plsc.VectorSubcoreMesh(core_axis_name="c", subcore_axis_name="s"),
    compiler_params=pltpu.CompilerParams(needs_layout_passes=False),
    out_type=jax.ShapeDtypeStruct((L, L, H, B), jnp.float32),
    scratch_types=[
        pltpu.VMEM((B,), jnp.int32),
        pltpu.VMEM((B,), jnp.int32),
        pltpu.VMEM((B,), jnp.int32),
        pltpu.VMEM((B,), jnp.int32),
        pltpu.VMEM((B,), jnp.int32),
        pltpu.VMEM((B,), jnp.int32),
        pltpu.VMEM((B,), jnp.int32),
        pltpu.VMEM((B,), jnp.int32),
        pltpu.VMEM((H * VT,), jnp.float32),
        pltpu.VMEM((H, B), jnp.float32),
        pltpu.VMEM((H, B), jnp.float32),
        pltpu.SemaphoreType.DMA,
        pltpu.SemaphoreType.DMA,
        pltpu.SemaphoreType.DMA,
        pltpu.SemaphoreType.DMA,
        pltpu.SemaphoreType.DMA,
    ],
)
def _sc_kernel(*refs):
    _sc_body(*refs)


@jax.jit
def kernel(user_seq, spd_table, emb):
    seq = user_seq.astype(jnp.int32)
    seqt = jnp.zeros((LPAD, B), jnp.int32).at[:L].set(seq.T)
    spd_flat = spd_table.reshape(-1)
    embt = emb.T.reshape(-1)
    out6 = _sc_kernel(seqt, spd_flat, embt)
    return jnp.transpose(out6, (3, 2, 0, 1))

# --- scband reference (transcript-rebuilt; emitter-appended) ---
"""Pipeline reference for scband-spatial-encoder-17068200035034 (READ-ONLY COPY).

The authoritative reference and input builder live on the scoring server;
editing this copy changes nothing except your own understanding.
"""

import jax, jax.numpy as jnp
import numpy as np

NUM_NODES = 4096
NUM_HEADS = 16
B = 1024
L = 50

def setup_inputs(seed: int = 0) -> dict:
    key = jax.random.key(seed)
    k1, k2, k3 = jax.random.split(key, 3)
    # Pre-computed SPD matrix (normally np.load(data_path + spd_file)).
    # Entries are shortest-path distances used as indices into the embedding
    # table of size NUM_NODES + 1 (0 is the padding index).
    spd_table = jax.random.randint(k1, (NUM_NODES, NUM_NODES), 0, NUM_NODES + 1, dtype=jnp.int32)
    user_seq = jax.random.randint(k2, (B, L), 0, NUM_NODES, dtype=jnp.int64)
    # nn.Embedding(num_nodes + 1, num_heads, padding_idx=0)
    emb = jax.random.normal(k3, (NUM_NODES + 1, NUM_HEADS), dtype=jnp.float32) * 0.02
    emb = emb.at[0].set(0.0)  # padding_idx row is zero
    return {"user_seq": user_seq, "spd_table": spd_table, "emb": emb}

def reference(user_seq, spd_table, emb):
    # Pairwise SPD lookup between all items in the user sequence:
    # spd[b, i, j] = spd_table[user_seq[b, i], user_seq[b, j]]
    spd = spd_table[user_seq[:, :, None], user_seq[:, None, :]]  # [B, L, L] int
    # Embed SPD values -> per-head attention bias
    bias = jnp.take(emb, spd, axis=0)                            # [B, L, L, H]
    return jnp.transpose(bias, (0, 3, 1, 2))                     # [B, H, L, L]

if __name__ == "__main__":
    import jax
    _d = setup_inputs()
    print(jax.jit(kernel)(*tuple(_d.values())))

</pallas_src>

<mosaic_0001>
#map = affine_map<(d0, d1) -> (0, 0)>
#map1 = affine_map<(d0, d1) -> (0)>
#map2 = affine_map<(d0, d1) -> (0, 0, 0, 0)>
module attributes {stable_mosaic.version = 14 : i64} {
  func.func @_sc_kernel(%arg0: i32, %arg1: i32, %arg2: memref<64x1024xi32, #tpu.memory_space<hbm>>, %arg3: memref<16777216xi32, #tpu.memory_space<hbm>>, %arg4: memref<65552xf32, #tpu.memory_space<hbm>>, %arg5: memref<50x50x16x1024xf32, #tpu.memory_space<hbm>>, %arg6: memref<1024xi32, #tpu.memory_space<vmem>>, %arg7: memref<1024xi32, #tpu.memory_space<vmem>>, %arg8: memref<1024xi32, #tpu.memory_space<vmem>>, %arg9: memref<1024xi32, #tpu.memory_space<vmem>>, %arg10: memref<1024xi32, #tpu.memory_space<vmem>>, %arg11: memref<1024xi32, #tpu.memory_space<vmem>>, %arg12: memref<1024xi32, #tpu.memory_space<vmem>>, %arg13: memref<1024xi32, #tpu.memory_space<vmem>>, %arg14: memref<65552xf32, #tpu.memory_space<vmem>>, %arg15: memref<16x1024xf32, #tpu.memory_space<vmem>>, %arg16: memref<16x1024xf32, #tpu.memory_space<vmem>>, %arg17: memref<!tpu.dma_semaphore, #tpu.memory_space<semaphore_mem>>, %arg18: memref<!tpu.dma_semaphore, #tpu.memory_space<semaphore_mem>>, %arg19: memref<!tpu.dma_semaphore, #tpu.memory_space<semaphore_mem>>, %arg20: memref<!tpu.dma_semaphore, #tpu.memory_space<semaphore_mem>>, %arg21: memref<!tpu.dma_semaphore, #tpu.memory_space<semaphore_mem>>) attributes {dimension_semantics = [#tpu.dimension_semantics<core_parallel>, #tpu.dimension_semantics<subcore_parallel>], iteration_bounds = array<i64: 2, 16>, scalar_prefetch = 0 : i64, scratch_operands = 16 : i64, tpu.core_type = #tpu.core_type<sc_vector_subcore>, window_params = [{transform_indices = #map}, {transform_indices = #map1}, {transform_indices = #map1}, {transform_indices = #map2}]} {
    %mul3A = arith.constant 2 : i32
    %mul3A_0 = arith.muli %arg1, %mul3A : i32
    %add3A = arith.addi %mul3A_0, %arg0 : i32
    "tpu.region"() ({
      %run_scoped3A = tpu.sem_alloc : memref<!tpu.dma_semaphore, #tpu.memory_space<semaphore_mem>>
      tpu.enqueue_dma source(%arg4 : memref<65552xf32, #tpu.memory_space<hbm>>) target(%arg14 : memref<65552xf32, #tpu.memory_space<vmem>>) target_semaphore(%run_scoped3A : memref<!tpu.dma_semaphore, #tpu.memory_space<semaphore_mem>>)
      tpu.wait_dma2 semaphore(%run_scoped3A : memref<!tpu.dma_semaphore, #tpu.memory_space<semaphore_mem>>) src(%arg4 : memref<65552xf32, #tpu.memory_space<hbm>>) dst(%arg14 : memref<65552xf32, #tpu.memory_space<vmem>>)
      tpu.yield
    }) : () -> ()
    %mul3A_1 = arith.constant 79 : i32
    %mul3A_2 = arith.muli %add3A, %mul3A_1 : i32
    %sub3A = arith.constant 2500 : i32
    %sub3A_3 = arith.subi %sub3A, %mul3A_2 : i32
    %min3A = arith.constant 79 : i32
    %min3A_4 = arith.minsi %min3A, %sub3A_3 : i32
    %mul3A_5 = arith.constant 5243 : i32
    %mul3A_6 = arith.muli %mul3A_2, %mul3A_5 : i32
    %shift_right_logical3A = arith.constant 18 : i32
    %shift_right_logical3A_7 = arith.shrui %mul3A_6, %shift_right_logical3A : i32
    %mul3A_8 = arith.constant 50 : i32
    %mul3A_9 = arith.muli %shift_right_logical3A_7, %mul3A_8 : i32
    %sub3A_10 = arith.subi %mul3A_2, %mul3A_9 : i32
    %dma_start3A = arith.constant 0 : i32
    %dma_start3A_11 = tpu.memref_slice %arg2[%shift_right_logical3A_7, %dma_start3A] : memref<64x1024xi32, #tpu.memory_space<hbm>> -> memref<1x1024xi32, #tpu.memory_space<hbm>>
    %dma_start3A_12 = tpu.memref_squeeze %dma_start3A_11 : memref<1x1024xi32, #tpu.memory_space<hbm>> -> memref<1024xi32, #tpu.memory_space<hbm>>
    %dma_start3A_13 = arith.constant 0 : i32
    %dma_start3A_14 = tpu.memref_slice %arg2[%shift_right_logical3A_7, %dma_start3A_13] : memref<64x1024xi32, #tpu.memory_space<hbm>> -> memref<1x1024xi32, #tpu.memory_space<hbm>>
    %dma_start3A_15 = tpu.memref_squeeze %dma_start3A_14 : memref<1x1024xi32, #tpu.memory_space<hbm>> -> memref<1024xi32, #tpu.memory_space<hbm>>
    tpu.enqueue_dma source(%dma_start3A_15 : memref<1024xi32, #tpu.memory_space<hbm>>) target(%arg6 : memref<1024xi32, #tpu.memory_space<vmem>>) target_semaphore(%arg19 : memref<!tpu.dma_semaphore, #tpu.memory_space<semaphore_mem>>)
    %dma_start3A_16 = arith.constant 0 : i32
    %dma_start3A_17 = tpu.memref_slice %arg2[%sub3A_10, %dma_start3A_16] : memref<64x1024xi32, #tpu.memory_space<hbm>> -> memref<1x1024xi32, #tpu.memory_space<hbm>>
    %dma_start3A_18 = tpu.memref_squeeze %dma_start3A_17 : memref<1x1024xi32, #tpu.memory_space<hbm>> -> memref<1024xi32, #tpu.memory_space<hbm>>
    %dma_start3A_19 = arith.constant 0 : i32
    %dma_start3A_20 = tpu.memref_slice %arg2[%sub3A_10, %dma_start3A_19] : memref<64x1024xi32, #tpu.memory_space<hbm>> -> memref<1x1024xi32, #tpu.memory_space<hbm>>
    %dma_start3A_21 = tpu.memref_squeeze %dma_start3A_20 : memref<1x1024xi32, #tpu.memory_space<hbm>> -> memref<1024xi32, #tpu.memory_space<hbm>>
    tpu.enqueue_dma source(%dma_start3A_21 : memref<1024xi32, #tpu.memory_space<hbm>>) target(%arg7 : memref<1024xi32, #tpu.memory_space<vmem>>) target_semaphore(%arg19 : memref<!tpu.dma_semaphore, #tpu.memory_space<semaphore_mem>>)
    %dma_wait3A = arith.constant 0 : i32
    %dma_wait3A_22 = tpu.memref_slice %arg2[%shift_right_logical3A_7, %dma_wait3A] : memref<64x1024xi32, #tpu.memory_space<hbm>> -> memref<1x1024xi32, #tpu.memory_space<hbm>>
    %dma_wait3A_23 = tpu.memref_squeeze %dma_wait3A_22 : memref<1x1024xi32, #tpu.memory_space<hbm>> -> memref<1024xi32, #tpu.memory_space<hbm>>
    %dma_wait3A_24 = arith.constant 0 : i32
    %dma_wait3A_25 = tpu.memref_slice %arg2[%shift_right_logical3A_7, %dma_wait3A_24] : memref<64x1024xi32, #tpu.memory_space<hbm>> -> memref<1x1024xi32, #tpu.memory_space<hbm>>
    %dma_wait3A_26 = tpu.memref_squeeze %dma_wait3A_25 : memref<1x1024xi32, #tpu.memory_space<hbm>> -> memref<1024xi32, #tpu.memory_space<hbm>>
    tpu.wait_dma2 semaphore(%arg19 : memref<!tpu.dma_semaphore, #tpu.memory_space<semaphore_mem>>) src(%dma_wait3A_26 : memref<1024xi32, #tpu.memory_space<hbm>>) dst(%arg6 : memref<1024xi32, #tpu.memory_space<vmem>>)
    %dma_wait3A_27 = arith.constant 0 : i32
    %dma_wait3A_28 = tpu.memref_slice %arg2[%sub3A_10, %dma_wait3A_27] : memref<64x1024xi32, #tpu.memory_space<hbm>> -> memref<1x1024xi32, #tpu.memory_space<hbm>>
    %dma_wait3A_29 = tpu.memref_squeeze %dma_wait3A_28 : memref<1x1024xi32, #tpu.memory_space<hbm>> -> memref<1024xi32, #tpu.memory_space<hbm>>
    %dma_wait3A_30 = arith.constant 0 : i32
    %dma_wait3A_31 = tpu.memref_slice %arg2[%sub3A_10, %dma_wait3A_30] : memref<64x1024xi32, #tpu.memory_space<hbm>> -> memref<1x1024xi32, #tpu.memory_space<hbm>>
    %dma_wait3A_32 = tpu.memref_squeeze %dma_wait3A_31 : memref<1x1024xi32, #tpu.memory_space<hbm>> -> memref<1024xi32, #tpu.memory_space<hbm>>
    tpu.wait_dma2 semaphore(%arg19 : memref<!tpu.dma_semaphore, #tpu.memory_space<semaphore_mem>>) src(%dma_wait3A_32 : memref<1024xi32, #tpu.memory_space<hbm>>) dst(%arg7 : memref<1024xi32, #tpu.memory_space<vmem>>)
    %parallel_loop3A = arith.constant 0 : i32
    %parallel_loop3A_33 = arith.constant 64 : i32
    %parallel_loop3A_34 = arith.constant 1 : i32
    scf.for %parallel_loop3A_115 = %parallel_loop3A to %parallel_loop3A_33 step %parallel_loop3A_34  : i32 {
      %parallel_loop3A_116 = arith.constant 16 : i32
      %parallel_loop3A_117 = arith.muli %parallel_loop3A_115, %parallel_loop3A_116 : i32
      %parallel_loop3A_118 = arith.index_cast %parallel_loop3A_117 : i32 to index
      %parallel_loop3A_119 = tpu.vector_load %arg6[%parallel_loop3A_118] {strides = array<i32>} : memref<1024xi32, #tpu.memory_space<vmem>>, vector<16xi32>,
      %parallel_loop3A_120 = arith.constant 16 : i32
      %parallel_loop3A_121 = arith.muli %parallel_loop3A_115, %parallel_loop3A_120 : i32
      %parallel_loop3A_122 = arith.index_cast %parallel_loop3A_121 : i32 to index
      %parallel_loop3A_123 = tpu.vector_load %arg7[%parallel_loop3A_122] {strides = array<i32>} : memref<1024xi32, #tpu.memory_space<vmem>>, vector<16xi32>,
      %parallel_loop3A_124 = arith.constant 4096 : i32
      %parallel_loop3A_125 = vector.broadcast %parallel_loop3A_124 : i32 to vector<16xi32>
      %parallel_loop3A_126 = arith.muli %parallel_loop3A_119, %parallel_loop3A_125 : vector<16xi32>
      %parallel_loop3A_127 = arith.addi %parallel_loop3A_126, %parallel_loop3A_123 : vector<16xi32>
      %parallel_loop3A_128 = arith.constant 16 : i32
      %parallel_loop3A_129 = arith.muli %parallel_loop3A_115, %parallel_loop3A_128 : i32
      %parallel_loop3A_130 = arith.index_cast %parallel_loop3A_129 : i32 to index
      %parallel_loop3A_131 = tpu.vector_load %arg10[%parallel_loop3A_130] {strides = array<i32>} : memref<1024xi32, #tpu.memory_space<vmem>>, vector<16xi32>,
      tpu.vector_store %arg10[%parallel_loop3A_130], %parallel_loop3A_127 {strides = array<i32>} : memref<1024xi32, #tpu.memory_space<vmem>>, vector<16xi32>,
    } {sc.loop_unroll_factor = 4 : i64, sc.parallel_access}
    %dma_start3A_35 = arith.constant 0 : i32
    %dma_start3A_36 = tpu.memref_slice %arg3[%dma_start3A_35] : memref<16777216xi32, #tpu.memory_space<hbm>> -> memref<16777216xi32, #tpu.memory_space<hbm>>
    tpu.enqueue_indirect_dma source(%dma_start3A_36 : memref<16777216xi32, #tpu.memory_space<hbm>>) target(%arg12 : memref<1024xi32, #tpu.memory_space<vmem>>) offsets(%arg10 : memref<1024xi32, #tpu.memory_space<vmem>>) semaphore(%arg17 : memref<!tpu.dma_semaphore, #tpu.memory_space<semaphore_mem>>)
    %dma_wait3A_37 = arith.constant 0 : i32
    %dma_wait3A_38 = tpu.memref_slice %arg3[%dma_wait3A_37] : memref<16777216xi32, #tpu.memory_space<hbm>> -> memref<16777216xi32, #tpu.memory_space<hbm>>
    tpu.wait_indirect_dma semaphore(%arg17 : memref<!tpu.dma_semaphore, #tpu.memory_space<semaphore_mem>>) src(%dma_wait3A_38 : memref<16777216xi32, #tpu.memory_space<hbm>>) dst(%arg12 : memref<1024xi32, #tpu.memory_space<vmem>>)
    %gt3A = arith.constant 1 : i32
    %gt3A_39 = arith.cmpi sgt, %min3A_4, %gt3A : i32
    %add3A_40 = arith.constant 1 : i32
    %add3A_41 = arith.addi %sub3A_10, %add3A_40 : i32
    %ge3A = arith.constant 50 : i32
    %ge3A_42 = arith.cmpi sge, %add3A_41, %ge3A : i32
    %jit3A = arith.constant 0 : i32
    %select_n3A = arith.select %ge3A_42, %jit3A, %add3A_41 : i32
    %convert_element_type3A = arith.extui %ge3A_42 : i1 to i32
    %add3A_43 = arith.addi %shift_right_logical3A_7, %convert_element_type3A : i32
    %select_n3A_44 = arith.select %gt3A_39, %add3A_43, %shift_right_logical3A_7 : i32
    %select_n3A_45 = arith.select %gt3A_39, %select_n3A, %sub3A_10 : i32
    %jit3A_46 = arith.constant 1 : i32
    %jit3A_47 = arith.constant 0 : i32
    %select_n3A_48 = arith.select %gt3A_39, %jit3A_46, %jit3A_47 : i32
    %dma_start3A_49 = arith.constant 0 : i32
    %dma_start3A_50 = tpu.memref_slice %arg2[%select_n3A_44, %dma_start3A_49] : memref<64x1024xi32, #tpu.memory_space<hbm>> -> memref<1x1024xi32, #tpu.memory_space<hbm>>
    %dma_start3A_51 = tpu.memref_squeeze %dma_start3A_50 : memref<1x1024xi32, #tpu.memory_space<hbm>> -> memref<1024xi32, #tpu.memory_space<hbm>>
    %dma_start3A_52 = arith.constant 0 : i32
    %dma_start3A_53 = tpu.memref_slice %arg2[%select_n3A_44, %dma_start3A_52] : memref<64x1024xi32, #tpu.memory_space<hbm>> -> memref<1x1024xi32, #tpu.memory_space<hbm>>
    %dma_start3A_54 = tpu.memref_squeeze %dma_start3A_53 : memref<1x1024xi32, #tpu.memory_space<hbm>> -> memref<1024xi32, #tpu.memory_space<hbm>>
    tpu.enqueue_dma source(%dma_start3A_54 : memref<1024xi32, #tpu.memory_space<hbm>>) target(%arg8 : memref<1024xi32, #tpu.memory_space<vmem>>) target_semaphore(%arg19 : memref<!tpu.dma_semaphore, #tpu.memory_space<semaphore_mem>>)
    %dma_start3A_55 = arith.constant 0 : i32
    %dma_start3A_56 = tpu.memref_slice %arg2[%select_n3A_45, %dma_start3A_55] : memref<64x1024xi32, #tpu.memory_space<hbm>> -> memref<1x1024xi32, #tpu.memory_space<hbm>>
    %dma_start3A_57 = tpu.memref_squeeze %dma_start3A_56 : memref<1x1024xi32, #tpu.memory_space<hbm>> -> memref<1024xi32, #tpu.memory_space<hbm>>
    %dma_start3A_58 = arith.constant 0 : i32
    %dma_start3A_59 = tpu.memref_slice %arg2[%select_n3A_45, %dma_start3A_58] : memref<64x1024xi32, #tpu.memory_space<hbm>> -> memref<1x1024xi32, #tpu.memory_space<hbm>>
    %dma_start3A_60 = tpu.memref_squeeze %dma_start3A_59 : memref<1x1024xi32, #tpu.memory_space<hbm>> -> memref<1024xi32, #tpu.memory_space<hbm>>
    tpu.enqueue_dma source(%dma_start3A_60 : memref<1024xi32, #tpu.memory_space<hbm>>) target(%arg9 : memref<1024xi32, #tpu.memory_space<vmem>>) target_semaphore(%arg19 : memref<!tpu.dma_semaphore, #tpu.memory_space<semaphore_mem>>)
    %dma_wait3A_61 = arith.constant 0 : i32
    %dma_wait3A_62 = tpu.memref_slice %arg2[%select_n3A_44, %dma_wait3A_61] : memref<64x1024xi32, #tpu.memory_space<hbm>> -> memref<1x1024xi32, #tpu.memory_space<hbm>>
    %dma_wait3A_63 = tpu.memref_squeeze %dma_wait3A_62 : memref<1x1024xi32, #tpu.memory_space<hbm>> -> memref<1024xi32, #tpu.memory_space<hbm>>
    %dma_wait3A_64 = arith.constant 0 : i32
    %dma_wait3A_65 = tpu.memref_slice %arg2[%select_n3A_44, %dma_wait3A_64] : memref<64x1024xi32, #tpu.memory_space<hbm>> -> memref<1x1024xi32, #tpu.memory_space<hbm>>
    %dma_wait3A_66 = tpu.memref_squeeze %dma_wait3A_65 : memref<1x1024xi32, #tpu.memory_space<hbm>> -> memref<1024xi32, #tpu.memory_space<hbm>>
    tpu.wait_dma2 semaphore(%arg19 : memref<!tpu.dma_semaphore, #tpu.memory_space<semaphore_mem>>) src(%dma_wait3A_66 : memref<1024xi32, #tpu.memory_space<hbm>>) dst(%arg8 : memref<1024xi32, #tpu.memory_space<vmem>>)
    %dma_wait3A_67 = arith.constant 0 : i32
    %dma_wait3A_68 = tpu.memref_slice %arg2[%select_n3A_45, %dma_wait3A_67] : memref<64x1024xi32, #tpu.memory_space<hbm>> -> memref<1x1024xi32, #tpu.memory_space<hbm>>
    %dma_wait3A_69 = tpu.memref_squeeze %dma_wait3A_68 : memref<1x1024xi32, #tpu.memory_space<hbm>> -> memref<1024xi32, #tpu.memory_space<hbm>>
    %dma_wait3A_70 = arith.constant 0 : i32
    %dma_wait3A_71 = tpu.memref_slice %arg2[%select_n3A_45, %dma_wait3A_70] : memref<64x1024xi32, #tpu.memory_space<hbm>> -> memref<1x1024xi32, #tpu.memory_space<hbm>>
    %dma_wait3A_72 = tpu.memref_squeeze %dma_wait3A_71 : memref<1x1024xi32, #tpu.memory_space<hbm>> -> memref<1024xi32, #tpu.memory_space<hbm>>
    tpu.wait_dma2 semaphore(%arg19 : memref<!tpu.dma_semaphore, #tpu.memory_space<semaphore_mem>>) src(%dma_wait3A_72 : memref<1024xi32, #tpu.memory_space<hbm>>) dst(%arg9 : memref<1024xi32, #tpu.memory_space<vmem>>)
    %dma_start3A_73 = arith.constant 0 : i32
    %dma_start3A_74 = arith.constant 0 : i32
    %dma_start3A_75 = tpu.memref_slice %arg5[%shift_right_logical3A_7, %sub3A_10, %dma_start3A_73, %dma_start3A_74] : memref<50x50x16x1024xf32, #tpu.memory_space<hbm>> -> memref<1x1x16x1024xf32, #tpu.memory_space<hbm>>
    %dma_start3A_76 = tpu.memref_squeeze %dma_start3A_75 : memref<1x1x16x1024xf32, #tpu.memory_space<hbm>> -> memref<16x1024xf32, #tpu.memory_space<hbm>>
    %dma_start3A_77 = arith.constant 0 : i32
    %dma_start3A_78 = arith.constant 0 : i32
    %dma_start3A_79 = tpu.memref_slice %arg5[%shift_right_logical3A_7, %sub3A_10, %dma_start3A_77, %dma_start3A_78] : memref<50x50x16x1024xf32, #tpu.memory_space<hbm>> -> memref<1x1x16x1024xf32, #tpu.memory_space<hbm>>
    %dma_start3A_80 = tpu.memref_squeeze %dma_start3A_79 : memref<1x1x16x1024xf32, #tpu.memory_space<hbm>> -> memref<16x1024xf32, #tpu.memory_space<hbm>>
    tpu.enqueue_dma source(%arg15 : memref<16x1024xf32, #tpu.memory_space<vmem>>) target(%dma_start3A_80 : memref<16x1024xf32, #tpu.memory_space<hbm>>) target_semaphore(%arg20 : memref<!tpu.dma_semaphore, #tpu.memory_space<semaphore_mem>>)
    %dma_start3A_81 = arith.constant 0 : i32
    %dma_start3A_82 = arith.constant 0 : i32
    %dma_start3A_83 = tpu.memref_slice %arg5[%select_n3A_44, %select_n3A_45, %dma_start3A_81, %dma_start3A_82] : memref<50x50x16x1024xf32, #tpu.memory_space<hbm>> -> memref<1x1x16x1024xf32, #tpu.memory_space<hbm>>
    %dma_start3A_84 = tpu.memref_squeeze %dma_start3A_83 : memref<1x1x16x1024xf32, #tpu.memory_space<hbm>> -> memref<16x1024xf32, #tpu.memory_space<hbm>>
    %dma_start3A_85 = arith.constant 0 : i32
    %dma_start3A_86 = arith.constant 0 : i32
    %dma_start3A_87 = tpu.memref_slice %arg5[%select_n3A_44, %select_n3A_45, %dma_start3A_85, %dma_start3A_86] : memref<50x50x16x1024xf32, #tpu.memory_space<hbm>> -> memref<1x1x16x1024xf32, #tpu.memory_space<hbm>>
    %dma_start3A_88 = tpu.memref_squeeze %dma_start3A_87 : memref<1x1x16x1024xf32, #tpu.memory_space<hbm>> -> memref<16x1024xf32, #tpu.memory_space<hbm>>
    tpu.enqueue_dma source(%arg16 : memref<16x1024xf32, #tpu.memory_space<vmem>>) target(%dma_start3A_88 : memref<16x1024xf32, #tpu.memory_space<hbm>>) target_semaphore(%arg21 : memref<!tpu.dma_semaphore, #tpu.memory_space<semaphore_mem>>)
    %scan3A = arith.constant 0 : i32
    %scan3A_89 = arith.constant 0 : i32
    %scan3A_90 = arith.constant 40 : i32
    %scan3A_91 = arith.addi %scan3A_89, %scan3A_90 : i32
    %scan3A_92 = arith.constant 1 : i32
    %scan3A_93:3 = scf.for %scan3A_115 = %scan3A_89 to %scan3A_91 step %scan3A_92 iter_args(%scan3A_116 = %shift_right_logical3A_7, %scan3A_117 = %sub3A_10, %scan3A_118 = %scan3A) -> (i32, i32, i32)  : i32 {
      %add3A_119 = arith.constant 1 : i32
      %add3A_120 = arith.addi %scan3A_118, %add3A_119 : i32
      %lt3A = arith.cmpi slt, %add3A_120, %min3A_4 : i32
      %add3A_121 = arith.constant 1 : i32
      %add3A_122 = arith.addi %scan3A_117, %add3A_121 : i32
      %ge3A_123 = arith.constant 50 : i32
      %ge3A_124 = arith.cmpi sge, %add3A_122, %ge3A_123 : i32
      %jit3A_125 = arith.constant 0 : i32
      %select_n3A_126 = arith.select %ge3A_124, %jit3A_125, %add3A_122 : i32
      %convert_element_type3A_127 = arith.extui %ge3A_124 : i1 to i32
      %add3A_128 = arith.addi %scan3A_116, %convert_element_type3A_127 : i32
      %select_n3A_129 = arith.select %lt3A, %add3A_128, %scan3A_116 : i32
      %select_n3A_130 = arith.select %lt3A, %select_n3A_126, %scan3A_117 : i32
      %add3A_131 = arith.constant 1 : i32
      %add3A_132 = arith.addi %scan3A_118, %add3A_131 : i32
      %select_n3A_133 = arith.select %lt3A, %add3A_132, %scan3A_118 : i32
      %add3A_134 = arith.constant 1 : i32
      %add3A_135 = arith.addi %select_n3A_133, %add3A_134 : i32
      %lt3A_136 = arith.cmpi slt, %add3A_135, %min3A_4 : i32
      %add3A_137 = arith.constant 1 : i32
      %add3A_138 = arith.addi %select_n3A_130, %add3A_137 : i32
      %ge3A_139 = arith.constant 50 : i32
      %ge3A_140 = arith.cmpi sge, %add3A_138, %ge3A_139 : i32
      %jit3A_141 = arith.constant 0 : i32
      %select_n3A_142 = arith.select %ge3A_140, %jit3A_141, %add3A_138 : i32
      %convert_element_type3A_143 = arith.extui %ge3A_140 : i1 to i32
      %add3A_144 = arith.addi %select_n3A_129, %convert_element_type3A_143 : i32
      %select_n3A_145 = arith.select %lt3A_136, %add3A_144, %select_n3A_129 : i32
      %select_n3A_146 = arith.select %lt3A_136, %select_n3A_142, %select_n3A_130 : i32
      %add3A_147 = arith.constant 1 : i32
      %add3A_148 = arith.addi %select_n3A_133, %add3A_147 : i32
      %select_n3A_149 = arith.select %lt3A_136, %add3A_148, %select_n3A_133 : i32
      %add3A_150 = arith.constant 1 : i32
      %add3A_151 = arith.addi %select_n3A_149, %add3A_150 : i32
      %lt3A_152 = arith.cmpi slt, %add3A_151, %min3A_4 : i32
      %add3A_153 = arith.constant 1 : i32
      %add3A_154 = arith.addi %select_n3A_146, %add3A_153 : i32
      %ge3A_155 = arith.constant 50 : i32
      %ge3A_156 = arith.cmpi sge, %add3A_154, %ge3A_155 : i32
      %jit3A_157 = arith.constant 0 : i32
      %select_n3A_158 = arith.select %ge3A_156, %jit3A_157, %add3A_154 : i32
      %convert_element_type3A_159 = arith.extui %ge3A_156 : i1 to i32
      %add3A_160 = arith.addi %select_n3A_145, %convert_element_type3A_159 : i32
      %select_n3A_161 = arith.select %lt3A_152, %add3A_160, %select_n3A_145 : i32
      %select_n3A_162 = arith.select %lt3A_152, %select_n3A_158, %select_n3A_146 : i32
      %add3A_163 = arith.constant 1 : i32
      %add3A_164 = arith.addi %select_n3A_149, %add3A_163 : i32
      %select_n3A_165 = arith.select %lt3A_152, %add3A_164, %select_n3A_149 : i32
      %parallel_loop3A_166 = arith.constant 0 : i32
      %parallel_loop3A_167 = arith.constant 64 : i32
      %parallel_loop3A_168 = arith.constant 1 : i32
      scf.for %parallel_loop3A_493 = %parallel_loop3A_166 to %parallel_loop3A_167 step %parallel_loop3A_168  : i32 {
        %parallel_loop3A_494 = arith.constant 16 : i32
        %parallel_loop3A_495 = arith.muli %parallel_loop3A_493, %parallel_loop3A_494 : i32
        %parallel_loop3A_496 = arith.index_cast %parallel_loop3A_495 : i32 to index
        %parallel_loop3A_497 = tpu.vector_load %arg8[%parallel_loop3A_496] {strides = array<i32>} : memref<1024xi32, #tpu.memory_space<vmem>>, vector<16xi32>,
        %parallel_loop3A_498 = arith.constant 16 : i32
        %parallel_loop3A_499 = arith.muli %parallel_loop3A_493, %parallel_loop3A_498 : i32
        %parallel_loop3A_500 = arith.index_cast %parallel_loop3A_499 : i32 to index
        %parallel_loop3A_501 = tpu.vector_load %arg9[%parallel_loop3A_500] {strides = array<i32>} : memref<1024xi32, #tpu.memory_space<vmem>>, vector<16xi32>,
        %parallel_loop3A_502 = arith.constant 4096 : i32
        %parallel_loop3A_503 = vector.broadcast %parallel_loop3A_502 : i32 to vector<16xi32>
        %parallel_loop3A_504 = arith.muli %parallel_loop3A_497, %parallel_loop3A_503 : vector<16xi32>
        %parallel_loop3A_505 = arith.addi %parallel_loop3A_504, %parallel_loop3A_501 : vector<16xi32>
        %parallel_loop3A_506 = arith.constant 16 : i32
        %parallel_loop3A_507 = arith.muli %parallel_loop3A_493, %parallel_loop3A_506 : i32
        %parallel_loop3A_508 = arith.index_cast %parallel_loop3A_507 : i32 to index
        %parallel_loop3A_509 = tpu.vector_load %arg11[%parallel_loop3A_508] {strides = array<i32>} : memref<1024xi32, #tpu.memory_space<vmem>>, vector<16xi32>,
        tpu.vector_store %arg11[%parallel_loop3A_508], %parallel_loop3A_505 {strides = array<i32>} : memref<1024xi32, #tpu.memory_space<vmem>>, vector<16xi32>,
      } {sc.loop_unroll_factor = 4 : i64, sc.parallel_access}
      %dma_start3A_169 = arith.constant 0 : i32
      %dma_start3A_170 = tpu.memref_slice %arg3[%dma_start3A_169] : memref<16777216xi32, #tpu.memory_space<hbm>> -> memref<16777216xi32, #tpu.memory_space<hbm>>
      tpu.enqueue_indirect_dma source(%dma_start3A_170 : memref<16777216xi32, #tpu.memory_space<hbm>>) target(%arg13 : memref<1024xi32, #tpu.memory_space<vmem>>) offsets(%arg11 : memref<1024xi32, #tpu.memory_space<vmem>>) semaphore(%arg18 : memref<!tpu.dma_semaphore, #tpu.memory_space<semaphore_mem>>)
      %dma_start3A_171 = arith.constant 0 : i32
      %dma_start3A_172 = tpu.memref_slice %arg2[%select_n3A_145, %dma_start3A_171] : memref<64x1024xi32, #tpu.memory_space<hbm>> -> memref<1x1024xi32, #tpu.memory_space<hbm>>
      %dma_start3A_173 = tpu.memref_squeeze %dma_start3A_172 : memref<1x1024xi32, #tpu.memory_space<hbm>> -> memref<1024xi32, #tpu.memory_space<hbm>>
      %dma_start3A_174 = arith.constant 0 : i32
      %dma_start3A_175 = tpu.memref_slice %arg2[%select_n3A_145, %dma_start3A_174] : memref<64x1024xi32, #tpu.memory_space<hbm>> -> memref<1x1024xi32, #tpu.memory_space<hbm>>
      %dma_start3A_176 = tpu.memref_squeeze %dma_start3A_175 : memref<1x1024xi32, #tpu.memory_space<hbm>> -> memref<1024xi32, #tpu.memory_space<hbm>>
      tpu.enqueue_dma source(%dma_start3A_176 : memref<1024xi32, #tpu.memory_space<hbm>>) target(%arg6 : memref<1024xi32, #tpu.memory_space<vmem>>) target_semaphore(%arg19 : memref<!tpu.dma_semaphore, #tpu.memory_space<semaphore_mem>>)
      %dma_start3A_177 = arith.constant 0 : i32
      %dma_start3A_178 = tpu.memref_slice %arg2[%select_n3A_146, %dma_start3A_177] : memref<64x1024xi32, #tpu.memory_space<hbm>> -> memref<1x1024xi32, #tpu.memory_space<hbm>>
      %dma_start3A_179 = tpu.memref_squeeze %dma_start3A_178 : memref<1x1024xi32, #tpu.memory_space<hbm>> -> memref<1024xi32, #tpu.memory_space<hbm>>
      %dma_start3A_180 = arith.constant 0 : i32
      %dma_start3A_181 = tpu.memref_slice %arg2[%select_n3A_146, %dma_start3A_180] : memref<64x1024xi32, #tpu.memory_space<hbm>> -> memref<1x1024xi32, #tpu.memory_space<hbm>>
      %dma_start3A_182 = tpu.memref_squeeze %dma_start3A_181 : memref<1x1024xi32, #tpu.memory_space<hbm>> -> memref<1024xi32, #tpu.memory_space<hbm>>
      tpu.enqueue_dma source(%dma_start3A_182 : memref<1024xi32, #tpu.memory_space<hbm>>) target(%arg7 : memref<1024xi32, #tpu.memory_space<vmem>>) target_semaphore(%arg19 : memref<!tpu.dma_semaphore, #tpu.memory_space<semaphore_mem>>)
      %dma_start3A_183 = arith.constant 0 : i32
      %dma_start3A_184 = tpu.memref_slice %arg2[%select_n3A_161, %dma_start3A_183] : memref<64x1024xi32, #tpu.memory_space<hbm>> -> memref<1x1024xi32, #tpu.memory_space<hbm>>
      %dma_start3A_185 = tpu.memref_squeeze %dma_start3A_184 : memref<1x1024xi32, #tpu.memory_space<hbm>> -> memref<1024xi32, #tpu.memory_space<hbm>>
      %dma_start3A_186 = arith.constant 0 : i32
      %dma_start3A_187 = tpu.memref_slice %arg2[%select_n3A_161, %dma_start3A_186] : memref<64x1024xi32, #tpu.memory_space<hbm>> -> memref<1x1024xi32, #tpu.memory_space<hbm>>
      %dma_start3A_188 = tpu.memref_squeeze %dma_start3A_187 : memref<1x1024xi32, #tpu.memory_space<hbm>> -> memref<1024xi32, #tpu.memory_space<hbm>>
      tpu.enqueue_dma source(%dma_start3A_188 : memref<1024xi32, #tpu.memory_space<hbm>>) target(%arg8 : memref<1024xi32, #tpu.memory_space<vmem>>) target_semaphore(%arg19 : memref<!tpu.dma_semaphore, #tpu.memory_space<semaphore_mem>>)
      %dma_start3A_189 = arith.constant 0 : i32
      %dma_start3A_190 = tpu.memref_slice %arg2[%select_n3A_162, %dma_start3A_189] : memref<64x1024xi32, #tpu.memory_space<hbm>> -> memref<1x1024xi32, #tpu.memory_space<hbm>>
      %dma_start3A_191 = tpu.memref_squeeze %dma_start3A_190 : memref<1x1024xi32, #tpu.memory_space<hbm>> -> memref<1024xi32, #tpu.memory_space<hbm>>
      %dma_start3A_192 = arith.constant 0 : i32
      %dma_start3A_193 = tpu.memref_slice %arg2[%select_n3A_162, %dma_start3A_192] : memref<64x1024xi32, #tpu.memory_space<hbm>> -> memref<1x1024xi32, #tpu.memory_space<hbm>>
      %dma_start3A_194 = tpu.memref_squeeze %dma_start3A_193 : memref<1x1024xi32, #tpu.memory_space<hbm>> -> memref<1024xi32, #tpu.memory_space<hbm>>
      tpu.enqueue_dma source(%dma_start3A_194 : memref<1024xi32, #tpu.memory_space<hbm>>) target(%arg9 : memref<1024xi32, #tpu.memory_space<vmem>>) target_semaphore(%arg19 : memref<!tpu.dma_semaphore, #tpu.memory_space<semaphore_mem>>)
      %dma_wait3A_195 = arith.constant 0 : i32
      %dma_wait3A_196 = arith.constant 0 : i32
      %dma_wait3A_197 = arith.constant 0 : i32
      %dma_wait3A_198 = arith.constant 0 : i32
      %dma_wait3A_199 = tpu.memref_slice %arg5[%dma_wait3A_195, %dma_wait3A_196, %dma_wait3A_197, %dma_wait3A_198] : memref<50x50x16x1024xf32, #tpu.memory_space<hbm>> -> memref<1x1x16x1024xf32, #tpu.memory_space<hbm>>
      %dma_wait3A_200 = tpu.memref_squeeze %dma_wait3A_199 : memref<1x1x16x1024xf32, #tpu.memory_space<hbm>> -> memref<16x1024xf32, #tpu.memory_space<hbm>>
      %dma_wait3A_201 = arith.constant 0 : i32
      %dma_wait3A_202 = arith.constant 0 : i32
      %dma_wait3A_203 = tpu.memref_slice %arg5[%dma_wait3A_195, %dma_wait3A_196, %dma_wait3A_201, %dma_wait3A_202] : memref<50x50x16x1024xf32, #tpu.memory_space<hbm>> -> memref<1x1x16x1024xf32, #tpu.memory_space<hbm>>
      %dma_wait3A_204 = tpu.memref_squeeze %dma_wait3A_203 : memref<1x1x16x1024xf32, #tpu.memory_space<hbm>> -> memref<16x1024xf32, #tpu.memory_space<hbm>>
      tpu.wait_dma2 semaphore(%arg20 : memref<!tpu.dma_semaphore, #tpu.memory_space<semaphore_mem>>) src(%arg15 : memref<16x1024xf32, #tpu.memory_space<vmem>>) dst(%dma_wait3A_204 : memref<16x1024xf32, #tpu.memory_space<hbm>>)
      %iota3A = tpu.iota {dimensions = array<i32: 0>} : vector<16xi32>
      %mul3A_205 = arith.constant 0 : i32
      %mul3A_206 = vector.broadcast %mul3A_205 : i32 to vector<16xi32>
      %mul3A_207 = arith.muli %iota3A, %mul3A_206 : vector<16xi32>
      %add3A_208 = arith.constant 0 : i32
      %add3A_209 = vector.broadcast %add3A_208 : i32 to vector<16xi32>
      %add3A_210 = arith.addi %mul3A_207, %add3A_209 : vector<16xi32>
      %iota3A_211 = tpu.iota {dimensions = array<i32: 0>} : vector<16xi32>
      %mul3A_212 = arith.constant 0 : i32
      %mul3A_213 = vector.broadcast %mul3A_212 : i32 to vector<16xi32>
      %mul3A_214 = arith.muli %iota3A_211, %mul3A_213 : vector<16xi32>
      %add3A_215 = arith.constant 1 : i32
      %add3A_216 = vector.broadcast %add3A_215 : i32 to vector<16xi32>
      %add3A_217 = arith.addi %mul3A_214, %add3A_216 : vector<16xi32>
      %iota3A_218 = tpu.iota {dimensions = array<i32: 0>} : vector<16xi32>
      %mul3A_219 = arith.constant 0 : i32
      %mul3A_220 = vector.broadcast %mul3A_219 : i32 to vector<16xi32>
      %mul3A_221 = arith.muli %iota3A_218, %mul3A_220 : vector<16xi32>
      %add3A_222 = arith.constant 2 : i32
      %add3A_223 = vector.broadcast %add3A_222 : i32 to vector<16xi32>
      %add3A_224 = arith.addi %mul3A_221, %add3A_223 : vector<16xi32>
      %iota3A_225 = tpu.iota {dimensions = array<i32: 0>} : vector<16xi32>
      %mul3A_226 = arith.constant 0 : i32
      %mul3A_227 = vector.broadcast %mul3A_226 : i32 to vector<16xi32>
      %mul3A_228 = arith.muli %iota3A_225, %mul3A_227 : vector<16xi32>
      %add3A_229 = arith.constant 3 : i32
      %add3A_230 = vector.broadcast %add3A_229 : i32 to vector<16xi32>
      %add3A_231 = arith.addi %mul3A_228, %add3A_230 : vector<16xi32>
      %iota3A_232 = tpu.iota {dimensions = array<i32: 0>} : vector<16xi32>
      %mul3A_233 = arith.constant 0 : i32
      %mul3A_234 = vector.broadcast %mul3A_233 : i32 to vector<16xi32>
      %mul3A_235 = arith.muli %iota3A_232, %mul3A_234 : vector<16xi32>
      %add3A_236 = arith.constant 4 : i32
      %add3A_237 = vector.broadcast %add3A_236 : i32 to vector<16xi32>
      %add3A_238 = arith.addi %mul3A_235, %add3A_237 : vector<16xi32>
      %iota3A_239 = tpu.iota {dimensions = array<i32: 0>} : vector<16xi32>
      %mul3A_240 = arith.constant 0 : i32
      %mul3A_241 = vector.broadcast %mul3A_240 : i32 to vector<16xi32>
      %mul3A_242 = arith.muli %iota3A_239, %mul3A_241 : vector<16xi32>
      %add3A_243 = arith.constant 5 : i32
      %add3A_244 = vector.broadcast %add3A_243 : i32 to vector<16xi32>
      %add3A_245 = arith.addi %mul3A_242, %add3A_244 : vector<16xi32>
      %iota3A_246 = tpu.iota {dimensions = array<i32: 0>} : vector<16xi32>
      %mul3A_247 = arith.constant 0 : i32
      %mul3A_248 = vector.broadcast %mul3A_247 : i32 to vector<16xi32>
      %mul3A_249 = arith.muli %iota3A_246, %mul3A_248 : vector<16xi32>
      %add3A_250 = arith.constant 6 : i32
      %add3A_251 = vector.broadcast %add3A_250 : i32 to vector<16xi32>
      %add3A_252 = arith.addi %mul3A_249, %add3A_251 : vector<16xi32>
      %iota3A_253 = tpu.iota {dimensions = array<i32: 0>} : vector<16xi32>
      %mul3A_254 = arith.constant 0 : i32
      %mul3A_255 = vector.broadcast %mul3A_254 : i32 to vector<16xi32>
      %mul3A_256 = arith.muli %iota3A_253, %mul3A_255 : vector<16xi32>
      %add3A_257 = arith.constant 7 : i32
      %add3A_258 = vector.broadcast %add3A_257 : i32 to vector<16xi32>
      %add3A_259 = arith.addi %mul3A_256, %add3A_258 : vector<16xi32>
      %iota3A_260 = tpu.iota {dimensions = array<i32: 0>} : vector<16xi32>
      %mul3A_261 = arith.constant 0 : i32
      %mul3A_262 = vector.broadcast %mul3A_261 : i32 to vector<16xi32>
      %mul3A_263 = arith.muli %iota3A_260, %mul3A_262 : vector<16xi32>
      %add3A_264 = arith.constant 8 : i32
      %add3A_265 = vector.broadcast %add3A_264 : i32 to vector<16xi32>
      %add3A_266 = arith.addi %mul3A_263, %add3A_265 : vector<16xi32>
      %iota3A_267 = tpu.iota {dimensions = array<i32: 0>} : vector<16xi32>
      %mul3A_268 = arith.constant 0 : i32
      %mul3A_269 = vector.broadcast %mul3A_268 : i32 to vector<16xi32>
      %mul3A_270 = arith.muli %iota3A_267, %mul3A_269 : vector<16xi32>
      %add3A_271 = arith.constant 9 : i32
      %add3A_272 = vector.broadcast %add3A_271 : i32 to vector<16xi32>
      %add3A_273 = arith.addi %mul3A_270, %add3A_272 : vector<16xi32>
      %iota3A_274 = tpu.iota {dimensions = array<i32: 0>} : vector<16xi32>
      %mul3A_275 = arith.constant 0 : i32
      %mul3A_276 = vector.broadcast %mul3A_275 : i32 to vector<16xi32>
      %mul3A_277 = arith.muli %iota3A_274, %mul3A_276 : vector<16xi32>
      %add3A_278 = arith.constant 10 : i32
      %add3A_279 = vector.broadcast %add3A_278 : i32 to vector<16xi32>
      %add3A_280 = arith.addi %mul3A_277, %add3A_279 : vector<16xi32>
      %iota3A_281 = tpu.iota {dimensions = array<i32: 0>} : vector<16xi32>
      %mul3A_282 = arith.constant 0 : i32
      %mul3A_283 = vector.broadcast %mul3A_282 : i32 to vector<16xi32>
      %mul3A_284 = arith.muli %iota3A_281, %mul3A_283 : vector<16xi32>
      %add3A_285 = arith.constant 11 : i32
      %add3A_286 = vector.broadcast %add3A_285 : i32 to vector<16xi32>
      %add3A_287 = arith.addi %mul3A_284, %add3A_286 : vector<16xi32>
      %iota3A_288 = tpu.iota {dimensions = array<i32: 0>} : vector<16xi32>
      %mul3A_289 = arith.constant 0 : i32
      %mul3A_290 = vector.broadcast %mul3A_289 : i32 to vector<16xi32>
      %mul3A_291 = arith.muli %iota3A_288, %mul3A_290 : vector<16xi32>
      %add3A_292 = arith.constant 12 : i32
      %add3A_293 = vector.broadcast %add3A_292 : i32 to vector<16xi32>
      %add3A_294 = arith.addi %mul3A_291, %add3A_293 : vector<16xi32>
      %iota3A_295 = tpu.iota {dimensions = array<i32: 0>} : vector<16xi32>
      %mul3A_296 = arith.constant 0 : i32
      %mul3A_297 = vector.broadcast %mul3A_296 : i32 to vector<16xi32>
      %mul3A_298 = arith.muli %iota3A_295, %mul3A_297 : vector<16xi32>
      %add3A_299 = arith.constant 13 : i32
      %add3A_300 = vector.broadcast %add3A_299 : i32 to vector<16xi32>
      %add3A_301 = arith.addi %mul3A_298, %add3A_300 : vector<16xi32>
      %iota3A_302 = tpu.iota {dimensions = array<i32: 0>} : vector<16xi32>
      %mul3A_303 = arith.constant 0 : i32
      %mul3A_304 = vector.broadcast %mul3A_303 : i32 to vector<16xi32>
      %mul3A_305 = arith.muli %iota3A_302, %mul3A_304 : vector<16xi32>
      %add3A_306 = arith.constant 14 : i32
      %add3A_307 = vector.broadcast %add3A_306 : i32 to vector<16xi32>
      %add3A_308 = arith.addi %mul3A_305, %add3A_307 : vector<16xi32>
      %iota3A_309 = tpu.iota {dimensions = array<i32: 0>} : vector<16xi32>
      %mul3A_310 = arith.constant 0 : i32
      %mul3A_311 = vector.broadcast %mul3A_310 : i32 to vector<16xi32>
      %mul3A_312 = arith.muli %iota3A_309, %mul3A_311 : vector<16xi32>
      %add3A_313 = arith.constant 15 : i32
      %add3A_314 = vector.broadcast %add3A_313 : i32 to vector<16xi32>
      %add3A_315 = arith.addi %mul3A_312, %add3A_314 : vector<16xi32>
      %parallel_loop3A_316 = arith.constant 0 : i32
      %parallel_loop3A_317 = arith.constant 64 : i32
      %parallel_loop3A_318 = arith.constant 1 : i32
      scf.for %parallel_loop3A_493 = %parallel_loop3A_316 to %parallel_loop3A_317 step %parallel_loop3A_318  : i32 {
        %parallel_loop3A_494 = arith.constant 16 : i32
        %parallel_loop3A_495 = arith.muli %parallel_loop3A_493, %parallel_loop3A_494 : i32
        %parallel_loop3A_496 = arith.index_cast %parallel_loop3A_495 : i32 to index
        %parallel_loop3A_497 = tpu.vector_load %arg12[%parallel_loop3A_496] {strides = array<i32>} : memref<1024xi32, #tpu.memory_space<vmem>>, vector<16xi32>,
        %parallel_loop3A_498 = arith.constant 16 : i32
        %parallel_loop3A_499 = arith.muli %parallel_loop3A_493, %parallel_loop3A_498 : i32
        %parallel_loop3A_500 = tpu.iota {dimensions = array<i32: 0>} : vector<16xi32>
        %parallel_loop3A_501 = vector.broadcast %parallel_loop3A_499 : i32 to vector<16xi32>
        %parallel_loop3A_502 = arith.addi %parallel_loop3A_501, %parallel_loop3A_500 : vector<16xi32>
        %parallel_loop3A_503 = arith.constant 0 : i32
        %parallel_loop3A_504 = vector.broadcast %parallel_loop3A_503 : i32 to vector<16xi32>
        %parallel_loop3A_505 = arith.addi %parallel_loop3A_497, %parallel_loop3A_504 : vector<16xi32>
        %parallel_loop3A_506 = tpu.vector_load_idx %arg14[%parallel_loop3A_505] : memref<65552xf32, #tpu.memory_space<vmem>>[vector<16xi32>], vector<16xf32>,
        tpu.vector_store_idx %arg15[%add3A_210, %parallel_loop3A_502], %parallel_loop3A_506 : memref<16x1024xf32, #tpu.memory_space<vmem>>[vector<16xi32>, vector<16xi32>], vector<16xf32>,
        %parallel_loop3A_507 = arith.constant 4097 : i32
        %parallel_loop3A_508 = vector.broadcast %parallel_loop3A_507 : i32 to vector<16xi32>
        %parallel_loop3A_509 = arith.addi %parallel_loop3A_497, %parallel_loop3A_508 : vector<16xi32>
        %parallel_loop3A_510 = tpu.vector_load_idx %arg14[%parallel_loop3A_509] : memref<65552xf32, #tpu.memory_space<vmem>>[vector<16xi32>], vector<16xf32>,
        tpu.vector_store_idx %arg15[%add3A_217, %parallel_loop3A_502], %parallel_loop3A_510 : memref<16x1024xf32, #tpu.memory_space<vmem>>[vector<16xi32>, vector<16xi32>], vector<16xf32>,
        %parallel_loop3A_511 = arith.constant 8194 : i32
        %parallel_loop3A_512 = vector.broadcast %parallel_loop3A_511 : i32 to vector<16xi32>
        %parallel_loop3A_513 = arith.addi %parallel_loop3A_497, %parallel_loop3A_512 : vector<16xi32>
        %parallel_loop3A_514 = tpu.vector_load_idx %arg14[%parallel_loop3A_513] : memref<65552xf32, #tpu.memory_space<vmem>>[vector<16xi32>], vector<16xf32>,
        tpu.vector_store_idx %arg15[%add3A_224, %parallel_loop3A_502], %parallel_loop3A_514 : memref<16x1024xf32, #tpu.memory_space<vmem>>[vector<16xi32>, vector<16xi32>], vector<16xf32>,
        %parallel_loop3A_515 = arith.constant 12291 : i32
        %parallel_loop3A_516 = vector.broadcast %parallel_loop3A_515 : i32 to vector<16xi32>
        %parallel_loop3A_517 = arith.addi %parallel_loop3A_497, %parallel_loop3A_516 : vector<16xi32>
        %parallel_loop3A_518 = tpu.vector_load_idx %arg14[%parallel_loop3A_517] : memref<65552xf32, #tpu.memory_space<vmem>>[vector<16xi32>], vector<16xf32>,
        tpu.vector_store_idx %arg15[%add3A_231, %parallel_loop3A_502], %parallel_loop3A_518 : memref<16x1024xf32, #tpu.memory_space<vmem>>[vector<16xi32>, vector<16xi32>], vector<16xf32>,
        %parallel_loop3A_519 = arith.constant 16388 : i32
        %parallel_loop3A_520 = vector.broadcast %parallel_loop3A_519 : i32 to vector<16xi32>
        %parallel_loop3A_521 = arith.addi %parallel_loop3A_497, %parallel_loop3A_520 : vector<16xi32>
        %parallel_loop3A_522 = tpu.vector_load_idx %arg14[%parallel_loop3A_521] : memref<65552xf32, #tpu.memory_space<vmem>>[vector<16xi32>], vector<16xf32>,
        tpu.vector_store_idx %arg15[%add3A_238, %parallel_loop3A_502], %parallel_loop3A_522 : memref<16x1024xf32, #tpu.memory_space<vmem>>[vector<16xi32>, vector<16xi32>], vector<16xf32>,
        %parallel_loop3A_523 = arith.constant 20485 : i32
        %parallel_loop3A_524 = vector.broadcast %parallel_loop3A_523 : i32 to vector<16xi32>
        %parallel_loop3A_525 = arith.addi %parallel_loop3A_497, %parallel_loop3A_524 : vector<16xi32>
        %parallel_loop3A_526 = tpu.vector_load_idx %arg14[%parallel_loop3A_525] : memref<65552xf32, #tpu.memory_space<vmem>>[vector<16xi32>], vector<16xf32>,
        tpu.vector_store_idx %arg15[%add3A_245, %parallel_loop3A_502], %parallel_loop3A_526 : memref<16x1024xf32, #tpu.memory_space<vmem>>[vector<16xi32>, vector<16xi32>], vector<16xf32>,
        %parallel_loop3A_527 = arith.constant 24582 : i32
        %parallel_loop3A_528 = vector.broadcast %parallel_loop3A_527 : i32 to vector<16xi32>
        %parallel_loop3A_529 = arith.addi %parallel_loop3A_497, %parallel_loop3A_528 : vector<16xi32>
        %parallel_loop3A_530 = tpu.vector_load_idx %arg14[%parallel_loop3A_529] : memref<65552xf32, #tpu.memory_space<vmem>>[vector<16xi32>], vector<16xf32>,
        tpu.vector_store_idx %arg15[%add3A_252, %parallel_loop3A_502], %parallel_loop3A_530 : memref<16x1024xf32, #tpu.memory_space<vmem>>[vector<16xi32>, vector<16xi32>], vector<16xf32>,
        %parallel_loop3A_531 = arith.constant 28679 : i32
        %parallel_loop3A_532 = vector.broadcast %parallel_loop3A_531 : i32 to vector<16xi32>
        %parallel_loop3A_533 = arith.addi %parallel_loop3A_497, %parallel_loop3A_532 : vector<16xi32>
        %parallel_loop3A_534 = tpu.vector_load_idx %arg14[%parallel_loop3A_533] : memref<65552xf32, #tpu.memory_space<vmem>>[vector<16xi32>], vector<16xf32>,
        tpu.vector_store_idx %arg15[%add3A_259, %parallel_loop3A_502], %parallel_loop3A_534 : memref<16x1024xf32, #tpu.memory_space<vmem>>[vector<16xi32>, vector<16xi32>], vector<16xf32>,
        %parallel_loop3A_535 = arith.constant 32776 : i32
        %parallel_loop3A_536 = vector.broadcast %parallel_loop3A_535 : i32 to vector<16xi32>
        %parallel_loop3A_537 = arith.addi %parallel_loop3A_497, %parallel_loop3A_536 : vector<16xi32>
        %parallel_loop3A_538 = tpu.vector_load_idx %arg14[%parallel_loop3A_537] : memref<65552xf32, #tpu.memory_space<vmem>>[vector<16xi32>], vector<16xf32>,
        tpu.vector_store_idx %arg15[%add3A_266, %parallel_loop3A_502], %parallel_loop3A_538 : memref<16x1024xf32, #tpu.memory_space<vmem>>[vector<16xi32>, vector<16xi32>], vector<16xf32>,
        %parallel_loop3A_539 = arith.constant 36873 : i32
        %parallel_loop3A_540 = vector.broadcast %parallel_loop3A_539 : i32 to vector<16xi32>
        %parallel_loop3A_541 = arith.addi %parallel_loop3A_497, %parallel_loop3A_540 : vector<16xi32>
        %parallel_loop3A_542 = tpu.vector_load_idx %arg14[%parallel_loop3A_541] : memref<65552xf32, #tpu.memory_space<vmem>>[vector<16xi32>], vector<16xf32>,
        tpu.vector_store_idx %arg15[%add3A_273, %parallel_loop3A_502], %parallel_loop3A_542 : memref<16x1024xf32, #tpu.memory_space<vmem>>[vector<16xi32>, vector<16xi32>], vector<16xf32>,
        %parallel_loop3A_543 = arith.constant 40970 : i32
        %parallel_loop3A_544 = vector.broadcast %parallel_loop3A_543 : i32 to vector<16xi32>
        %parallel_loop3A_545 = arith.addi %parallel_loop3A_497, %parallel_loop3A_544 : vector<16xi32>
        %parallel_loop3A_546 = tpu.vector_load_idx %arg14[%parallel_loop3A_545] : memref<65552xf32, #tpu.memory_space<vmem>>[vector<16xi32>], vector<16xf32>,
        tpu.vector_store_idx %arg15[%add3A_280, %parallel_loop3A_502], %parallel_loop3A_546 : memref<16x1024xf32, #tpu.memory_space<vmem>>[vector<16xi32>, vector<16xi32>], vector<16xf32>,
        %parallel_loop3A_547 = arith.constant 45067 : i32
        %parallel_loop3A_548 = vector.broadcast %parallel_loop3A_547 : i32 to vector<16xi32>
        %parallel_loop3A_549 = arith.addi %parallel_loop3A_497, %parallel_loop3A_548 : vector<16xi32>
        %parallel_loop3A_550 = tpu.vector_load_idx %arg14[%parallel_loop3A_549] : memref<65552xf32, #tpu.memory_space<vmem>>[vector<16xi32>], vector<16xf32>,
        tpu.vector_store_idx %arg15[%add3A_287, %parallel_loop3A_502], %parallel_loop3A_550 : memref<16x1024xf32, #tpu.memory_space<vmem>>[vector<16xi32>, vector<16xi32>], vector<16xf32>,
        %parallel_loop3A_551 = arith.constant 49164 : i32
        %parallel_loop3A_552 = vector.broadcast %parallel_loop3A_551 : i32 to vector<16xi32>
        %parallel_loop3A_553 = arith.addi %parallel_loop3A_497, %parallel_loop3A_552 : vector<16xi32>
        %parallel_loop3A_554 = tpu.vector_load_idx %arg14[%parallel_loop3A_553] : memref<65552xf32, #tpu.memory_space<vmem>>[vector<16xi32>], vector<16xf32>,
        tpu.vector_store_idx %arg15[%add3A_294, %parallel_loop3A_502], %parallel_loop3A_554 : memref<16x1024xf32, #tpu.memory_space<vmem>>[vector<16xi32>, vector<16xi32>], vector<16xf32>,
        %parallel_loop3A_555 = arith.constant 53261 : i32
        %parallel_loop3A_556 = vector.broadcast %parallel_loop3A_555 : i32 to vector<16xi32>
        %parallel_loop3A_557 = arith.addi %parallel_loop3A_497, %parallel_loop3A_556 : vector<16xi32>
        %parallel_loop3A_558 = tpu.vector_load_idx %arg14[%parallel_loop3A_557] : memref<65552xf32, #tpu.memory_space<vmem>>[vector<16xi32>], vector<16xf32>,
        tpu.vector_store_idx %arg15[%add3A_301, %parallel_loop3A_502], %parallel_loop3A_558 : memref<16x1024xf32, #tpu.memory_space<vmem>>[vector<16xi32>, vector<16xi32>], vector<16xf32>,
        %parallel_loop3A_559 = arith.constant 57358 : i32
        %parallel_loop3A_560 = vector.broadcast %parallel_loop3A_559 : i32 to vector<16xi32>
        %parallel_loop3A_561 = arith.addi %parallel_loop3A_497, %parallel_loop3A_560 : vector<16xi32>
        %parallel_loop3A_562 = tpu.vector_load_idx %arg14[%parallel_loop3A_561] : memref<65552xf32, #tpu.memory_space<vmem>>[vector<16xi32>], vector<16xf32>,
        tpu.vector_store_idx %arg15[%add3A_308, %parallel_loop3A_502], %parallel_loop3A_562 : memref<16x1024xf32, #tpu.memory_space<vmem>>[vector<16xi32>, vector<16xi32>], vector<16xf32>,
        %parallel_loop3A_563 = arith.constant 61455 : i32
        %parallel_loop3A_564 = vector.broadcast %parallel_loop3A_563 : i32 to vector<16xi32>
        %parallel_loop3A_565 = arith.addi %parallel_loop3A_497, %parallel_loop3A_564 : vector<16xi32>
        %parallel_loop3A_566 = tpu.vector_load_idx %arg14[%parallel_loop3A_565] : memref<65552xf32, #tpu.memory_space<vmem>>[vector<16xi32>], vector<16xf32>,
        tpu.vector_store_idx %arg15[%add3A_315, %parallel_loop3A_502], %parallel_loop3A_566 : memref<16x1024xf32, #tpu.memory_space<vmem>>[vector<16xi32>, vector<16xi32>], vector<16xf32>,
      } {sc.loop_unroll_factor = 2 : i64, sc.parallel_access}
      %dma_start3A_319 = arith.constant 0 : i32
      %dma_start3A_320 = arith.constant 0 : i32
      %dma_start3A_321 = tpu.memref_slice %arg5[%scan3A_116, %scan3A_117, %dma_start3A_319, %dma_start3A_320] : memref<50x50x16x1024xf32, #tpu.memory_space<hbm>> -> memref<1x1x16x1024xf32, #tpu.memory_space<hbm>>
      %dma_start3A_322 = tpu.memref_squeeze %dma_start3A_321 : memref<1x1x16x1024xf32, #tpu.memory_space<hbm>> -> memref<16x1024xf32, #tpu.memory_space<hbm>>
      %dma_start3A_323 = arith.constant 0 : i32
      %dma_start3A_324 = arith.constant 0 : i32
      %dma_start3A_325 = tpu.memref_slice %arg5[%scan3A_116, %scan3A_117, %dma_start3A_323, %dma_start3A_324] : memref<50x50x16x1024xf32, #tpu.memory_space<hbm>> -> memref<1x1x16x1024xf32, #tpu.memory_space<hbm>>
      %dma_start3A_326 = tpu.memref_squeeze %dma_start3A_325 : memref<1x1x16x1024xf32, #tpu.memory_space<hbm>> -> memref<16x1024xf32, #tpu.memory_space<hbm>>
      tpu.enqueue_dma source(%arg15 : memref<16x1024xf32, #tpu.memory_space<vmem>>) target(%dma_start3A_326 : memref<16x1024xf32, #tpu.memory_space<hbm>>) target_semaphore(%arg20 : memref<!tpu.dma_semaphore, #tpu.memory_space<semaphore_mem>>)
      %dma_wait3A_327 = arith.constant 0 : i32
      %dma_wait3A_328 = tpu.memref_slice %arg3[%dma_wait3A_327] : memref<16777216xi32, #tpu.memory_space<hbm>> -> memref<16777216xi32, #tpu.memory_space<hbm>>
      tpu.wait_indirect_dma semaphore(%arg18 : memref<!tpu.dma_semaphore, #tpu.memory_space<semaphore_mem>>) src(%dma_wait3A_328 : memref<16777216xi32, #tpu.memory_space<hbm>>) dst(%arg13 : memref<1024xi32, #tpu.memory_space<vmem>>)
      %dma_wait3A_329 = arith.constant 0 : i32
      %dma_wait3A_330 = tpu.memref_slice %arg2[%select_n3A_145, %dma_wait3A_329] : memref<64x1024xi32, #tpu.memory_space<hbm>> -> memref<1x1024xi32, #tpu.memory_space<hbm>>
      %dma_wait3A_331 = tpu.memref_squeeze %dma_wait3A_330 : memref<1x1024xi32, #tpu.memory_space<hbm>> -> memref<1024xi32, #tpu.memory_space<hbm>>
      %dma_wait3A_332 = arith.constant 0 : i32
      %dma_wait3A_333 = tpu.memref_slice %arg2[%select_n3A_145, %dma_wait3A_332] : memref<64x1024xi32, #tpu.memory_space<hbm>> -> memref<1x1024xi32, #tpu.memory_space<hbm>>
      %dma_wait3A_334 = tpu.memref_squeeze %dma_wait3A_333 : memref<1x1024xi32, #tpu.memory_space<hbm>> -> memref<1024xi32, #tpu.memory_space<hbm>>
      tpu.wait_dma2 semaphore(%arg19 : memref<!tpu.dma_semaphore, #tpu.memory_space<semaphore_mem>>) src(%dma_wait3A_334 : memref<1024xi32, #tpu.memory_space<hbm>>) dst(%arg6 : memref<1024xi32, #tpu.memory_space<vmem>>)
      %dma_wait3A_335 = arith.constant 0 : i32
      %dma_wait3A_336 = tpu.memref_slice %arg2[%select_n3A_146, %dma_wait3A_335] : memref<64x1024xi32, #tpu.memory_space<hbm>> -> memref<1x1024xi32, #tpu.memory_space<hbm>>
      %dma_wait3A_337 = tpu.memref_squeeze %dma_wait3A_336 : memref<1x1024xi32, #tpu.memory_space<hbm>> -> memref<1024xi32, #tpu.memory_space<hbm>>
      %dma_wait3A_338 = arith.constant 0 : i32
      %dma_wait3A_339 = tpu.memref_slice %arg2[%select_n3A_146, %dma_wait3A_338] : memref<64x1024xi32, #tpu.memory_space<hbm>> -> memref<1x1024xi32, #tpu.memory_space<hbm>>
      %dma_wait3A_340 = tpu.memref_squeeze %dma_wait3A_339 : memref<1x1024xi32, #tpu.memory_space<hbm>> -> memref<1024xi32, #tpu.memory_space<hbm>>
      tpu.wait_dma2 semaphore(%arg19 : memref<!tpu.dma_semaphore, #tpu.memory_space<semaphore_mem>>) src(%dma_wait3A_340 : memref<1024xi32, #tpu.memory_space<hbm>>) dst(%arg7 : memref<1024xi32, #tpu.memory_space<vmem>>)
      %parallel_loop3A_341 = arith.constant 0 : i32
      %parallel_loop3A_342 = arith.constant 64 : i32
      %parallel_loop3A_343 = arith.constant 1 : i32
      scf.for %parallel_loop3A_493 = %parallel_loop3A_341 to %parallel_loop3A_342 step %parallel_loop3A_343  : i32 {
        %parallel_loop3A_494 = arith.constant 16 : i32
        %parallel_loop3A_495 = arith.muli %parallel_loop3A_493, %parallel_loop3A_494 : i32
        %parallel_loop3A_496 = arith.index_cast %parallel_loop3A_495 : i32 to index
        %parallel_loop3A_497 = tpu.vector_load %arg6[%parallel_loop3A_496] {strides = array<i32>} : memref<1024xi32, #tpu.memory_space<vmem>>, vector<16xi32>,
        %parallel_loop3A_498 = arith.constant 16 : i32
        %parallel_loop3A_499 = arith.muli %parallel_loop3A_493, %parallel_loop3A_498 : i32
        %parallel_loop3A_500 = arith.index_cast %parallel_loop3A_499 : i32 to index
        %parallel_loop3A_501 = tpu.vector_load %arg7[%parallel_loop3A_500] {strides = array<i32>} : memref<1024xi32, #tpu.memory_space<vmem>>, vector<16xi32>,
        %parallel_loop3A_502 = arith.constant 4096 : i32
        %parallel_loop3A_503 = vector.broadcast %parallel_loop3A_502 : i32 to vector<16xi32>
        %parallel_loop3A_504 = arith.muli %parallel_loop3A_497, %parallel_loop3A_503 : vector<16xi32>
        %parallel_loop3A_505 = arith.addi %parallel_loop3A_504, %parallel_loop3A_501 : vector<16xi32>
        %parallel_loop3A_506 = arith.constant 16 : i32
        %parallel_loop3A_507 = arith.muli %parallel_loop3A_493, %parallel_loop3A_506 : i32
        %parallel_loop3A_508 = arith.index_cast %parallel_loop3A_507 : i32 to index
        %parallel_loop3A_509 = tpu.vector_load %arg10[%parallel_loop3A_508] {strides = array<i32>} : memref<1024xi32, #tpu.memory_space<vmem>>, vector<16xi32>,
        tpu.vector_store %arg10[%parallel_loop3A_508], %parallel_loop3A_505 {strides = array<i32>} : memref<1024xi32, #tpu.memory_space<vmem>>, vector<16xi32>,
      } {sc.loop_unroll_factor = 4 : i64, sc.parallel_access}
      %dma_start3A_344 = arith.constant 0 : i32
      %dma_start3A_345 = tpu.memref_slice %arg3[%dma_start3A_344] : memref<16777216xi32, #tpu.memory_space<hbm>> -> memref<16777216xi32, #tpu.memory_space<hbm>>
      tpu.enqueue_indirect_dma source(%dma_start3A_345 : memref<16777216xi32, #tpu.memory_space<hbm>>) target(%arg12 : memref<1024xi32, #tpu.memory_space<vmem>>) offsets(%arg10 : memref<1024xi32, #tpu.memory_space<vmem>>) semaphore(%arg17 : memref<!tpu.dma_semaphore, #tpu.memory_space<semaphore_mem>>)
      %dma_wait3A_346 = arith.constant 0 : i32
      %dma_wait3A_347 = arith.constant 0 : i32
      %dma_wait3A_348 = arith.constant 0 : i32
      %dma_wait3A_349 = arith.constant 0 : i32
      %dma_wait3A_350 = tpu.memref_slice %arg5[%dma_wait3A_346, %dma_wait3A_347, %dma_wait3A_348, %dma_wait3A_349] : memref<50x50x16x1024xf32, #tpu.memory_space<hbm>> -> memref<1x1x16x1024xf32, #tpu.memory_space<hbm>>
      %dma_wait3A_351 = tpu.memref_squeeze %dma_wait3A_350 : memref<1x1x16x1024xf32, #tpu.memory_space<hbm>> -> memref<16x1024xf32, #tpu.memory_space<hbm>>
      %dma_wait3A_352 = arith.constant 0 : i32
      %dma_wait3A_353 = arith.constant 0 : i32
      %dma_wait3A_354 = tpu.memref_slice %arg5[%dma_wait3A_346, %dma_wait3A_347, %dma_wait3A_352, %dma_wait3A_353] : memref<50x50x16x1024xf32, #tpu.memory_space<hbm>> -> memref<1x1x16x1024xf32, #tpu.memory_space<hbm>>
      %dma_wait3A_355 = tpu.memref_squeeze %dma_wait3A_354 : memref<1x1x16x1024xf32, #tpu.memory_space<hbm>> -> memref<16x1024xf32, #tpu.memory_space<hbm>>
      tpu.wait_dma2 semaphore(%arg21 : memref<!tpu.dma_semaphore, #tpu.memory_space<semaphore_mem>>) src(%arg16 : memref<16x1024xf32, #tpu.memory_space<vmem>>) dst(%dma_wait3A_355 : memref<16x1024xf32, #tpu.memory_space<hbm>>)
      %iota3A_356 = tpu.iota {dimensions = array<i32: 0>} : vector<16xi32>
      %mul3A_357 = arith.constant 0 : i32
      %mul3A_358 = vector.broadcast %mul3A_357 : i32 to vector<16xi32>
      %mul3A_359 = arith.muli %iota3A_356, %mul3A_358 : vector<16xi32>
      %add3A_360 = arith.constant 0 : i32
      %add3A_361 = vector.broadcast %add3A_360 : i32 to vector<16xi32>
      %add3A_362 = arith.addi %mul3A_359, %add3A_361 : vector<16xi32>
      %iota3A_363 = tpu.iota {dimensions = array<i32: 0>} : vector<16xi32>
      %mul3A_364 = arith.constant 0 : i32
      %mul3A_365 = vector.broadcast %mul3A_364 : i32 to vector<16xi32>
      %mul3A_366 = arith.muli %iota3A_363, %mul3A_365 : vector<16xi32>
      %add3A_367 = arith.constant 1 : i32
      %add3A_368 = vector.broadcast %add3A_367 : i32 to vector<16xi32>
      %add3A_369 = arith.addi %mul3A_366, %add3A_368 : vector<16xi32>
      %iota3A_370 = tpu.iota {dimensions = array<i32: 0>} : vector<16xi32>
      %mul3A_371 = arith.constant 0 : i32
      %mul3A_372 = vector.broadcast %mul3A_371 : i32 to vector<16xi32>
      %mul3A_373 = arith.muli %iota3A_370, %mul3A_372 : vector<16xi32>
      %add3A_374 = arith.constant 2 : i32
      %add3A_375 = vector.broadcast %add3A_374 : i32 to vector<16xi32>
      %add3A_376 = arith.addi %mul3A_373, %add3A_375 : vector<16xi32>
      %iota3A_377 = tpu.iota {dimensions = array<i32: 0>} : vector<16xi32>
      %mul3A_378 = arith.constant 0 : i32
      %mul3A_379 = vector.broadcast %mul3A_378 : i32 to vector<16xi32>
      %mul3A_380 = arith.muli %iota3A_377, %mul3A_379 : vector<16xi32>
      %add3A_381 = arith.constant 3 : i32
      %add3A_382 = vector.broadcast %add3A_381 : i32 to vector<16xi32>
      %add3A_383 = arith.addi %mul3A_380, %add3A_382 : vector<16xi32>
      %iota3A_384 = tpu.iota {dimensions = array<i32: 0>} : vector<16xi32>
      %mul3A_385 = arith.constant 0 : i32
      %mul3A_386 = vector.broadcast %mul3A_385 : i32 to vector<16xi32>
      %mul3A_387 = arith.muli %iota3A_384, %mul3A_386 : vector<16xi32>
      %add3A_388 = arith.constant 4 : i32
      %add3A_389 = vector.broadcast %add3A_388 : i32 to vector<16xi32>
      %add3A_390 = arith.addi %mul3A_387, %add3A_389 : vector<16xi32>
      %iota3A_391 = tpu.iota {dimensions = array<i32: 0>} : vector<16xi32>
      %mul3A_392 = arith.constant 0 : i32
      %mul3A_393 = vector.broadcast %mul3A_392 : i32 to vector<16xi32>
      %mul3A_394 = arith.muli %iota3A_391, %mul3A_393 : vector<16xi32>
      %add3A_395 = arith.constant 5 : i32
      %add3A_396 = vector.broadcast %add3A_395 : i32 to vector<16xi32>
      %add3A_397 = arith.addi %mul3A_394, %add3A_396 : vector<16xi32>
      %iota3A_398 = tpu.iota {dimensions = array<i32: 0>} : vector<16xi32>
      %mul3A_399 = arith.constant 0 : i32
      %mul3A_400 = vector.broadcast %mul3A_399 : i32 to vector<16xi32>
      %mul3A_401 = arith.muli %iota3A_398, %mul3A_400 : vector<16xi32>
      %add3A_402 = arith.constant 6 : i32
      %add3A_403 = vector.broadcast %add3A_402 : i32 to vector<16xi32>
      %add3A_404 = arith.addi %mul3A_401, %add3A_403 : vector<16xi32>
      %iota3A_405 = tpu.iota {dimensions = array<i32: 0>} : vector<16xi32>
      %mul3A_406 = arith.constant 0 : i32
      %mul3A_407 = vector.broadcast %mul3A_406 : i32 to vector<16xi32>
      %mul3A_408 = arith.muli %iota3A_405, %mul3A_407 : vector<16xi32>
      %add3A_409 = arith.constant 7 : i32
      %add3A_410 = vector.broadcast %add3A_409 : i32 to vector<16xi32>
      %add3A_411 = arith.addi %mul3A_408, %add3A_410 : vector<16xi32>
      %iota3A_412 = tpu.iota {dimensions = array<i32: 0>} : vector<16xi32>
      %mul3A_413 = arith.constant 0 : i32
      %mul3A_414 = vector.broadcast %mul3A_413 : i32 to vector<16xi32>
      %mul3A_415 = arith.muli %iota3A_412, %mul3A_414 : vector<16xi32>
      %add3A_416 = arith.constant 8 : i32
      %add3A_417 = vector.broadcast %add3A_416 : i32 to vector<16xi32>
      %add3A_418 = arith.addi %mul3A_415, %add3A_417 : vector<16xi32>
      %iota3A_419 = tpu.iota {dimensions = array<i32: 0>} : vector<16xi32>
      %mul3A_420 = arith.constant 0 : i32
      %mul3A_421 = vector.broadcast %mul3A_420 : i32 to vector<16xi32>
      %mul3A_422 = arith.muli %iota3A_419, %mul3A_421 : vector<16xi32>
      %add3A_423 = arith.constant 9 : i32
      %add3A_424 = vector.broadcast %add3A_423 : i32 to vector<16xi32>
      %add3A_425 = arith.addi %mul3A_422, %add3A_424 : vector<16xi32>
      %iota3A_426 = tpu.iota {dimensions = array<i32: 0>} : vector<16xi32>
      %mul3A_427 = arith.constant 0 : i32
      %mul3A_428 = vector.broadcast %mul3A_427 : i32 to vector<16xi32>
      %mul3A_429 = arith.muli %iota3A_426, %mul3A_428 : vector<16xi32>
      %add3A_430 = arith.constant 10 : i32
      %add3A_431 = vector.broadcast %add3A_430 : i32 to vector<16xi32>
      %add3A_432 = arith.addi %mul3A_429, %add3A_431 : vector<16xi32>
      %iota3A_433 = tpu.iota {dimensions = array<i32: 0>} : vector<16xi32>
      %mul3A_434 = arith.constant 0 : i32
      %mul3A_435 = vector.broadcast %mul3A_434 : i32 to vector<16xi32>
      %mul3A_436 = arith.muli %iota3A_433, %mul3A_435 : vector<16xi32>
      %add3A_437 = arith.constant 11 : i32
      %add3A_438 = vector.broadcast %add3A_437 : i32 to vector<16xi32>
      %add3A_439 = arith.addi %mul3A_436, %add3A_438 : vector<16xi32>
      %iota3A_440 = tpu.iota {dimensions = array<i32: 0>} : vector<16xi32>
      %mul3A_441 = arith.constant 0 : i32
      %mul3A_442 = vector.broadcast %mul3A_441 : i32 to vector<16xi32>
      %mul3A_443 = arith.muli %iota3A_440, %mul3A_442 : vector<16xi32>
      %add3A_444 = arith.constant 12 : i32
      %add3A_445 = vector.broadcast %add3A_444 : i32 to vector<16xi32>
      %add3A_446 = arith.addi %mul3A_443, %add3A_445 : vector<16xi32>
      %iota3A_447 = tpu.iota {dimensions = array<i32: 0>} : vector<16xi32>
      %mul3A_448 = arith.constant 0 : i32
      %mul3A_449 = vector.broadcast %mul3A_448 : i32 to vector<16xi32>
      %mul3A_450 = arith.muli %iota3A_447, %mul3A_449 : vector<16xi32>
      %add3A_451 = arith.constant 13 : i32
      %add3A_452 = vector.broadcast %add3A_451 : i32 to vector<16xi32>
      %add3A_453 = arith.addi %mul3A_450, %add3A_452 : vector<16xi32>
      %iota3A_454 = tpu.iota {dimensions = array<i32: 0>} : vector<16xi32>
      %mul3A_455 = arith.constant 0 : i32
      %mul3A_456 = vector.broadcast %mul3A_455 : i32 to vector<16xi32>
      %mul3A_457 = arith.muli %iota3A_454, %mul3A_456 : vector<16xi32>
      %add3A_458 = arith.constant 14 : i32
      %add3A_459 = vector.broadcast %add3A_458 : i32 to vector<16xi32>
      %add3A_460 = arith.addi %mul3A_457, %add3A_459 : vector<16xi32>
      %iota3A_461 = tpu.iota {dimensions = array<i32: 0>} : vector<16xi32>
      %mul3A_462 = arith.constant 0 : i32
      %mul3A_463 = vector.broadcast %mul3A_462 : i32 to vector<16xi32>
      %mul3A_464 = arith.muli %iota3A_461, %mul3A_463 : vector<16xi32>
      %add3A_465 = arith.constant 15 : i32
      %add3A_466 = vector.broadcast %add3A_465 : i32 to vector<16xi32>
      %add3A_467 = arith.addi %mul3A_464, %add3A_466 : vector<16xi32>
      %parallel_loop3A_468 = arith.constant 0 : i32
      %parallel_loop3A_469 = arith.constant 64 : i32
      %parallel_loop3A_470 = arith.constant 1 : i32
      scf.for %parallel_loop3A_493 = %parallel_loop3A_468 to %parallel_loop3A_469 step %parallel_loop3A_470  : i32 {
        %parallel_loop3A_494 = arith.constant 16 : i32
        %parallel_loop3A_495 = arith.muli %parallel_loop3A_493, %parallel_loop3A_494 : i32
        %parallel_loop3A_496 = arith.index_cast %parallel_loop3A_495 : i32 to index
        %parallel_loop3A_497 = tpu.vector_load %arg13[%parallel_loop3A_496] {strides = array<i32>} : memref<1024xi32, #tpu.memory_space<vmem>>, vector<16xi32>,
        %parallel_loop3A_498 = arith.constant 16 : i32
        %parallel_loop3A_499 = arith.muli %parallel_loop3A_493, %parallel_loop3A_498 : i32
        %parallel_loop3A_500 = tpu.iota {dimensions = array<i32: 0>} : vector<16xi32>
        %parallel_loop3A_501 = vector.broadcast %parallel_loop3A_499 : i32 to vector<16xi32>
        %parallel_loop3A_502 = arith.addi %parallel_loop3A_501, %parallel_loop3A_500 : vector<16xi32>
        %parallel_loop3A_503 = arith.constant 0 : i32
        %parallel_loop3A_504 = vector.broadcast %parallel_loop3A_503 : i32 to vector<16xi32>
        %parallel_loop3A_505 = arith.addi %parallel_loop3A_497, %parallel_loop3A_504 : vector<16xi32>
        %parallel_loop3A_506 = tpu.vector_load_idx %arg14[%parallel_loop3A_505] : memref<65552xf32, #tpu.memory_space<vmem>>[vector<16xi32>], vector<16xf32>,
        tpu.vector_store_idx %arg16[%add3A_362, %parallel_loop3A_502], %parallel_loop3A_506 : memref<16x1024xf32, #tpu.memory_space<vmem>>[vector<16xi32>, vector<16xi32>], vector<16xf32>,
        %parallel_loop3A_507 = arith.constant 4097 : i32
        %parallel_loop3A_508 = vector.broadcast %parallel_loop3A_507 : i32 to vector<16xi32>
        %parallel_loop3A_509 = arith.addi %parallel_loop3A_497, %parallel_loop3A_508 : vector<16xi32>
        %parallel_loop3A_510 = tpu.vector_load_idx %arg14[%parallel_loop3A_509] : memref<65552xf32, #tpu.memory_space<vmem>>[vector<16xi32>], vector<16xf32>,
        tpu.vector_store_idx %arg16[%add3A_369, %parallel_loop3A_502], %parallel_loop3A_510 : memref<16x1024xf32, #tpu.memory_space<vmem>>[vector<16xi32>, vector<16xi32>], vector<16xf32>,
        %parallel_loop3A_511 = arith.constant 8194 : i32
        %parallel_loop3A_512 = vector.broadcast %parallel_loop3A_511 : i32 to vector<16xi32>
        %parallel_loop3A_513 = arith.addi %parallel_loop3A_497, %parallel_loop3A_512 : vector<16xi32>
        %parallel_loop3A_514 = tpu.vector_load_idx %arg14[%parallel_loop3A_513] : memref<65552xf32, #tpu.memory_space<vmem>>[vector<16xi32>], vector<16xf32>,
        tpu.vector_store_idx %arg16[%add3A_376, %parallel_loop3A_502], %parallel_loop3A_514 : memref<16x1024xf32, #tpu.memory_space<vmem>>[vector<16xi32>, vector<16xi32>], vector<16xf32>,
        %parallel_loop3A_515 = arith.constant 12291 : i32
        %parallel_loop3A_516 = vector.broadcast %parallel_loop3A_515 : i32 to vector<16xi32>
        %parallel_loop3A_517 = arith.addi %parallel_loop3A_497, %parallel_loop3A_516 : vector<16xi32>
        %parallel_loop3A_518 = tpu.vector_load_idx %arg14[%parallel_loop3A_517] : memref<65552xf32, #tpu.memory_space<vmem>>[vector<16xi32>], vector<16xf32>,
        tpu.vector_store_idx %arg16[%add3A_383, %parallel_loop3A_502], %parallel_loop3A_518 : memref<16x1024xf32, #tpu.memory_space<vmem>>[vector<16xi32>, vector<16xi32>], vector<16xf32>,
        %parallel_loop3A_519 = arith.constant 16388 : i32
        %parallel_loop3A_520 = vector.broadcast %parallel_loop3A_519 : i32 to vector<16xi32>
        %parallel_loop3A_521 = arith.addi %parallel_loop3A_497, %parallel_loop3A_520 : vector<16xi32>
        %parallel_loop3A_522 = tpu.vector_load_idx %arg14[%parallel_loop3A_521] : memref<65552xf32, #tpu.memory_space<vmem>>[vector<16xi32>], vector<16xf32>,
        tpu.vector_store_idx %arg16[%add3A_390, %parallel_loop3A_502], %parallel_loop3A_522 : memref<16x1024xf32, #tpu.memory_space<vmem>>[vector<16xi32>, vector<16xi32>], vector<16xf32>,
        %parallel_loop3A_523 = arith.constant 20485 : i32
        %parallel_loop3A_524 = vector.broadcast %parallel_loop3A_523 : i32 to vector<16xi32>
        %parallel_loop3A_525 = arith.addi %parallel_loop3A_497, %parallel_loop3A_524 : vector<16xi32>
        %parallel_loop3A_526 = tpu.vector_load_idx %arg14[%parallel_loop3A_525] : memref<65552xf32, #tpu.memory_space<vmem>>[vector<16xi32>], vector<16xf32>,
        tpu.vector_store_idx %arg16[%add3A_397, %parallel_loop3A_502], %parallel_loop3A_526 : memref<16x1024xf32, #tpu.memory_space<vmem>>[vector<16xi32>, vector<16xi32>], vector<16xf32>,
        %parallel_loop3A_527 = arith.constant 24582 : i32
        %parallel_loop3A_528 = vector.broadcast %parallel_loop3A_527 : i32 to vector<16xi32>
        %parallel_loop3A_529 = arith.addi %parallel_loop3A_497, %parallel_loop3A_528 : vector<16xi32>
        %parallel_loop3A_530 = tpu.vector_load_idx %arg14[%parallel_loop3A_529] : memref<65552xf32, #tpu.memory_space<vmem>>[vector<16xi32>], vector<16xf32>,
        tpu.vector_store_idx %arg16[%add3A_404, %parallel_loop3A_502], %parallel_loop3A_530 : memref<16x1024xf32, #tpu.memory_space<vmem>>[vector<16xi32>, vector<16xi32>], vector<16xf32>,
        %parallel_loop3A_531 = arith.constant 28679 : i32
        %parallel_loop3A_532 = vector.broadcast %parallel_loop3A_531 : i32 to vector<16xi32>
        %parallel_loop3A_533 = arith.addi %parallel_loop3A_497, %parallel_loop3A_532 : vector<16xi32>
        %parallel_loop3A_534 = tpu.vector_load_idx %arg14[%parallel_loop3A_533] : memref<65552xf32, #tpu.memory_space<vmem>>[vector<16xi32>], vector<16xf32>,
        tpu.vector_store_idx %arg16[%add3A_411, %parallel_loop3A_502], %parallel_loop3A_534 : memref<16x1024xf32, #tpu.memory_space<vmem>>[vector<16xi32>, vector<16xi32>], vector<16xf32>,
        %parallel_loop3A_535 = arith.constant 32776 : i32
        %parallel_loop3A_536 = vector.broadcast %parallel_loop3A_535 : i32 to vector<16xi32>
        %parallel_loop3A_537 = arith.addi %parallel_loop3A_497, %parallel_loop3A_536 : vector<16xi32>
        %parallel_loop3A_538 = tpu.vector_load_idx %arg14[%parallel_loop3A_537] : memref<65552xf32, #tpu.memory_space<vmem>>[vector<16xi32>], vector<16xf32>,
        tpu.vector_store_idx %arg16[%add3A_418, %parallel_loop3A_502], %parallel_loop3A_538 : memref<16x1024xf32, #tpu.memory_space<vmem>>[vector<16xi32>, vector<16xi32>], vector<16xf32>,
        %parallel_loop3A_539 = arith.constant 36873 : i32
        %parallel_loop3A_540 = vector.broadcast %parallel_loop3A_539 : i32 to vector<16xi32>
        %parallel_loop3A_541 = arith.addi %parallel_loop3A_497, %parallel_loop3A_540 : vector<16xi32>
        %parallel_loop3A_542 = tpu.vector_load_idx %arg14[%parallel_loop3A_541] : memref<65552xf32, #tpu.memory_space<vmem>>[vector<16xi32>], vector<16xf32>,
        tpu.vector_store_idx %arg16[%add3A_425, %parallel_loop3A_502], %parallel_loop3A_542 : memref<16x1024xf32, #tpu.memory_space<vmem>>[vector<16xi32>, vector<16xi32>], vector<16xf32>,
        %parallel_loop3A_543 = arith.constant 40970 : i32
        %parallel_loop3A_544 = vector.broadcast %parallel_loop3A_543 : i32 to vector<16xi32>
        %parallel_loop3A_545 = arith.addi %parallel_loop3A_497, %parallel_loop3A_544 : vector<16xi32>
        %parallel_loop3A_546 = tpu.vector_load_idx %arg14[%parallel_loop3A_545] : memref<65552xf32, #tpu.memory_space<vmem>>[vector<16xi32>], vector<16xf32>,
        tpu.vector_store_idx %arg16[%add3A_432, %parallel_loop3A_502], %parallel_loop3A_546 : memref<16x1024xf32, #tpu.memory_space<vmem>>[vector<16xi32>, vector<16xi32>], vector<16xf32>,
        %parallel_loop3A_547 = arith.constant 45067 : i32
        %parallel_loop3A_548 = vector.broadcast %parallel_loop3A_547 : i32 to vector<16xi32>
        %parallel_loop3A_549 = arith.addi %parallel_loop3A_497, %parallel_loop3A_548 : vector<16xi32>
        %parallel_loop3A_550 = tpu.vector_load_idx %arg14[%parallel_loop3A_549] : memref<65552xf32, #tpu.memory_space<vmem>>[vector<16xi32>], vector<16xf32>,
        tpu.vector_store_idx %arg16[%add3A_439, %parallel_loop3A_502], %parallel_loop3A_550 : memref<16x1024xf32, #tpu.memory_space<vmem>>[vector<16xi32>, vector<16xi32>], vector<16xf32>,
        %parallel_loop3A_551 = arith.constant 49164 : i32
        %parallel_loop3A_552 = vector.broadcast %parallel_loop3A_551 : i32 to vector<16xi32>
        %parallel_loop3A_553 = arith.addi %parallel_loop3A_497, %parallel_loop3A_552 : vector<16xi32>
        %parallel_loop3A_554 = tpu.vector_load_idx %arg14[%parallel_loop3A_553] : memref<65552xf32, #tpu.memory_space<vmem>>[vector<16xi32>], vector<16xf32>,
        tpu.vector_store_idx %arg16[%add3A_446, %parallel_loop3A_502], %parallel_loop3A_554 : memref<16x1024xf32, #tpu.memory_space<vmem>>[vector<16xi32>, vector<16xi32>], vector<16xf32>,
        %parallel_loop3A_555 = arith.constant 53261 : i32
        %parallel_loop3A_556 = vector.broadcast %parallel_loop3A_555 : i32 to vector<16xi32>
        %parallel_loop3A_557 = arith.addi %parallel_loop3A_497, %parallel_loop3A_556 : vector<16xi32>
        %parallel_loop3A_558 = tpu.vector_load_idx %arg14[%parallel_loop3A_557] : memref<65552xf32, #tpu.memory_space<vmem>>[vector<16xi32>], vector<16xf32>,
        tpu.vector_store_idx %arg16[%add3A_453, %parallel_loop3A_502], %parallel_loop3A_558 : memref<16x1024xf32, #tpu.memory_space<vmem>>[vector<16xi32>, vector<16xi32>], vector<16xf32>,
        %parallel_loop3A_559 = arith.constant 57358 : i32
        %parallel_loop3A_560 = vector.broadcast %parallel_loop3A_559 : i32 to vector<16xi32>
        %parallel_loop3A_561 = arith.addi %parallel_loop3A_497, %parallel_loop3A_560 : vector<16xi32>
        %parallel_loop3A_562 = tpu.vector_load_idx %arg14[%parallel_loop3A_561] : memref<65552xf32, #tpu.memory_space<vmem>>[vector<16xi32>], vector<16xf32>,
        tpu.vector_store_idx %arg16[%add3A_460, %parallel_loop3A_502], %parallel_loop3A_562 : memref<16x1024xf32, #tpu.memory_space<vmem>>[vector<16xi32>, vector<16xi32>], vector<16xf32>,
        %parallel_loop3A_563 = arith.constant 61455 : i32
        %parallel_loop3A_564 = vector.broadcast %parallel_loop3A_563 : i32 to vector<16xi32>
        %parallel_loop3A_565 = arith.addi %parallel_loop3A_497, %parallel_loop3A_564 : vector<16xi32>
        %parallel_loop3A_566 = tpu.vector_load_idx %arg14[%parallel_loop3A_565] : memref<65552xf32, #tpu.memory_space<vmem>>[vector<16xi32>], vector<16xf32>,
        tpu.vector_store_idx %arg16[%add3A_467, %parallel_loop3A_502], %parallel_loop3A_566 : memref<16x1024xf32, #tpu.memory_space<vmem>>[vector<16xi32>, vector<16xi32>], vector<16xf32>,
      } {sc.loop_unroll_factor = 2 : i64, sc.parallel_access}
      %dma_start3A_471 = arith.constant 0 : i32
      %dma_start3A_472 = arith.constant 0 : i32
      %dma_start3A_473 = tpu.memref_slice %arg5[%select_n3A_129, %select_n3A_130, %dma_start3A_471, %dma_start3A_472] : memref<50x50x16x1024xf32, #tpu.memory_space<hbm>> -> memref<1x1x16x1024xf32, #tpu.memory_space<hbm>>
      %dma_start3A_474 = tpu.memref_squeeze %dma_start3A_473 : memref<1x1x16x1024xf32, #tpu.memory_space<hbm>> -> memref<16x1024xf32, #tpu.memory_space<hbm>>
      %dma_start3A_475 = arith.constant 0 : i32
      %dma_start3A_476 = arith.constant 0 : i32
      %dma_start3A_477 = tpu.memref_slice %arg5[%select_n3A_129, %select_n3A_130, %dma_start3A_475, %dma_start3A_476] : memref<50x50x16x1024xf32, #tpu.memory_space<hbm>> -> memref<1x1x16x1024xf32, #tpu.memory_space<hbm>>
      %dma_start3A_478 = tpu.memref_squeeze %dma_start3A_477 : memref<1x1x16x1024xf32, #tpu.memory_space<hbm>> -> memref<16x1024xf32, #tpu.memory_space<hbm>>
      tpu.enqueue_dma source(%arg16 : memref<16x1024xf32, #tpu.memory_space<vmem>>) target(%dma_start3A_478 : memref<16x1024xf32, #tpu.memory_space<hbm>>) target_semaphore(%arg21 : memref<!tpu.dma_semaphore, #tpu.memory_space<semaphore_mem>>)
      %dma_wait3A_479 = arith.constant 0 : i32
      %dma_wait3A_480 = tpu.memref_slice %arg3[%dma_wait3A_479] : memref<16777216xi32, #tpu.memory_space<hbm>> -> memref<16777216xi32, #tpu.memory_space<hbm>>
      tpu.wait_indirect_dma semaphore(%arg17 : memref<!tpu.dma_semaphore, #tpu.memory_space<semaphore_mem>>) src(%dma_wait3A_480 : memref<16777216xi32, #tpu.memory_space<hbm>>) dst(%arg12 : memref<1024xi32, #tpu.memory_space<vmem>>)
      %dma_wait3A_481 = arith.constant 0 : i32
      %dma_wait3A_482 = tpu.memref_slice %arg2[%select_n3A_161, %dma_wait3A_481] : memref<64x1024xi32, #tpu.memory_space<hbm>> -> memref<1x1024xi32, #tpu.memory_space<hbm>>
      %dma_wait3A_483 = tpu.memref_squeeze %dma_wait3A_482 : memref<1x1024xi32, #tpu.memory_space<hbm>> -> memref<1024xi32, #tpu.memory_space<hbm>>
      %dma_wait3A_484 = arith.constant 0 : i32
      %dma_wait3A_485 = tpu.memref_slice %arg2[%select_n3A_161, %dma_wait3A_484] : memref<64x1024xi32, #tpu.memory_space<hbm>> -> memref<1x1024xi32, #tpu.memory_space<hbm>>
      %dma_wait3A_486 = tpu.memref_squeeze %dma_wait3A_485 : memref<1x1024xi32, #tpu.memory_space<hbm>> -> memref<1024xi32, #tpu.memory_space<hbm>>
      tpu.wait_dma2 semaphore(%arg19 : memref<!tpu.dma_semaphore, #tpu.memory_space<semaphore_mem>>) src(%dma_wait3A_486 : memref<1024xi32, #tpu.memory_space<hbm>>) dst(%arg8 : memref<1024xi32, #tpu.memory_space<vmem>>)
      %dma_wait3A_487 = arith.constant 0 : i32
      %dma_wait3A_488 = tpu.memref_slice %arg2[%select_n3A_162, %dma_wait3A_487] : memref<64x1024xi32, #tpu.memory_space<hbm>> -> memref<1x1024xi32, #tpu.memory_space<hbm>>
      %dma_wait3A_489 = tpu.memref_squeeze %dma_wait3A_488 : memref<1x1024xi32, #tpu.memory_space<hbm>> -> memref<1024xi32, #tpu.memory_space<hbm>>
      %dma_wait3A_490 = arith.constant 0 : i32
      %dma_wait3A_491 = tpu.memref_slice %arg2[%select_n3A_162, %dma_wait3A_490] : memref<64x1024xi32, #tpu.memory_space<hbm>> -> memref<1x1024xi32, #tpu.memory_space<hbm>>
      %dma_wait3A_492 = tpu.memref_squeeze %dma_wait3A_491 : memref<1x1024xi32, #tpu.memory_space<hbm>> -> memref<1024xi32, #tpu.memory_space<hbm>>
      tpu.wait_dma2 semaphore(%arg19 : memref<!tpu.dma_semaphore, #tpu.memory_space<semaphore_mem>>) src(%dma_wait3A_492 : memref<1024xi32, #tpu.memory_space<hbm>>) dst(%arg9 : memref<1024xi32, #tpu.memory_space<vmem>>)
      scf.yield %select_n3A_145, %select_n3A_146, %select_n3A_149 : i32, i32, i32
    }
    %scan3A_94 = arith.constant 40 : i32
    %dma_wait3A_95 = arith.constant 0 : i32
    %dma_wait3A_96 = arith.constant 0 : i32
    %dma_wait3A_97 = arith.constant 0 : i32
    %dma_wait3A_98 = arith.constant 0 : i32
    %dma_wait3A_99 = tpu.memref_slice %arg5[%dma_wait3A_95, %dma_wait3A_96, %dma_wait3A_97, %dma_wait3A_98] : memref<50x50x16x1024xf32, #tpu.memory_space<hbm>> -> memref<1x1x16x1024xf32, #tpu.memory_space<hbm>>
    %dma_wait3A_100 = tpu.memref_squeeze %dma_wait3A_99 : memref<1x1x16x1024xf32, #tpu.memory_space<hbm>> -> memref<16x1024xf32, #tpu.memory_space<hbm>>
    %dma_wait3A_101 = arith.constant 0 : i32
    %dma_wait3A_102 = arith.constant 0 : i32
    %dma_wait3A_103 = tpu.memref_slice %arg5[%dma_wait3A_95, %dma_wait3A_96, %dma_wait3A_101, %dma_wait3A_102] : memref<50x50x16x1024xf32, #tpu.memory_space<hbm>> -> memref<1x1x16x1024xf32, #tpu.memory_space<hbm>>
    %dma_wait3A_104 = tpu.memref_squeeze %dma_wait3A_103 : memref<1x1x16x1024xf32, #tpu.memory_space<hbm>> -> memref<16x1024xf32, #tpu.memory_space<hbm>>
    tpu.wait_dma2 semaphore(%arg20 : memref<!tpu.dma_semaphore, #tpu.memory_space<semaphore_mem>>) src(%arg15 : memref<16x1024xf32, #tpu.memory_space<vmem>>) dst(%dma_wait3A_104 : memref<16x1024xf32, #tpu.memory_space<hbm>>)
    %dma_wait3A_105 = arith.constant 0 : i32
    %dma_wait3A_106 = arith.constant 0 : i32
    %dma_wait3A_107 = arith.constant 0 : i32
    %dma_wait3A_108 = arith.constant 0 : i32
    %dma_wait3A_109 = tpu.memref_slice %arg5[%dma_wait3A_105, %dma_wait3A_106, %dma_wait3A_107, %dma_wait3A_108] : memref<50x50x16x1024xf32, #tpu.memory_space<hbm>> -> memref<1x1x16x1024xf32, #tpu.memory_space<hbm>>
    %dma_wait3A_110 = tpu.memref_squeeze %dma_wait3A_109 : memref<1x1x16x1024xf32, #tpu.memory_space<hbm>> -> memref<16x1024xf32, #tpu.memory_space<hbm>>
    %dma_wait3A_111 = arith.constant 0 : i32
    %dma_wait3A_112 = arith.constant 0 : i32
    %dma_wait3A_113 = tpu.memref_slice %arg5[%dma_wait3A_105, %dma_wait3A_106, %dma_wait3A_111, %dma_wait3A_112] : memref<50x50x16x1024xf32, #tpu.memory_space<hbm>> -> memref<1x1x16x1024xf32, #tpu.memory_space<hbm>>
    %dma_wait3A_114 = tpu.memref_squeeze %dma_wait3A_113 : memref<1x1x16x1024xf32, #tpu.memory_space<hbm>> -> memref<16x1024xf32, #tpu.memory_space<hbm>>
    tpu.wait_dma2 semaphore(%arg21 : memref<!tpu.dma_semaphore, #tpu.memory_space<semaphore_mem>>) src(%arg16 : memref<16x1024xf32, #tpu.memory_space<vmem>>) dst(%dma_wait3A_114 : memref<16x1024xf32, #tpu.memory_space<hbm>>)
    return
  }
}

</mosaic_0001>

<sc_bundles>
// kernel: kernel.3.cloned.1.call-start
scs
__scs_entry_jumppad:
0x0: {  	(pc) =	sbr.rel $0x88, $3  }
0x1: {  	(tag) =	ssettag $0x0;
	lr =	simm.s32 $0x1  }
0x2: {  	[smem:$0x3F9E] =	sst lr;
	_ =	strace $0xD0000000  }
0x3: {  	_ = 	snop  }
0x4: {  	_ = 	snop  }
0x5: {  	_ = 	snop  }
0x6: {  	_ = 	snop  }
0x7: {  	_ = 	snop  }
__scs_overlays_trampoline_lowered:
0x8: {  	[smem:$0x3FAD] =	sst s0  }
0x9: {  	[smem:$0x3FAE] =	sst s1  }
0xa: {  	[smem:$0x3FAF] =	sst s2  }
0xb: {  	[smem:$0x3FB0] =	sst s3  }
0xc: {  	[smem:$0x3FB1] =	sst s4  }
0xd: {  	[smem:$0x3FB2] =	sst s5  }
0xe: {  	[smem:$0x3FB3] =	sst s6  }
0xf: {  	[smem:$0x3FB4] =	sst s7  }
0x10: {  	[smem:$0x3FB5] =	sst s8  }
0x11: {  	[smem:$0x3FB6] =	sst s9;
	s0 =	simm.s32 @!p0 $0x0  }
0x12: {  	s1 =	sld [smem:$0x3F9C];
	s0 =	simm.s32 @p0 $0x1  }
0x13: {  	[smem:$0x3FB7] =	sst s0;
	s0 =	simm.s32 @!p1 $0x0  }
0x14: {  	s2 =	sld [smem:$0x3F9B];
	s0 =	simm.s32 @p1 $0x1  }
0x15: {  	[smem:$0x3FB8] =	sst s0;
	s0 =	simm.s32 @!p2 $0x0  }
0x16: {  	s3 =	sld [smem:$0x3FDB];
	s0 =	simm.s32 @p2 $0x1  }
0x17: {  	s4 =	simm.s32 $0x1BF5;
	[smem:$0x3FBA] =	sst s0  }
0x18: {  	s0 =	sld [smem:$0x3F9D];
	_ =	swait.ge [sflag:s4], $0x0  }
0x19: {  	s7 =	sld [smem:$0x3F9E]  }
0x1a: {  	s8 =	sadd.s32 $0xFFFFE003, lr  }
0x1b: {  	s9 =	sadd.s32 $0xFFFFFEF7, lr;
	s5 =	simm.s32 $0xFFFFFFFF;
	p2 =	slt.u32 s8, $0xFFFFF086  }
0x1c: {  	p1 =	slt.u32 s9, $0xF7A;
	s5 =	simm.s32 @!p2 $0x0  }
0x1d: {  	s5 =	simm.s32 @p1 $0x1;
	p0 =	seq.s32 s7, s2  }
0x1e: {  	s7 =	smul.u32 @!p0 $0xF7A, s2;
	p2 =	seq.s32 @!p0 s5, $0x0  }
0x1f: {  	s9 =	smul.u32 $0xF7A, s1;
	s8 =	simm.s32 @!p0 $0x1BF5;
	p2 =	por !p2, p0  }
0x20: {  	[sflag:s8] =	ssyncset.s32 @!p0 $0xFFFFF086;
	s6 =	sadd.s32 @!p0 s3, s7;
	s7 =	simm.s32 @!p0 $0x108  }
0x21: {  	s3 =	sadd.s32 s3, s9;
	s6 =	sadd.s32 @!p0 $0x88, s6;
	s7 =	simm.s32 @p2 $0x1082  }
0x22: {  	[simem:s7], [sflag:s8] =	dma.local @!p0 [hbm:s6], $0xF7A  }
0x23: {  	s9 =	sor.u32 $0xD0000000, s2;
	s6 =	simm.s32 $0x108;
	_ =	swait.ge @!p0 [sflag:s8], $0x0  }
0x24: {  	s3 =	sadd.s32 $0x88, s3;
	s6 =	simm.s32 @!p1 $0x1082;
	[sflag:s4] =	ssyncset.s32 $0xFFFFF086  }
0x25: {  	[simem:s6], [sflag:s4] =	dma.local [hbm:s3], $0xF7A  }
0x26: {  	[smem:$0x3F9E] =	sst s1;
	(tag) =	ssettag s2;
	_ =	strace s9  }
0x27: {  	s1 =	sld [smem:$0x3FAE]  }
0x28: {  	s2 =	sld [smem:$0x3FAF]  }
0x29: {  	s4 =	sld [smem:$0x3FB1]  }
0x2a: {  	p0 =	seq.s32 s5, $0x0;
	s5 =	sld [smem:$0x3FB2]  }
0x2b: {  	s6 =	sld [smem:$0x3FB3]  }
0x2c: {  	s7 =	sld [smem:$0x3FB4]  }
0x2d: {  	s3 =	simm.s32 $0x108;
	s8 =	sld [smem:$0x3FB5]  }
0x2e: {  	s3 =	simm.s32 @!p0 $0x1082;
	s9 =	sld [smem:$0x3FB6]  }
0x2f: {  	lr =	sadd.s32 s0, s3;
	s0 =	sld [smem:$0x3FAD]  }
0x30: {  	s3 =	sld [smem:$0x3FB0]  }
0x31: {  	[smem:$0x3FB9] =	sst s10  }
0x32: {  	s10 =	sld [smem:$0x3FB7];
	_ =	sdelay $0x3  }
0x33: {  	p0 =	seq.s32 s10, $0x1;
	s10 =	sld [smem:$0x3FB9];
	_ =	sdelay $0x3  }
0x34: {  	[smem:$0x3FB9] =	sst s10  }
0x35: {  	s10 =	sld [smem:$0x3FB8];
	_ =	sdelay $0x3  }
0x36: {  	p1 =	seq.s32 s10, $0x1;
	s10 =	sld [smem:$0x3FB9];
	_ =	sdelay $0x3  }
0x37: {  	[smem:$0x3FB9] =	sst s10  }
0x38: {  	s10 =	sld [smem:$0x3FBA]  }
0x39: {  	_ = 	snop;
	(pc) =	sbr.ind lr, $3  }
0x3a: {  	_ = 	snop  }
0x3b: {  	_ = 	snop  }
0x3c: {  	p2 =	seq.s32 s10, $0x1;
	s10 =	sld [smem:$0x3FB9]  }
0x3d: {  	_ =	shalt  }
0x3e: {  	_ =	shalt  }
0x3f: {  	_ =	shalt  }
0x40: {  	_ =	shalt  }
0x41: {  	_ =	shalt  }
0x42: {  	_ =	shalt  }
0x43: {  	_ =	shalt  }
0x44: {  	_ =	shalt  }
0x45: {  	_ =	shalt  }
0x46: {  	_ =	shalt  }
0x47: {  	_ =	shalt  }
0x48: {  	_ =	shalt  }
0x49: {  	_ =	shalt  }
0x4a: {  	_ =	shalt  }
0x4b: {  	_ =	shalt  }
0x4c: {  	_ =	shalt  }
0x4d: {  	_ =	shalt  }
0x4e: {  	_ =	shalt  }
0x4f: {  	_ =	shalt  }
0x50: {  	_ =	shalt  }
0x51: {  	_ =	shalt  }
0x52: {  	_ =	shalt  }
0x53: {  	_ =	shalt  }
0x54: {  	_ =	shalt  }
0x55: {  	_ =	shalt  }
0x56: {  	_ =	shalt  }
0x57: {  	_ =	shalt  }
0x58: {  	_ =	shalt  }
0x59: {  	_ =	shalt  }
0x5a: {  	_ =	shalt  }
0x5b: {  	_ =	shalt  }
0x5c: {  	_ =	shalt  }
0x5d: {  	_ =	shalt  }
0x5e: {  	_ =	shalt  }
0x5f: {  	_ =	shalt  }
0x60: {  	_ =	shalt  }
0x61: {  	_ =	shalt  }
0x62: {  	_ =	shalt  }
0x63: {  	_ =	shalt  }
0x64: {  	_ =	shalt  }
0x65: {  	_ =	shalt  }
0x66: {  	_ =	shalt  }
0x67: {  	_ =	shalt  }
0x68: {  	_ =	shalt  }
0x69: {  	_ =	shalt  }
0x6a: {  	_ =	shalt  }
0x6b: {  	_ =	shalt  }
0x6c: {  	_ =	shalt  }
0x6d: {  	_ =	shalt  }
0x6e: {  	_ =	shalt  }
0x6f: {  	_ =	shalt  }
0x70: {  	_ =	shalt  }
0x71: {  	_ =	shalt  }
0x72: {  	_ =	shalt  }
0x73: {  	_ =	shalt  }
0x74: {  	_ =	shalt  }
0x75: {  	_ =	shalt  }
0x76: {  	_ =	shalt  }
0x77: {  	_ =	shalt  }
0x78: {  	_ =	shalt  }
0x79: {  	_ =	shalt  }
0x7a: {  	_ =	shalt  }
0x7b: {  	_ =	shalt  }
0x7c: {  	_ =	shalt  }
0x7d: {  	_ =	shalt  }
0x7e: {  	_ =	shalt  }
0x7f: {  	_ =	shalt  }
0x80: {  	_ =	shalt  }
0x81: {  	_ =	shalt  }
0x82: {  	_ =	shalt  }
0x83: {  	_ =	shalt  }
0x84: {  	_ =	shalt  }
0x85: {  	_ =	shalt  }
0x86: {  	_ =	shalt  }
0x87: {  	_ =	shalt  }
.Lfunc_end0:
.L_simem_size_0:
called_computation.1_lowered:
.L_overlay_start_0:
0x88: {  	s2 =	sld [smem:$0x3FD9]  }
0x89: {  	s3 =	sld [smem:$0x3FFE];
	_ =	sdelay $0x1  }
0x8a: {  	s1 =	srdreg.scid  }
0x8b: {  	s0 =	sand.u32 $0x1, s1  }
0x8c: {  	s17 =	sshll.u32 s0, $0xA;
	s2 =	sadd.s32 s3, s2  }
0x8d: {  	s2 =	sadd.s32 s2, s17  }
0x8e: {  	[smem:$0x3FC5] =	sst s2  }
0x8f: {  	_ = 	snop  }
0x90: {  	s2 =	sld [smem:$0x3FD0];
	(tm) =	ssettm $0x1  }
0x91: {  	s18 =	sld [smem:$0x3FFB];
	_ =	sdelay $0x3  }
0x92: {  	_ =	strace s18  }
0x93: {  	s3 =	sld [smem:$0x3FFC];
	_ =	sdelay $0x3  }
0x94: {  	_ =	strace s3  }
0x95: {  	s3 =	sld [smem:$0x3FFD];
	_ =	sdelay $0x3  }
0x96: {  	_ =	strace s3  }
0x97: {  	_ =	strace $0x8FFFFFFF  }
0x98: {  	s19 =	sld [smem:$0x3FDB];
	_ =	sdelay $0x1  }
0x99: {  	s4 =	simm.s32 $_scs_section_size  }
0x9a: {  	s5 =	simm.s32 $_size__tile_overlayer_lowered;
	s6 =	simm.s32 $_tile_overlayer_lowered  }
0x9b: {  	s22 =	simm.s32 $0x1BFF;
	s21 =	sshll.u32 s6, $0x1;
	s3 =	sadd.s32 s4, s19  }
0x9c: {  	s7 =	simm.s32 $0x0;
	s20 =	sshll.u32 s5, $0x1;
	s5 =	sadd.s32 s21, s3  }
0x9d: {  	[timem:s7], [sflag:s22] =	dma.local [hbm:s5], s20  }
0x9e: {  	_ =	swait.ge [sflag:s22], s20  }
0x9f: {  	s4 =	ssub.s32 $0x0, s20;
	[sflag:s22] =	ssyncset.done $0x0  }
0xa0: {  	[sflag:s22] =	ssyncadd.s32 s4;
	_ =	sdelay $0x1  }
0xa1: {  	s23 =	simm.s32 $0x1B8B  }
0xa2: {  	_ =	swait.ge [sflag:s23], $0x1  }
0xa3: {  	[sflag:s23] =	ssyncset.done $0x0  }
0xa4: {  	s25 =	simm.s32 $0x1B8E;
	s24 =	sld [smem:$0x3FFE];
	[sflag:s23] =	ssyncadd.s32 $0xFFFFFFFF  }
0xa5: {  	s26 =	simm.s32 $execute0_lowered;
	[smem:$0x3FD2] =	sst s25  }
0xa6: {  	s5 =	sshll.u32 s26, $0x1;
	_ =	strace $0x80000049;
	[dreg:$0x1] =	wrdreg $0xFFFFFFFF  }
0xa7: {  	s28 =	simm.s32 $_size_execute0_lowered;
	s3 =	sadd.s32 s3, s5;
	[dreg:$0x0] =	wrdreg $0x0  }
0xa8: {  	s5 =	sshll.u32 s28, $0x1;
	[dreg:$0x2] =	wrdreg s3  }
0xa9: {  	[dreg:$0x3] =	wrdreg s5  }
0xaa: {  	[dreg:$0x4] =	wrdreg $0xC0  }
0xab: {  	_ =	task [dreg:s7], $0x5FFFF  }
0xac: {  	[dreg:$0x1] =	wrdreg $0xFFFFFFFF  }
0xad: {  	[dreg:$0x0] =	wrdreg $0x60  }
0xae: {  	[dreg:$0x2] =	wrdreg s24  }
0xaf: {  	[dreg:$0x3] =	wrdreg s2  }
0xb0: {  	[dreg:$0x4] =	wrdreg $0x9  }
0xb1: {  	_ =	task.clear_ibuf [dreg:s7], $0x5FFFF;
	_ =	strace $0x90000049  }
0xb2: {  	s29 =	simm.s32 $0x9;
	_ =	strace $0x8000004B  }
0xb3: {  	_ =	swait.ge [sflag:s29], $0x1  }
0xb4: {  	[sflag:s29] =	ssyncadd.s32 $0xFFFFFFFF  }
0xb5: {  	_ =	strace $0x9000004B  }
0xb6: {  	_ =	sfence  }
0xb7: {  	s30 =	sld [smem:$0x0];
	_ =	sdelay $0x2  }
0xb8: {  	s31 =	sshll.u32 s1, $0xD;
	s1 =	sshrl.u32 s1, $0x2  }
0xb9: {  	s3 =	sand.u32 $0x4000, s31;
	s1 =	sadd.s32 s1, s30  }
0xba: {  	s0 =	sor.u32 s3, s0;
	s1 =	sshll.u32 s1, $0x11  }
0xbb: {  	s0 =	sor.u32 s1, s0  }
0xbc: {  	s0 =	sadd.s32 $0x8F2B, s0  }
0xbd: {  	[sflag:s0] =	ssyncadd.remote.s32 $0x1  }
0xbe: {  	_ =	sfence.sel $0xFFFF  }
0xbf: {  	[dreg:$0x0] =	wrdreg $0xFFFFFFFF;
	(pc) =	sbr.abs _section_cstart, $3  }
0xc0: {  	[dreg:$0x1] =	wrdreg $0xFFFFFFFF  }
0xc1: {  	_ =	task.clear_ibuf [dreg:s7], $0x2FFFF;
	_ =	strace $0x9FFFFFFF  }
0xc2: {  	(tm) =	ssettm $0x7FFFFFFF  }
0xc3: {  	_ =	shalt  }
tec
execute0_lowered:
.L_overlay_start_1:
0x0: {  	(tag) =	ssettag $0x1  }
0x1: {  	s0 =	rddreg [dreg:$0x0]  }
0x2: {  	s2 =	rddreg [dreg:$0x1]  }
0x3: {  	s1 =	srdreg.scid;
	s4 =	stileid.u32;
	s3 =	simm.s32 $0x0  }
0x4: {  	s12 =	simm.s32 $0x1;
	s1 =	sand.u32 $0x1, s1;
	s4 =	sshll.u32 s4, $0x1  }
0x5: {  	s28 =	simm.s32 $0x12080;
	[smem:$0x7FF] =	sst s3;
	s5 =	sor.u32 s1, s4  }
0x6: {  	s29 =	simm.s32 $0x16080;
	_ =	strace $0x8000004A;
	s6 =	smul.u32 $0x651F5, s5  }
0x7: {  	s4 =	sadd.s32 $0x202E00, s0;
	s1 =	ssub.s32 $0x2, s1;
	s7 =	smul.u32 $0x4F, s5  }
0x8: {  	s5 =	sadd.s32 $0xC00, s0;
	s8 =	sshrl.u32 s1, $0x1;
	s0 =	sadd.s32 $0x200C00, s0  }
0x9: {  	[dreg:$0x4] =	wrdreg s0;
	s15 =	ssub.s32 s1, s8;
	s11 =	sshrl.u32 s6, $0x12  }
0xa: {  	s9 =	ssub.s32 $0x9C4, s7;
	s16 =	sshrl.u32 s6, $0x8;
	s6 =	sshrl.u32 s6, $0xB  }
0xb: {  	s0 =	smax.u32 s15, $0x1;
	s10 =	smul.u32 $0xFFFFFFCE, s11;
	s8 =	smin.u32 s9, $0x4F  }
0xc: {  	s1 =	sand.u32 $0xE000, s16;
	s6 =	sand.u32 $0x380, s6;
	[dreg:$0x3] =	wrdreg s11  }
0xd: {  	s9 =	simm.s32 $0x1;
	s23 =	smul.u32 $0xC8000, s11;
	[dreg:$0xc] =	wrdreg s0  }
0xe: {  	s0 =	simm.s32 $0x4;
	s1 =	sor.u32 s1, s6;
	s13 =	sadd.s32 s7, s10  }
0xf: {  	s1 =	sshrl.u32 s1, $0x3;
	s7 =	sshll.u32 s13, $0xA;
	s18 =	sshll.u32 s13, $0x7  }
0x10: {  	p0 =	sgt.s32 s13, $0x30;
	s1 =	sadd.s32 s4, s1;
	[dreg:$0x5] =	wrdreg s13  }
0x11: {  	s25 =	sshll.u32 s13, $0xE;
	s17 =	sand.u32 $0xFFFFE000, s7;
	s7 =	sand.u32 $0x380, s18  }
0x12: {  	s9 =	simm.s32 @!p0 $0x0;
	[dreg:$0x6] =	wrdreg s1;
	s6 =	sor.u32 s7, s17  }
0x13: {  	s18 =	simm.s32 $0x2000;
	s20 =	sadd.s32 s9, s11;
	s19 =	sshrl.u32 s6, $0x3  }
0x14: {  	s21 =	sshll.u32 s20, $0x4;
	s9 =	sshll.u32 s20, $0x7;
	s6 =	smul.u32 $0xC8000, s20  }
0x15: {  	s20 =	simm.s32 $0x80;
	s1 =	sadd.s32 s4, s19;
	s7 =	sand.u32 $0x70, s21  }
0x16: {  	s9 =	sand.u32 $0x1FFC00, s9;
	[dreg:$0x7] =	wrdreg s1;
	s1 =	sadd.s32 $0x1, s13  }
0x17: {  	s21 =	simm.s32 $0x400;
	s7 =	sadd.s32 s4, s7;
	s1 =	simm.s32 @p0 $0x0  }
0x18: {  	s7 =	sadd.s32 s9, s7;
	s9 =	sadd.s32 s23, s25;
	s23 =	simm.s32 $0x1000  }
0x19: {  	s25 =	simm.s32 $0x800;
	[dreg:$0x8] =	wrdreg s7;
	s22 =	sshll.u32 s1, $0xA  }
0x1a: {  	s24 =	sshll.u32 s1, $0x7;
	s1 =	sshll.u32 s1, $0xE;
	s30 =	sshrl.u32 s9, $0x3  }
0x1b: {  	s9 =	simm.s32 $0x0;
	s7 =	sand.u32 $0xFFFFE000, s22;
	s10 =	sand.u32 $0x380, s24  }
0x1c: {  	s1 =	sadd.s32 s1, s6;
	s31 =	sadd.s32 s2, s30;
	s22 =	simm.s32 $0x3  }
0x1d: {  	s24 =	simm.s32 $0x1800;
	s7 =	sor.u32 s10, s7;
	s1 =	sshrl.u32 s1, $0x3  }
0x1e: {  	[dreg:$0xa] =	wrdreg s31;
	s26 =	sshrl.u32 s7, $0x3;
	s1 =	sadd.s32 s2, s1  }
0x1f: {  	s7 =	simm.s32 $0x5;
	s6 =	sadd.s32 s4, s26;
	[dreg:$0xb] =	wrdreg s1  }
0x20: {  	v59 =	vlaneseq.u32;
	s26 =	simm.s32 $0xC00;
	s1 =	simm.s32 $0x2;
	[dreg:$0x9] =	wrdreg s6  }
.LBB2_1:
0x21: {  	[dreg:$0xd] =	wrdreg s9  }
0x22: {  	s6 =	rddreg [dreg:$0x4];
	s17 =	simm.s32 $0x6  }
0x23: {  	[tilespmem:s18], [sflag:$0x6] =	stream.linear.gather [hbm4b:s6+s3], $0x10080, $0x38;
	[tilespmem:$0x1A080] =	vst v63  }
0x24: {  	_ =	swait.ge [sflag:s17], $0x10080  }
0x25: {  	[sflag:s17] =	ssyncset.done $0x0  }
0x26: {  	s19 =	rddreg [dreg:$0x6];
	[sflag:s17] =	ssyncadd.s32 $0xFFFEFF80  }
0x27: {  	[tilespmem:s3], [sflag:$0x3] =	stream.strided.gather [hbm4b:s19+s20], $0x400, s21, s20, $0x38;
	[tilespmem:$0x1A080] =	vst v63  }
0x28: {  	s30 =	rddreg [dreg:$0x7]  }
0x29: {  	[tilespmem:s21], [sflag:$0x3] =	stream.strided.gather [hbm4b:s30+s20], $0x400, s21, s20, $0x38;
	[tilespmem:$0x1A080] =	vst v63  }
0x2a: {  	_ =	swait.ge [sflag:s22], $0x400  }
0x2b: {  	[sflag:s22] =	ssyncset.done $0x0  }
0x2c: {  	[sflag:s22] =	ssyncadd.s32 $0xFFFFFC00  }
0x2d: {  	_ =	swait.ge [sflag:s22], $0x400  }
0x2e: {  	[sflag:s22] =	ssyncset.done $0x0  }
0x2f: {  	s31 =	simm.s32 $0x20;
	[sflag:s22] =	ssyncadd.s32 $0xFFFFFC00  }
0x30: {  	s9 =	simm.s32 $0x420;
	v3 =	vld [tilespmem:s31+$0x10]  }
0x31: {  	v4 =	vld [tilespmem:s9+$0x10]  }
0x32: {  	v5 =	vld [tilespmem:s31+$0xFFFFFFF0]  }
0x33: {  	v0 =	vld [tilespmem:s31+$0x0]  }
0x34: {  	v1 =	vld [tilespmem:s31+$0xFFFFFFE0]  }
0x35: {  	v2 =	vld [tilespmem:s9+$0xFFFFFFE0];
	v6 =	vshll.u32 v3, $0xC  }
0x36: {  	s6 =	simm.s32 $0x1020;
	v3 =	vld [tilespmem:s9+$0xFFFFFFF0];
	v6 =	vadd.s32 v4, v6  }
0x37: {  	s10 =	simm.s32 $0x0;
	s11 =	simm.s32 $0x60;
	v5 =	vshll.u32 v5, $0xC;
	v4 =	vld [tilespmem:s9+$0x0];
	[tilespmem:s6+$0x10] =	vst v6  }
.LBB2_2:
0x38: {  	v6 =	vld [tilespmem:s11+$0x10];
	s10 =	sadd.s32 $0x4, s10;
	v7 =	vshll.u32 v0, $0xC;
	s9 =	sadd.s32 $0x40, s9  }
0x39: {  	v8 =	vld [tilespmem:s9+$0x10];
	p0 =	slt.u32 s10, $0x3C;
	v0 =	vshll.u32 v1, $0xC  }
0x3a: {  	v9 =	vld [tilespmem:s11+$0xFFFFFFF0];
	v1 =	vadd.s32 v2, v0  }
.Ltmp0:
0x3b: {  	v0 =	vld [tilespmem:s11+$0x0];
	[tilespmem:s6+$0xFFFFFFE0] =	vst v1;
	v2 =	vadd.s32 v3, v5;
	(pc) =	sbr.rel @p0 .LBB2_2-.Ltmp0, $4  }
0x3c: {  	v1 =	vld [tilespmem:s11+$0xFFFFFFE0];
	[tilespmem:s6+$0xFFFFFFF0] =	vst v2;
	v3 =	vadd.s32 v4, v7  }
0x3d: {  	v2 =	vld [tilespmem:s9+$0xFFFFFFE0];
	v4 =	vshll.u32 v6, $0xC;
	[tilespmem:s6+$0x0] =	vst v3  }
0x3e: {  	s6 =	sadd.s32 $0x40, s6;
	v3 =	vld [tilespmem:s9+$0xFFFFFFF0];
	v6 =	vadd.s32 v8, v4  }
0x3f: {  	s11 =	sadd.s32 $0x40, s11;
	v5 =	vshll.u32 v9, $0xC;
	v4 =	vld [tilespmem:s9+$0x0];
	[tilespmem:s6+$0x10] =	vst v6  }
0x40: {  	_ = 	snop  }
0x41: {  	v1 =	vshll.u32 v1, $0xC  }
0x42: {  	v1 =	vadd.s32 v2, v1  }
0x43: {  	v0 =	vshll.u32 v0, $0xC;
	[tilespmem:s6+$0xFFFFFFE0] =	vst v1;
	v63 =	vadd.s32 v3, v5  }
0x44: {  	[tilespmem:s6+$0xFFFFFFF0] =	vst v63;
	v0 =	vadd.s32 v4, v0  }
0x45: {  	[tilespmem:s6+$0x0] =	vst v0  }
0x46: {  	[tilespmem:s24], [sflag:$0x1] =	stream.indirect.gather [hbm4b:s5+s21], $0x1, s23, s21, $0xb8;
	[tilespmem:$0x1A080] =	vst v63  }
0x47: {  	_ =	swait.ge [sflag:s12], $0x400  }
0x48: {  	[sflag:s12] =	ssyncset.done $0x0  }
0x49: {  	s17 =	rddreg [dreg:$0x8];
	[sflag:s12] =	ssyncadd.s32 $0xFFFFFC00  }
0x4a: {  	[tilespmem:s25], [sflag:$0x3] =	stream.strided.gather [hbm4b:s17+s20], $0x400, s21, s20, $0x38;
	[tilespmem:$0x1A080] =	vst v63  }
0x4b: {  	s19 =	rddreg [dreg:$0x9]  }
0x4c: {  	[tilespmem:s26], [sflag:$0x3] =	stream.strided.gather [hbm4b:s19+s20], $0x400, s21, s20, $0x38;
	[tilespmem:$0x1A080] =	vst v63  }
0x4d: {  	_ =	swait.ge [sflag:s22], $0x400  }
0x4e: {  	[sflag:s22] =	ssyncset.done $0x0  }
0x4f: {  	[sflag:s22] =	ssyncadd.s32 $0xFFFFFC00  }
0x50: {  	_ =	swait.ge [sflag:s22], $0x400  }
0x51: {  	s30 =	rddreg [dreg:$0xa]  }
0x52: {  	[sflag:s22] =	ssyncset.done $0x0;
	s31 =	rddreg [dreg:$0xb]  }
0x53: {  	s11 =	simm.s32 $0x0;
	s14 =	rddreg [dreg:$0x5];
	[sflag:s22] =	ssyncadd.s32 $0xFFFFFC00  }
0x54: {  	[hbm4b:s30+s11] =	stream.linear.scatter [tilespmem:s28], [sflag:$0x4], $0x4000, $0x38;
	[tilespmem:$0x1A080] =	vst v63  }
0x55: {  	s13 =	simm.s32 $0x0;
	s15 =	rddreg [dreg:$0x3]  }
0x56: {  	[hbm4b:s31+s11] =	stream.linear.scatter [tilespmem:s29], [sflag:$0x5], $0x4000, $0x38;
	[tilespmem:$0x1A080] =	vst v63  }
.LBB2_4:
0x57: {  	s9 =	simm.s32 $0x820  }
0x58: {  	s6 =	simm.s32 $0xC20;
	v1 =	vld [tilespmem:s9+$0x10]  }
0x59: {  	v2 =	vld [tilespmem:s6+$0x10]  }
0x5a: {  	v5 =	vld [tilespmem:s9+$0xFFFFFFF0]  }
0x5b: {  	v0 =	vld [tilespmem:s9+$0x0]  }
0x5c: {  	v4 =	vld [tilespmem:s9+$0xFFFFFFE0]  }
0x5d: {  	v3 =	vld [tilespmem:s6+$0xFFFFFFE0];
	v6 =	vshll.u32 v1, $0xC  }
0x5e: {  	s9 =	simm.s32 $0x1420;
	v1 =	vld [tilespmem:s6+$0xFFFFFFF0];
	v6 =	vadd.s32 v2, v6  }
0x5f: {  	s10 =	simm.s32 $0x0;
	s16 =	simm.s32 $0x860;
	v5 =	vshll.u32 v5, $0xC;
	v2 =	vld [tilespmem:s6+$0x0];
	[tilespmem:s9+$0x10] =	vst v6  }
.LBB2_5:
0x60: {  	v6 =	vld [tilespmem:s16+$0x10];
	s10 =	sadd.s32 $0x4, s10;
	v7 =	vshll.u32 v0, $0xC;
	s6 =	sadd.s32 $0x40, s6  }
0x61: {  	v8 =	vld [tilespmem:s6+$0x10];
	p0 =	slt.u32 s10, $0x3C;
	v0 =	vshll.u32 v4, $0xC  }
0x62: {  	v9 =	vld [tilespmem:s16+$0xFFFFFFF0];
	v3 =	vadd.s32 v3, v0  }
.Ltmp1:
0x63: {  	v0 =	vld [tilespmem:s16+$0x0];
	[tilespmem:s9+$0xFFFFFFE0] =	vst v3;
	v1 =	vadd.s32 v1, v5;
	(pc) =	sbr.rel @p0 .LBB2_5-.Ltmp1, $4  }
0x64: {  	v4 =	vld [tilespmem:s16+$0xFFFFFFE0];
	[tilespmem:s9+$0xFFFFFFF0] =	vst v1;
	v1 =	vadd.s32 v2, v7  }
0x65: {  	v3 =	vld [tilespmem:s6+$0xFFFFFFE0];
	v2 =	vshll.u32 v6, $0xC;
	[tilespmem:s9+$0x0] =	vst v1  }
0x66: {  	s9 =	sadd.s32 $0x40, s9;
	v1 =	vld [tilespmem:s6+$0xFFFFFFF0];
	v6 =	vadd.s32 v8, v2  }
0x67: {  	s16 =	sadd.s32 $0x40, s16;
	v5 =	vshll.u32 v9, $0xC;
	v2 =	vld [tilespmem:s6+$0x0];
	[tilespmem:s9+$0x10] =	vst v6  }
0x68: {  	s10 =	sadd.s32 $0x1, s14  }
0x69: {  	s16 =	sadd.s32 $0x1, s11;
	s6 =	smov.u32 s14;
	p0 =	sgt.s32 s10, $0x31  }
0x6a: {  	s30 =	simm.s32 $0x1;
	p1 =	slt.s32 s16, s8;
	s10 =	simm.s32 @p0 $0x0  }
0x6b: {  	s11 =	smov.u32 @p1 s16;
	p2 =	por !p1, !p0;
	s6 =	smov.u32 @p1 s10  }
0x6c: {  	s16 =	simm.s32 $0x1;
	s10 =	sadd.s32 $0x1, s11;
	s19 =	sadd.s32 $0x1, s6  }
0x6d: {  	v4 =	vshll.u32 v4, $0xC;
	p2 =	por !p2, !p2;
	p0 =	slt.s32 s10, s8;
	p1 =	sgt.s32 s19, $0x31  }
0x6e: {  	s31 =	simm.s32 $0x1400;
	v3 =	vadd.s32 v3, v4;
	s16 =	simm.s32 @!p2 $0x0;
	p3 =	por !p0, !p1  }
0x6f: {  	v0 =	vshll.u32 v0, $0xC;
	[tilespmem:s9+$0xFFFFFFE0] =	vst v3;
	v1 =	vadd.s32 v1, v5;
	s17 =	sadd.s32 s16, s15;
	s16 =	smov.u32 s6;
	p2 =	por !p3, !p3  }
0x70: {  	[tilespmem:s9+$0xFFFFFFF0] =	vst v1;
	v0 =	vadd.s32 v2, v0;
	s11 =	smov.u32 @p0 s10;
	s19 =	simm.s32 @p1 $0x0;
	s30 =	simm.s32 @!p2 $0x0  }
0x71: {  	[tilespmem:s9+$0x0] =	vst v0;
	s16 =	smov.u32 @p0 s19;
	s9 =	sadd.s32 s30, s17;
	s30 =	simm.s32 $0x1C00  }
0x72: {  	[tilespmem:s30], [sflag:$0x2] =	stream.indirect.gather [hbm4b:s5+s21], $0x1, s31, s21, $0xb8;
	[tilespmem:$0x1A080] =	vst v63  }
0x73: {  	s19 =	sadd.s32 $0x1, s16;
	s31 =	sshll.u32 s9, $0xA;
	s30 =	sshll.u32 s9, $0x7  }
0x74: {  	p1 =	sgt.s32 s19, $0x31;
	s31 =	sand.u32 $0xFFFFE000, s31;
	s30 =	sand.u32 $0x380, s30  }
0x75: {  	s10 =	sor.u32 s30, s31;
	s31 =	sadd.s32 $0x1, s11;
	s30 =	sshll.u32 s16, $0x7  }
0x76: {  	s10 =	sshrl.u32 s10, $0x3;
	p0 =	slt.s32 s31, s8;
	s31 =	sshll.u32 s16, $0xA  }
0x77: {  	s30 =	sand.u32 $0x380, s30;
	s10 =	sadd.s32 s4, s10;
	p6 =	por !p0, !p1  }
0x78: {  	[tilespmem:s3], [sflag:$0x3] =	stream.strided.gather [hbm4b:s10+s20], $0x400, s21, s20, $0x38;
	[tilespmem:$0x1A080] =	vst v63  }
0x79: {  	s10 =	sand.u32 $0xFFFFE000, s31;
	p2 =	por !p6, !p6;
	s31 =	simm.s32 $0x1  }
0x7a: {  	s10 =	sor.u32 s30, s10;
	s31 =	simm.s32 @!p2 $0x0  }
0x7b: {  	s10 =	sshrl.u32 s10, $0x3;
	s30 =	sadd.s32 s31, s9  }
0x7c: {  	s10 =	sadd.s32 s4, s10;
	s31 =	sshll.u32 s30, $0xA;
	s30 =	sshll.u32 s30, $0x7  }
0x7d: {  	[tilespmem:s21], [sflag:$0x3] =	stream.strided.gather [hbm4b:s10+s20], $0x400, s21, s20, $0x38;
	[tilespmem:$0x1A080] =	vst v63  }
0x7e: {  	s10 =	sand.u32 $0xFFFFE000, s31;
	s30 =	sand.u32 $0x380, s30  }
0x7f: {  	s19 =	simm.s32 @p1 $0x0;
	s10 =	sor.u32 s30, s10;
	s30 =	smov.u32 s16  }
0x80: {  	s10 =	sshrl.u32 s10, $0x3;
	s30 =	smov.u32 @p0 s19  }
0x81: {  	s10 =	sadd.s32 s4, s10;
	s31 =	sshll.u32 s30, $0xA;
	s19 =	sshll.u32 s30, $0x7  }
0x82: {  	[tilespmem:s25], [sflag:$0x3] =	stream.strided.gather [hbm4b:s10+s20], $0x400, s21, s20, $0x38;
	[tilespmem:$0x1A080] =	vst v63  }
0x83: {  	s10 =	sand.u32 $0xFFFFE000, s31;
	s19 =	sand.u32 $0x380, s19  }
0x84: {  	s10 =	sor.u32 s19, s10  }
0x85: {  	s10 =	sshrl.u32 s10, $0x3  }
0x86: {  	s10 =	sadd.s32 s4, s10  }
0x87: {  	[tilespmem:s26], [sflag:$0x3] =	stream.strided.gather [hbm4b:s10+s20], $0x400, s21, s20, $0x38;
	[tilespmem:$0x1A080] =	vst v63  }
0x88: {  	_ =	swait.ge [sflag:s0], $0x4000  }
0x89: {  	[sflag:s0] =	ssyncset.done $0x0  }
0x8a: {  	s10 =	simm.s32 $0x1810;
	[sflag:s0] =	ssyncadd.s32 $0xFFFFC000  }
0x8b: {  	v12 =	vld [tilespmem:s10+$0x0];
	_ =	sdelay $0x3  }
0x8c: {  	s31 =	simm.s32 $0x10  }
0x8d: {  	v0 =	vmov s31  }
0x8e: {  	v1 =	vor.u32 s31, v59;
	v3 =	vshll.u32 v0, $0x3  }
0x8f: {  	v4 =	vand.u32 $0x7F, v1;
	v0 =	vand.u32 $0x1C00, v3;
	v5 =	vld [tilespmem:s10+$0xFFFFFFF0]  }
0x90: {  	v16 =	vor.u32 v4, v0;
	v1 =	vld.idx.msk [tilespmem:v12+s18+$0x0], $0xffff  }
0x91: {  	v0 =	vadd.s32 $0x1001, v12;
	_ =	sdelay $0x2  }
0x92: {  	s19 =	simm.s32 $0x0  }
0x93: {  	v2 =	vmov s19;
	[tilespmem:v16+s28+$0x0] =	vst.idx.msk $0xffff, v1  }
0x94: {  	v13 =	vshll.u32 v2, $0x3;
	v2 =	vor.u32 $0x80, v16;
	v1 =	vor.u32 s19, v59;
	v0 =	vld.idx.msk [tilespmem:v0+s18+$0x0], $0xffff  }
0x95: {  	v6 =	vand.u32 $0x1C00, v13;
	v14 =	vand.u32 $0x6F, v1;
	v1 =	vadd.s32 $0x2002, v12  }
0x96: {  	v8 =	vor.u32 v14, v6;
	v6 =	vld.idx.msk [tilespmem:v5+s18+$0x0], $0xffff  }
0x97: {  	v7 =	vadd.s32 $0x1001, v5;
	_ =	sdelay $0x1  }
0x98: {  	[tilespmem:v2+s28+$0x0] =	vst.idx.msk $0xffff, v0  }
0x99: {  	v0 =	vld.idx.msk [tilespmem:v1+s18+$0x0], $0xffff;
	v1 =	vor.u32 $0x100, v16  }
0x9a: {  	v2 =	vadd.s32 $0x3003, v12;
	[tilespmem:v8+s28+$0x0] =	vst.idx.msk $0xffff, v6  }
0x9b: {  	v6 =	vor.u32 $0x80, v8;
	v7 =	vld.idx.msk [tilespmem:v7+s18+$0x0], $0xffff;
	_ =	sdelay $0x1  }
0x9c: {  	v9 =	vadd.s32 $0x2002, v5  }
0x9d: {  	[tilespmem:v1+s28+$0x0] =	vst.idx.msk $0xffff, v0  }
0x9e: {  	v0 =	vld.idx.msk [tilespmem:v2+s18+$0x0], $0xffff;
	v2 =	vor.u32 $0x180, v16  }
0x9f: {  	s31 =	simm.s32 $0x1830;
	[tilespmem:v6+s28+$0x0] =	vst.idx.msk $0xffff, v7;
	v7 =	vadd.s32 $0x4004, v12  }
0xa0: {  	v33 =	vld [tilespmem:s31+$0x0]  }
0xa1: {  	v10 =	vor.u32 $0x100, v8;
	v9 =	vld.idx.msk [tilespmem:v9+s18+$0x0], $0xffff  }
0xa2: {  	v11 =	vadd.s32 $0x3003, v5  }
0xa3: {  	v6 =	vld [tilespmem:s31+$0xFFFFFFF0];
	[tilespmem:v2+s28+$0x0] =	vst.idx.msk $0xffff, v0  }
0xa4: {  	v2 =	vor.u32 $0x200, v16;
	v0 =	vld.idx.msk [tilespmem:v7+s18+$0x0], $0xffff  }
0xa5: {  	s19 =	simm.s32 $0x30;
	v7 =	vadd.s32 $0x5005, v12  }
0xa6: {  	v17 =	vadd.s32 $0x4004, v5;
	v19 =	vor.u32 s19, v59;
	s31 =	simm.s32 $0x20;
	[tilespmem:v10+s28+$0x0] =	vst.idx.msk $0xffff, v9;
	v9 =	vmov s19  }
0xa7: {  	v15 =	vor.u32 $0x180, v8;
	v10 =	vmov s31;
	v18 =	vld.idx.msk [tilespmem:v11+s18+$0x0], $0xffff;
	v9 =	vshll.u32 v9, $0x3  }
0xa8: {  	v11 =	vshll.u32 v10, $0x3;
	v10 =	vand.u32 $0x7F, v19;
	v19 =	vand.u32 $0x1C00, v9  }
0xa9: {  	v23 =	vor.u32 $0x280, v16;
	v20 =	vld.idx.msk [tilespmem:v33+s18+$0x0], $0xffff;
	[tilespmem:v2+s28+$0x0] =	vst.idx.msk $0xffff, v0;
	v0 =	vor.u32 s31, v59;
	v2 =	vor.u32 v10, v19  }
0xaa: {  	v22 =	vadd.s32 $0x1001, v33;
	v21 =	vand.u32 $0x1C00, v11;
	v19 =	vld.idx.msk [tilespmem:v7+s18+$0x0], $0xffff;
	v0 =	vand.u32 $0x6F, v0  }
0xab: {  	v7 =	vor.u32 v0, v21;
	v21 =	vadd.s32 $0x6006, v12  }
0xac: {  	v24 =	vld.idx.msk [tilespmem:v6+s18+$0x0], $0xffff;
	[tilespmem:v15+s28+$0x0] =	vst.idx.msk $0xffff, v18  }
0xad: {  	v15 =	vadd.s32 $0x1001, v6;
	v18 =	vor.u32 $0x200, v8;
	v17 =	vld.idx.msk [tilespmem:v17+s18+$0x0], $0xffff  }
0xae: {  	v25 =	vadd.s32 $0x5005, v5;
	[tilespmem:v2+s28+$0x0] =	vst.idx.msk $0xffff, v20  }
0xaf: {  	v20 =	vld.idx.msk [tilespmem:v22+s18+$0x0], $0xffff;
	[tilespmem:v23+s28+$0x0] =	vst.idx.msk $0xffff, v19;
	v19 =	vor.u32 $0x80, v2  }
0xb0: {  	v22 =	vadd.s32 $0x2002, v33;
	v23 =	vor.u32 $0x300, v16;
	v21 =	vld.idx.msk [tilespmem:v21+s18+$0x0], $0xffff  }
0xb1: {  	v26 =	vadd.s32 $0x7007, v12;
	[tilespmem:v7+s28+$0x0] =	vst.idx.msk $0xffff, v24  }
0xb2: {  	v24 =	vor.u32 $0x80, v7;
	[tilespmem:v18+s28+$0x0] =	vst.idx.msk $0xffff, v17;
	v15 =	vld.idx.msk [tilespmem:v15+s18+$0x0], $0xffff  }
0xb3: {  	v17 =	vadd.s32 $0x2002, v6;
	v18 =	vor.u32 $0x280, v8;
	v25 =	vld.idx.msk [tilespmem:v25+s18+$0x0], $0xffff  }
0xb4: {  	v27 =	vadd.s32 $0x6006, v5;
	[tilespmem:v19+s28+$0x0] =	vst.idx.msk $0xffff, v20  }
0xb5: {  	v3 =	vor.u32 v4, v3;
	v20 =	vor.u32 $0x100, v2;
	v19 =	vld.idx.msk [tilespmem:v22+s18+$0x0], $0xffff;
	[tilespmem:v23+s28+$0x0] =	vst.idx.msk $0xffff, v21  }
0xb6: {  	v3 =	vor.u32 $0x380, v3;
	v21 =	vadd.s32 $0x3003, v33;
	v4 =	vld.idx.msk [tilespmem:v26+s18+$0x0], $0xffff  }
0xb7: {  	v22 =	vadd.s32 $0x8008, v12;
	[tilespmem:v24+s28+$0x0] =	vst.idx.msk $0xffff, v15  }
0xb8: {  	v13 =	vor.u32 v13, v14;
	v15 =	vor.u32 $0x100, v7;
	[tilespmem:v18+s28+$0x0] =	vst.idx.msk $0xffff, v25;
	v17 =	vld.idx.msk [tilespmem:v17+s18+$0x0], $0xffff  }
0xb9: {  	v14 =	vadd.s32 $0x3003, v6;
	v18 =	vor.u32 $0x300, v13;
	v23 =	vld.idx.msk [tilespmem:v27+s18+$0x0], $0xffff  }
0xba: {  	v24 =	vadd.s32 $0x7007, v5;
	[tilespmem:v20+s28+$0x0] =	vst.idx.msk $0xffff, v19  }
0xbb: {  	v19 =	vld.idx.msk [tilespmem:v21+s18+$0x0], $0xffff;
	[tilespmem:v3+s28+$0x0] =	vst.idx.msk $0xffff, v4;
	v4 =	vor.u32 $0x180, v2  }
0xbc: {  	s31 =	simm.s32 $0x1850;
	v21 =	vadd.s32 $0x4004, v33;
	v20 =	vld.idx.msk [tilespmem:v22+s18+$0x0], $0xffff;
	v22 =	vor.u32 $0x2000, v16  }
0xbd: {  	v3 =	vld [tilespmem:s31+$0x0];
	[tilespmem:v15+s28+$0x0] =	vst.idx.msk $0xffff, v17;
	v15 =	vadd.s32 $0x9009, v12  }
0xbe: {  	v25 =	vor.u32 $0x180, v7;
	[tilespmem:v18+s28+$0x0] =	vst.idx.msk $0xffff, v23;
	v14 =	vld.idx.msk [tilespmem:v14+s18+$0x0], $0xffff  }
0xbf: {  	v18 =	vor.u32 $0x380, v13;
	v23 =	vadd.s32 $0x4004, v6;
	v24 =	vld.idx.msk [tilespmem:v24+s18+$0x0], $0xffff  }
0xc0: {  	v26 =	vadd.s32 $0x8008, v5;
	v17 =	vld [tilespmem:s31+$0xFFFFFFF0];
	[tilespmem:v4+s28+$0x0] =	vst.idx.msk $0xffff, v19  }
0xc1: {  	v4 =	vld.idx.msk [tilespmem:v21+s18+$0x0], $0xffff;
	[tilespmem:v22+s28+$0x0] =	vst.idx.msk $0xffff, v20;
	v20 =	vor.u32 $0x200, v2  }
0xc2: {  	v36 =	vor.u32 $0x2100, v16;
	v1 =	vor.u32 $0x2080, v16;
	s19 =	simm.s32 $0x50;
	v22 =	vadd.s32 $0x5005, v33;
	v15 =	vld.idx.msk [tilespmem:v15+s18+$0x0], $0xffff  }
0xc3: {  	v32 =	vadd.s32 $0x5005, v6;
	[tilespmem:v25+s28+$0x0] =	vst.idx.msk $0xffff, v14;
	v14 =	vadd.s32 $0xA00A, v12;
	v25 =	vmov s19  }
0xc4: {  	v31 =	vor.u32 $0x200, v7;
	[tilespmem:v18+s28+$0x0] =	vst.idx.msk $0xffff, v24;
	v18 =	vor.u32 s19, v59;
	v23 =	vld.idx.msk [tilespmem:v23+s18+$0x0], $0xffff;
	v30 =	vshll.u32 v25, $0x3  }
0xc5: {  	v27 =	vor.u32 $0x2000, v8;
	s31 =	simm.s32 $0x40;
	v24 =	vld.idx.msk [tilespmem:v26+s18+$0x0], $0xffff;
	v29 =	vand.u32 $0x7F, v18;
	v18 =	vand.u32 $0x1C00, v30  }
0xc6: {  	v19 =	vadd.s32 $0x9009, v5;
	v25 =	vmov s31;
	v26 =	vld.idx.msk [tilespmem:v3+s18+$0x0], $0xffff;
	[tilespmem:v20+s28+$0x0] =	vst.idx.msk $0xffff, v4;
	v4 =	vor.u32 v29, v18  }
0xc7: {  	v25 =	vshll.u32 v25, $0x3;
	v20 =	vor.u32 s31, v59;
	v22 =	vld.idx.msk [tilespmem:v22+s18+$0x0], $0xffff;
	[tilespmem:v1+s28+$0x0] =	vst.idx.msk $0xffff, v15;
	v1 =	vor.u32 $0x280, v2  }
0xc8: {  	v18 =	vand.u32 $0x1C00, v25;
	v15 =	vadd.s32 $0x1001, v3;
	v34 =	vand.u32 $0x6F, v20;
	v14 =	vld.idx.msk [tilespmem:v14+s18+$0x0], $0xffff  }
0xc9: {  	v39 =	vld.idx.msk [tilespmem:v17+s18+$0x0], $0xffff;
	v20 =	vadd.s32 $0x6006, v33;
	v18 =	vor.u32 v34, v18;
	[tilespmem:v31+s28+$0x0] =	vst.idx.msk $0xffff, v23  }
0xca: {  	v40 =	vor.u32 $0x280, v7;
	v23 =	vadd.s32 $0xB00B, v12;
	[tilespmem:v27+s28+$0x0] =	vst.idx.msk $0xffff, v24;
	v24 =	vld.idx.msk [tilespmem:v32+s18+$0x0], $0xffff  }
0xcb: {  	v54 =	vor.u32 $0x2180, v16;
	v28 =	vor.u32 $0x2080, v8;
	v41 =	vadd.s32 $0x1001, v17;
	[tilespmem:v4+s28+$0x0] =	vst.idx.msk $0xffff, v26;
	v26 =	vld.idx.msk [tilespmem:v19+s18+$0x0], $0xffff  }
0xcc: {  	v44 =	vadd.s32 $0xC00C, v5;
	v37 =	vadd.s32 $0xD00D, v5;
	v53 =	vadd.s32 $0x6006, v6;
	[tilespmem:v1+s28+$0x0] =	vst.idx.msk $0xffff, v22  }
0xcd: {  	v38 =	vor.u32 $0x2100, v8;
	v35 =	vor.u32 $0x2280, v8;
	v21 =	vadd.s32 $0xA00A, v5;
	v15 =	vld.idx.msk [tilespmem:v15+s18+$0x0], $0xffff;
	[tilespmem:v36+s28+$0x0] =	vst.idx.msk $0xffff, v14  }
0xce: {  	v27 =	vor.u32 $0x2180, v8;
	v19 =	vor.u32 $0x2200, v8;
	v22 =	vor.u32 $0x80, v4;
	v8 =	vld.idx.msk [tilespmem:v20+s18+$0x0], $0xffff;
	[tilespmem:v18+s28+$0x0] =	vst.idx.msk $0xffff, v39  }
0xcf: {  	v11 =	vor.u32 v11, v0;
	v31 =	vadd.s32 $0xB00B, v5;
	v20 =	vor.u32 $0x300, v2;
	v23 =	vld.idx.msk [tilespmem:v23+s18+$0x0], $0xffff;
	[tilespmem:v40+s28+$0x0] =	vst.idx.msk $0xffff, v24  }
0xd0: {  	v14 =	vadd.s32 $0x2002, v3;
	v36 =	vadd.s32 $0xE00E, v5;
	v5 =	vadd.s32 $0xF00F, v5;
	v41 =	vld.idx.msk [tilespmem:v41+s18+$0x0], $0xffff;
	[tilespmem:v28+s28+$0x0] =	vst.idx.msk $0xffff, v26  }
0xd1: {  	v0 =	vor.u32 $0x80, v18;
	v1 =	vadd.s32 $0x7007, v33;
	v32 =	vld.idx.msk [tilespmem:v53+s18+$0x0], $0xffff;
	[tilespmem:$0x1FFE0] =	vst v5;
	v5 =	vor.u32 $0x2380, v13  }
0xd2: {  	v55 =	vor.u32 $0x300, v11;
	v24 =	vadd.s32 $0xC00C, v12;
	[tilespmem:$0x1FEF0] =	vst v5  }
0xd3: {  	v50 =	vor.u32 $0x2300, v13;
	v42 =	vadd.s32 $0x2002, v17;
	[tilespmem:v22+s28+$0x0] =	vst.idx.msk $0xffff, v15;
	v13 =	vld.idx.msk [tilespmem:v21+s18+$0x0], $0xffff  }
0xd4: {  	v5 =	vadd.s32 $0x7007, v6;
	[tilespmem:v20+s28+$0x0] =	vst.idx.msk $0xffff, v8  }
0xd5: {  	v8 =	vor.u32 $0x100, v4;
	[tilespmem:v54+s28+$0x0] =	vst.idx.msk $0xffff, v23;
	v14 =	vld.idx.msk [tilespmem:v14+s18+$0x0], $0xffff  }
0xd6: {  	[tilespmem:v0+s28+$0x0] =	vst.idx.msk $0xffff, v41;
	v15 =	vld.idx.msk [tilespmem:v1+s18+$0x0], $0xffff  }
0xd7: {  	v9 =	vor.u32 v10, v9;
	v23 =	vld.idx.msk [tilespmem:v24+s18+$0x0], $0xffff;
	[tilespmem:v55+s28+$0x0] =	vst.idx.msk $0xffff, v32  }
0xd8: {  	v9 =	vor.u32 $0x380, v9;
	v1 =	vld.idx.msk [tilespmem:v42+s18+$0x0], $0xffff;
	[tilespmem:v38+s28+$0x0] =	vst.idx.msk $0xffff, v13;
	v13 =	vor.u32 $0x2180, v7  }
0xd9: {  	v26 =	vor.u32 $0x2200, v16;
	v20 =	vadd.s32 $0x3003, v3;
	v5 =	vld.idx.msk [tilespmem:v5+s18+$0x0], $0xffff;
	[tilespmem:$0x1FF00] =	vst v13  }
0xda: {  	v24 =	vadd.s32 $0x8008, v33;
	v13 =	vadd.s32 $0xC00C, v6;
	[tilespmem:v8+s28+$0x0] =	vst.idx.msk $0xffff, v14  }
0xdb: {  	v28 =	vor.u32 $0x100, v18;
	v8 =	vld.idx.msk [tilespmem:v31+s18+$0x0], $0xffff;
	[tilespmem:$0x1FF10] =	vst v13;
	v13 =	vor.u32 $0x2200, v7  }
0xdc: {  	v56 =	vadd.s32 $0xD00D, v12;
	[tilespmem:$0x1FF20] =	vst v13  }
0xdd: {  	v10 =	vadd.s32 $0x8008, v6;
	v43 =	vor.u32 $0x2100, v7;
	v57 =	vadd.s32 $0x3003, v17;
	[tilespmem:v9+s28+$0x0] =	vst.idx.msk $0xffff, v15  }
0xde: {  	v22 =	vor.u32 $0x2000, v7;
	v0 =	vor.u32 $0x2080, v7;
	v7 =	vor.u32 $0x2280, v7;
	v13 =	vld.idx.msk [tilespmem:v20+s18+$0x0], $0xffff;
	[tilespmem:v26+s28+$0x0] =	vst.idx.msk $0xffff, v23  }
0xdf: {  	v39 =	vadd.s32 $0xA00A, v6;
	v41 =	vadd.s32 $0x9009, v6;
	v14 =	vor.u32 $0x180, v4;
	v24 =	vld.idx.msk [tilespmem:v24+s18+$0x0], $0xffff;
	[tilespmem:$0x1FF30] =	vst v7  }
0xe0: {  	v42 =	vadd.s32 $0xB00B, v6;
	v26 =	vor.u32 $0x2000, v2;
	v9 =	vadd.s32 $0xE00E, v6;
	[tilespmem:v28+s28+$0x0] =	vst.idx.msk $0xffff, v1  }
0xe1: {  	v23 =	vadd.s32 $0x4004, v3;
	v7 =	vld.idx.msk [tilespmem:v56+s18+$0x0], $0xffff;
	v1 =	vor.u32 $0x2280, v16;
	[tilespmem:$0x1FF40] =	vst v9;
	v9 =	vor.u32 $0x2300, v11  }
0xe2: {  	v15 =	vadd.s32 $0xD00D, v6;
	v6 =	vadd.s32 $0xF00F, v6;
	v28 =	vadd.s32 $0x9009, v33;
	[tilespmem:$0x1FF50] =	vst v9  }
0xe3: {  	s19 =	simm.s32 $0x1870;
	v21 =	vor.u32 $0x380, v11;
	v31 =	vld.idx.msk [tilespmem:v57+s18+$0x0], $0xffff;
	[tilespmem:$0x1FF60] =	vst v6  }
0xe4: {  	v58 =	vadd.s32 $0xE00E, v12;
	v9 =	vld [tilespmem:s19+$0x0];
	[tilespmem:v14+s28+$0x0] =	vst.idx.msk $0xffff, v13  }
0xe5: {  	v45 =	vor.u32 v25, v34;
	v6 =	vor.u32 $0x180, v18;
	v51 =	vld [tilespmem:s19+$0xFFFFFFF0];
	[tilespmem:v26+s28+$0x0] =	vst.idx.msk $0xffff, v24  }
0xe6: {  	v23 =	vld.idx.msk [tilespmem:v23+s18+$0x0], $0xffff;
	[tilespmem:v1+s28+$0x0] =	vst.idx.msk $0xffff, v7;
	v1 =	vor.u32 $0x380, v45  }
0xe7: {  	v20 =	vor.u32 $0x2380, v11;
	v11 =	vadd.s32 $0x4004, v17;
	v28 =	vld.idx.msk [tilespmem:v28+s18+$0x0], $0xffff;
	[tilespmem:$0x1FFF0] =	vst v1  }
0xe8: {  	[tilespmem:v21+s28+$0x0] =	vst.idx.msk $0xffff, v5  }
0xe9: {  	v25 =	vor.u32 $0x200, v4;
	s19 =	simm.s32 $0x70;
	v21 =	vld.idx.msk [tilespmem:v58+s18+$0x0], $0xffff;
	[tilespmem:v27+s28+$0x0] =	vst.idx.msk $0xffff, v8  }
0xea: {  	v8 =	vmov s19;
	[tilespmem:v6+s28+$0x0] =	vst.idx.msk $0xffff, v31;
	v6 =	vld.idx.msk [tilespmem:v10+s18+$0x0], $0xffff  }
0xeb: {  	v7 =	vor.u32 $0x2080, v2;
	v26 =	vshll.u32 v8, $0x3;
	v8 =	vld.idx.msk [tilespmem:v44+s18+$0x0], $0xffff  }
0xec: {  	v46 =	vor.u32 $0x2300, v16;
	v5 =	vadd.s32 $0x5005, v3;
	v11 =	vld.idx.msk [tilespmem:v11+s18+$0x0], $0xffff  }
0xed: {  	v49 =	vld.idx.msk [tilespmem:v9+s18+$0x0], $0xffff;
	[tilespmem:$0x1FF70] =	vst v26  }
0xee: {  	v60 =	vor.u32 $0x200, v18;
	v10 =	vadd.s32 $0xA00A, v33;
	[tilespmem:v25+s28+$0x0] =	vst.idx.msk $0xffff, v23;
	v25 =	vmovc v15;
	v15 =	vor.u32 $0x2080, v18  }
0xef: {  	v27 =	vadd.s32 $0xF00F, v12;
	[tilespmem:$0x1FF80] =	vst v15  }
0xf0: {  	v12 =	vor.u32 s19, v59;
	[tilespmem:v7+s28+$0x0] =	vst.idx.msk $0xffff, v28  }
0xf1: {  	v61 =	vadd.s32 $0x5005, v17;
	v1 =	vand.u32 $0x7F, v12;
	v12 =	vand.u32 $0x1C00, v26;
	v5 =	vld.idx.msk [tilespmem:v5+s18+$0x0], $0xffff;
	[tilespmem:v46+s28+$0x0] =	vst.idx.msk $0xffff, v21  }
0xf2: {  	s31 =	simm.s32 $0x60;
	v12 =	vor.u32 v1, v12;
	[tilespmem:v22+s28+$0x0] =	vst.idx.msk $0xffff, v6;
	v55 =	vld.idx.msk [tilespmem:v51+s18+$0x0], $0xffff  }
0xf3: {  	v62 =	vmov s31;
	v53 =	vor.u32 $0x280, v4;
	v15 =	vor.u32 $0x2100, v18;
	[tilespmem:v60+s28+$0x0] =	vst.idx.msk $0xffff, v11;
	v10 =	vld.idx.msk [tilespmem:v10+s18+$0x0], $0xffff  }
0xf4: {  	v63 =	vadd.s32 $0x6006, v3;
	v44 =	vshll.u32 v62, $0x3;
	v52 =	vadd.s32 $0x1001, v9;
	v54 =	vld.idx.msk [tilespmem:v27+s18+$0x0], $0xffff;
	[tilespmem:$0x1FF90] =	vst v15  }
0xf5: {  	v7 =	vor.u32 s31, v59;
	v6 =	vor.u32 $0x2100, v2;
	[tilespmem:v19+s28+$0x0] =	vst.idx.msk $0xffff, v8;
	v8 =	vadd.s32 $0xB00B, v17  }
0xf6: {  	v16 =	vor.u32 $0x2380, v16;
	v21 =	vand.u32 $0x1C00, v44;
	v7 =	vand.u32 $0x6F, v7;
	v56 =	vld.idx.msk [tilespmem:v61+s18+$0x0], $0xffff;
	[tilespmem:$0x1FFA0] =	vst v8  }
0xf7: {  	v57 =	vor.u32 v7, v21;
	[tilespmem:v12+s28+$0x0] =	vst.idx.msk $0xffff, v49  }
0xf8: {  	v13 =	vor.u32 $0x280, v18;
	v11 =	vadd.s32 $0xB00B, v33;
	[tilespmem:v53+s28+$0x0] =	vst.idx.msk $0xffff, v5;
	v5 =	vadd.s32 $0xD00D, v17  }
0xf9: {  	v8 =	vadd.s32 $0x1001, v51;
	v41 =	vld.idx.msk [tilespmem:v41+s18+$0x0], $0xffff;
	[tilespmem:$0x1FFB0] =	vst v5  }
0xfa: {  	v5 =	vld.idx.msk [tilespmem:v52+s18+$0x0], $0xffff;
	[tilespmem:v6+s28+$0x0] =	vst.idx.msk $0xffff, v10;
	v6 =	vor.u32 $0x80, v12  }
0xfb: {  	v14 =	vadd.s32 $0x6006, v17;
	v10 =	vld.idx.msk [tilespmem:v63+s18+$0x0], $0xffff;
	[tilespmem:v16+s28+$0x0] =	vst.idx.msk $0xffff, v54;
	v52 =	vor.u32 $0x300, v4  }
0xfc: {  	[tilespmem:v57+s28+$0x0] =	vst.idx.msk $0xffff, v55;
	v37 =	vld.idx.msk [tilespmem:v37+s18+$0x0], $0xffff  }
0xfd: {  	v34 =	vor.u32 $0x2180, v2;
	v49 =	vadd.s32 $0x2002, v9;
	[tilespmem:v13+s28+$0x0] =	vst.idx.msk $0xffff, v56;
	v11 =	vld.idx.msk [tilespmem:v11+s18+$0x0], $0xffff  }
0xfe: {  	v53 =	vadd.s32 $0x7007, v3;
	v13 =	vor.u32 $0x80, v57;
	v8 =	vld.idx.msk [tilespmem:v8+s18+$0x0], $0xffff;
	[tilespmem:v0+s28+$0x0] =	vst.idx.msk $0xffff, v41  }
0xff: {  	v58 =	vadd.s32 $0xC00C, v33;
	[tilespmem:v6+s28+$0x0] =	vst.idx.msk $0xffff, v5  }
0x100: {  	v47 =	vadd.s32 $0x7007, v17;
	v48 =	vor.u32 $0x300, v45;
	v40 =	vor.u32 $0x2200, v18;
	v14 =	vld.idx.msk [tilespmem:v14+s18+$0x0], $0xffff;
	[tilespmem:v52+s28+$0x0] =	vst.idx.msk $0xffff, v10  }
0x101: {  	v32 =	vor.u32 $0x2000, v18;
	v62 =	vadd.s32 $0x3003, v51;
	v60 =	vadd.s32 $0x2002, v51;
	v6 =	vld.idx.msk [tilespmem:v39+s18+$0x0], $0xffff;
	[tilespmem:v35+s28+$0x0] =	vst.idx.msk $0xffff, v37  }
0x102: {  	v23 =	vor.u32 $0x2180, v18;
	v16 =	vor.u32 $0x100, v12;
	v10 =	vor.u32 v29, v30;
	v61 =	vld.idx.msk [tilespmem:v49+s18+$0x0], $0xffff;
	[tilespmem:v34+s28+$0x0] =	vst.idx.msk $0xffff, v11  }
0x103: {  	v22 =	vor.u32 $0x2280, v18;
	v0 =	vor.u32 $0x2200, v57;
	v11 =	vld.idx.msk [tilespmem:v53+s18+$0x0], $0xffff;
	v10 =	vor.u32 $0x380, v10;
	[tilespmem:v13+s28+$0x0] =	vst.idx.msk $0xffff, v8  }
0x104: {  	v18 =	vor.u32 $0x2380, v45;
	v19 =	vor.u32 $0x2300, v45;
	v34 =	vadd.s32 $0x3003, v9;
	v54 =	vld.idx.msk [tilespmem:v58+s18+$0x0], $0xffff;
	[tilespmem:$0x1FFC0] =	vst v0  }
0x105: {  	v46 =	vor.u32 $0x200, v57;
	v45 =	vor.u32 $0x280, v57;
	v35 =	vor.u32 $0x2200, v2;
	v13 =	vld.idx.msk [tilespmem:v36+s18+$0x0], $0xffff;
	[tilespmem:v48+s28+$0x0] =	vst.idx.msk $0xffff, v14  }
0x106: {  	v27 =	vor.u32 $0x2280, v57;
	v63 =	vor.u32 $0x100, v57;
	v55 =	vor.u32 $0x180, v57;
	v14 =	vld.idx.msk [tilespmem:v60+s18+$0x0], $0xffff;
	[tilespmem:v43+s28+$0x0] =	vst.idx.msk $0xffff, v6  }
0x107: {  	v56 =	vor.u32 $0x2180, v57;
	v41 =	vor.u32 $0x2080, v57;
	v5 =	vor.u32 v44, v7;
	v15 =	vld.idx.msk [tilespmem:v47+s18+$0x0], $0xffff;
	[tilespmem:v16+s28+$0x0] =	vst.idx.msk $0xffff, v61  }
0x108: {  	v44 =	vor.u32 $0x2000, v57;
	v39 =	vor.u32 $0x2100, v57;
	v6 =	vadd.s32 $0xD00D, v51;
	v61 =	vld.idx.msk [tilespmem:v42+s18+$0x0], $0xffff;
	[tilespmem:v10+s28+$0x0] =	vst.idx.msk $0xffff, v11  }
0x109: {  	v57 =	vadd.s32 $0x4004, v51;
	v52 =	vadd.s32 $0x5005, v51;
	v37 =	vadd.s32 $0xE00E, v51;
	v8 =	vld.idx.msk [tilespmem:v34+s18+$0x0], $0xffff;
	[tilespmem:$0x1FFD0] =	vst v6  }
0x10a: {  	v49 =	vadd.s32 $0x6006, v51;
	v53 =	vadd.s32 $0xC00C, v51;
	v29 =	vor.u32 $0x2300, v5;
	[tilespmem:v35+s28+$0x0] =	vst.idx.msk $0xffff, v54  }
0x10b: {  	v58 =	vadd.s32 $0xF00F, v51;
	v48 =	vadd.s32 $0x7007, v51;
	v60 =	vadd.s32 $0x8008, v51;
	[tilespmem:v50+s28+$0x0] =	vst.idx.msk $0xffff, v13  }
0x10c: {  	v47 =	vadd.s32 $0x9009, v51;
	v43 =	vadd.s32 $0xA00A, v51;
	v42 =	vadd.s32 $0xB00B, v51;
	[tilespmem:v63+s28+$0x0] =	vst.idx.msk $0xffff, v14  }
0x10d: {  	v51 =	vor.u32 $0x300, v5;
	v50 =	vor.u32 $0x380, v5;
	v54 =	vor.u32 $0x2380, v5;
	v5 =	vld [tilespmem:$0x1FFE0];
	_ =	sdelay $0x7  }
0x10e: {  	v63 =	vld.idx.msk [tilespmem:v5+s18+$0x0], $0xffff  }
0x10f: {  	v5 =	vld [tilespmem:$0x1FFF0]  }
0x110: {  	v0 =	vadd.s32 $0x8008, v3  }
0x111: {  	v7 =	vadd.s32 $0xD00D, v33;
	_ =	sdelay $0x2  }
0x112: {  	v38 =	vadd.s32 $0xA00A, v17;
	v24 =	vadd.s32 $0x8008, v17;
	v31 =	vadd.s32 $0x9009, v17  }
0x113: {  	v26 =	vadd.s32 $0xC00C, v17;
	v21 =	vadd.s32 $0xE00E, v17;
	v17 =	vadd.s32 $0xF00F, v17;
	v6 =	vld.idx.msk [tilespmem:v0+s18+$0x0], $0xffff  }
0x114: {  	v11 =	vor.u32 $0x180, v12;
	v10 =	vadd.s32 $0x9009, v3;
	v13 =	vadd.s32 $0x4004, v9;
	v0 =	vld.idx.msk [tilespmem:v7+s18+$0x0], $0xffff  }
0x115: {  	s30 =	simm.s32 $0x1890;
	s10 =	simm.s32 $0x6;
	v7 =	vor.u32 $0x2000, v4;
	v14 =	vld.idx.msk [tilespmem:v62+s18+$0x0], $0xffff;
	v62 =	vadd.s32 $0xE00E, v33;
	[tilespmem:v5+s28+$0x0] =	vst.idx.msk $0xffff, v15;
	v5 =	vor.u32 $0x2280, v2  }
.LBB2_7:
0x116: {  	v16 =	vld [tilespmem:$0x1FF00];
	_ =	sdelay $0x6  }
0x117: {  	v15 =	vld [tilespmem:s30+$0x0];
	[tilespmem:v11+s28+$0x0] =	vst.idx.msk $0xffff, v8  }
0x118: {  	v11 =	vld [tilespmem:$0x1FEF0];
	[tilespmem:v16+s28+$0x0] =	vst.idx.msk $0xffff, v61;
	v16 =	vmov v56  }
0x119: {  	[tilespmem:$0x1FEC0] =	vst v16;
	v16 =	vld [tilespmem:$0x1FF60];
	_ =	sdelay $0x4  }
0x11a: {  	v28 =	vmov v23;
	v23 =	vmov v16;
	v16 =	vmov v17  }
0x11b: {  	v8 =	vld.idx.msk [tilespmem:v13+s18+$0x0], $0xffff;
	[tilespmem:v7+s28+$0x0] =	vst.idx.msk $0xffff, v6  }
0x11c: {  	[tilespmem:$0x1FF60] =	vst v16  }
0x11d: {  	v16 =	vmov v58;
	v58 =	vld [tilespmem:s30+$0xFFFFFFF0];
	[tilespmem:v11+s28+$0x0] =	vst.idx.msk $0xffff, v63  }
0x11e: {  	v7 =	vld.idx.msk [tilespmem:v10+s18+$0x0], $0xffff;
	[tilespmem:v55+s28+$0x0] =	vst.idx.msk $0xffff, v14  }
0x11f: {  	[tilespmem:v5+s28+$0x0] =	vst.idx.msk $0xffff, v0;
	v13 =	vmov v20;
	v56 =	vld.idx.msk [tilespmem:v57+s18+$0x0], $0xffff  }
0x120: {  	v0 =	vadd.s32 $0x5005, v9;
	[tilespmem:$0x1FEF0] =	vst v13;
	v13 =	vadd.s32 $0xA00A, v3;
	v57 =	vadd.s32 $0xF00F, v33;
	v33 =	vmovc v3;
	v3 =	vmovc v9;
	v9 =	vld [tilespmem:$0x1FF10];
	_ =	sdelay $0x2  }
0x121: {  	v11 =	vmov v18  }
0x122: {  	[tilespmem:$0x1FEA0] =	vst v11;
	v11 =	vld.idx.msk [tilespmem:v24+s18+$0x0], $0xffff;
	_ =	sdelay $0x2  }
0x123: {  	v6 =	vor.u32 $0x200, v12;
	[tilespmem:$0x1FF00] =	vst v28;
	v18 =	vmov v60  }
0x124: {  	v5 =	vor.u32 $0x2080, v4;
	[tilespmem:$0x1FE90] =	vst v18;
	v34 =	vld.idx.msk [tilespmem:v9+s18+$0x0], $0xffff  }
0x125: {  	s19 =	sadd.s32 $0x20, s19;
	v14 =	vor.u32 $0x2300, v2;
	v18 =	vor.u32 $0x2380, v2;
	v2 =	vmovc v4;
	[tilespmem:v32+s28+$0x0] =	vst.idx.msk $0xffff, v11;
	v11 =	vor.u32 $0x2100, v4;
	v4 =	vld [tilespmem:$0x1FF20]  }
0x126: {  	s31 =	sadd.s32 $0xFFFFFFF0, s19;
	v36 =	vor.u32 s19, v59;
	v10 =	vld.idx.msk [tilespmem:v62+s18+$0x0], $0xffff;
	[tilespmem:$0x1FE80] =	vst v16;
	v55 =	vmov s19;
	v16 =	vmov v54  }
0x127: {  	v35 =	vmov s31;
	v28 =	vld [tilespmem:$0x1FF30];
	v61 =	vand.u32 $0x7F, v36;
	[tilespmem:$0x1FEE0] =	vst v16;
	v16 =	vshll.u32 v55, $0x3  }
0x128: {  	v60 =	vshll.u32 v35, $0x3;
	v35 =	vand.u32 $0x1C00, v16;
	v9 =	vmovc v15;
	v15 =	vld.idx.msk [tilespmem:v15+s18+$0x0], $0xffff;
	[tilespmem:v6+s28+$0x0] =	vst.idx.msk $0xffff, v8;
	v6 =	vmov v53  }
0x129: {  	v36 =	vor.u32 v61, v35;
	[tilespmem:$0x1FED0] =	vst v6;
	v6 =	vor.u32 s31, v59;
	v0 =	vld.idx.msk [tilespmem:v0+s18+$0x0], $0xffff  }
0x12a: {  	[tilespmem:v5+s28+$0x0] =	vst.idx.msk $0xffff, v7;
	v59 =	vld.idx.msk [tilespmem:v58+s18+$0x0], $0xffff;
	v5 =	vand.u32 $0x6F, v6;
	v6 =	vadd.s32 $0x1001, v9  }
0x12b: {  	v8 =	vand.u32 $0x1C00, v60;
	v7 =	vor.u32 $0x280, v12;
	[tilespmem:v46+s28+$0x0] =	vst.idx.msk $0xffff, v56;
	v13 =	vld.idx.msk [tilespmem:v13+s18+$0x0], $0xffff  }
0x12c: {  	[tilespmem:v14+s28+$0x0] =	vst.idx.msk $0xffff, v10;
	v10 =	vadd.s32 $0x6006, v3;
	v20 =	vld.idx.msk [tilespmem:v52+s18+$0x0], $0xffff;
	v8 =	vor.u32 v5, v8  }
0x12d: {  	[tilespmem:v4+s28+$0x0] =	vst.idx.msk $0xffff, v34;
	v34 =	vmov v27;
	v27 =	vld [tilespmem:$0x1FF80]  }
0x12e: {  	v56 =	vadd.s32 $0xB00B, v33;
	v14 =	vld.idx.msk [tilespmem:v57+s18+$0x0], $0xffff;
	[tilespmem:v36+s28+$0x0] =	vst.idx.msk $0xffff, v15  }
0x12f: {  	[tilespmem:$0x1FEB0] =	vst v23;
	v54 =	vadd.s32 $0x1001, v58;
	v6 =	vld.idx.msk [tilespmem:v6+s18+$0x0], $0xffff  }
0x130: {  	[tilespmem:v7+s28+$0x0] =	vst.idx.msk $0xffff, v0;
	v4 =	vmov v12;
	v12 =	vmov v36;
	v15 =	vld.idx.msk [tilespmem:v31+s18+$0x0], $0xffff  }
0x131: {  	v10 =	vld.idx.msk [tilespmem:v10+s18+$0x0], $0xffff;
	v7 =	vor.u32 $0x80, v12;
	[tilespmem:v8+s28+$0x0] =	vst.idx.msk $0xffff, v59  }
0x132: {  	[tilespmem:v11+s28+$0x0] =	vst.idx.msk $0xffff, v13;
	v24 =	vld.idx.msk [tilespmem:v25+s18+$0x0], $0xffff  }
0x133: {  	v23 =	vld.idx.msk [tilespmem:v56+s18+$0x0], $0xffff;
	[tilespmem:v18+s28+$0x0] =	vst.idx.msk $0xffff, v14  }
0x134: {  	v25 =	vmov v40;
	v40 =	vld.idx.msk [tilespmem:v54+s18+$0x0], $0xffff;
	[tilespmem:v45+s28+$0x0] =	vst.idx.msk $0xffff, v20  }
0x135: {  	v17 =	vmov v26;
	v26 =	vld.idx.msk [tilespmem:v49+s18+$0x0], $0xffff;
	[tilespmem:v27+s28+$0x0] =	vst.idx.msk $0xffff, v15  }
0x136: {  	[tilespmem:v7+s28+$0x0] =	vst.idx.msk $0xffff, v6;
	v6 =	vld.idx.msk [tilespmem:v38+s18+$0x0], $0xffff  }
0x137: {  	[tilespmem:v28+s28+$0x0] =	vst.idx.msk $0xffff, v24;
	v28 =	vld [tilespmem:$0x1FF40]  }
0x138: {  	[tilespmem:$0x1FF10] =	vst v17;
	v17 =	vor.u32 $0x80, v8  }
0x139: {  	v30 =	vmov v19;
	v19 =	vadd.s32 $0x2002, v58;
	_ =	sdelay $0x3  }
0x13a: {  	[tilespmem:v17+s28+$0x0] =	vst.idx.msk $0xffff, v40  }
0x13b: {  	v0 =	vor.u32 v60, v5;
	v5 =	vadd.s32 $0x7007, v58;
	v19 =	vld.idx.msk [tilespmem:v19+s18+$0x0], $0xffff  }
0x13c: {  	v11 =	vor.u32 $0x300, v0;
	v13 =	vadd.s32 $0x2002, v9;
	v28 =	vld.idx.msk [tilespmem:v28+s18+$0x0], $0xffff  }
0x13d: {  	v32 =	vmov v22;
	v22 =	vor.u32 $0x300, v4;
	[tilespmem:v51+s28+$0x0] =	vst.idx.msk $0xffff, v26;
	v51 =	vmov v11;
	v11 =	vld [tilespmem:$0x1FF90]  }
0x13e: {  	v26 =	vld.idx.msk [tilespmem:v48+s18+$0x0], $0xffff;
	v48 =	vmov v5;
	v5 =	vmov v39  }
0x13f: {  	[tilespmem:$0x1FF90] =	vst v5;
	v5 =	vld [tilespmem:$0x1FFA0];
	_ =	sdelay $0x1  }
0x140: {  	v13 =	vld.idx.msk [tilespmem:v13+s18+$0x0], $0xffff  }
0x141: {  	[tilespmem:v22+s28+$0x0] =	vst.idx.msk $0xffff, v10;
	v22 =	vld [tilespmem:$0x1FF70];
	_ =	sdelay $0x3  }
0x142: {  	[tilespmem:v11+s28+$0x0] =	vst.idx.msk $0xffff, v6  }
0x143: {  	v22 =	vor.u32 v1, v22;
	v1 =	vmov v61;
	v61 =	vld.idx.msk [tilespmem:v5+s18+$0x0], $0xffff;
	v5 =	vmov v42  }
0x144: {  	[tilespmem:$0x1FFA0] =	vst v5;
	v5 =	vld [tilespmem:$0x1FFC0];
	_ =	sdelay $0x1  }
0x145: {  	v63 =	vor.u32 $0x100, v8;
	v55 =	vor.u32 $0x180, v8  }
0x146: {  	v46 =	vor.u32 $0x200, v8;
	v14 =	vadd.s32 $0x7007, v3;
	v59 =	vor.u32 $0x2180, v2;
	v7 =	vmovc v41  }
0x147: {  	v53 =	vor.u32 $0x280, v8;
	v36 =	vmovc v44;
	v44 =	vor.u32 $0x2000, v8;
	[tilespmem:$0x1FF80] =	vst v7;
	v7 =	vor.u32 $0x2200, v8  }
0x148: {  	v56 =	vor.u32 $0x2180, v8;
	v20 =	vadd.s32 $0xC00C, v33;
	v54 =	vor.u32 $0x2080, v8;
	v40 =	vmovc v5;
	v5 =	vmovc v7  }
0x149: {  	v10 =	vor.u32 $0x2280, v8;
	v15 =	vor.u32 $0x2100, v8;
	v8 =	vor.u32 $0x100, v12;
	[tilespmem:$0x1FFC0] =	vst v5;
	v5 =	vld [tilespmem:$0x1FFB0]  }
0x14a: {  	[tilespmem:$0x1FF20] =	vst v25  }
0x14b: {  	v25 =	vadd.s32 $0xA00A, v58;
	v14 =	vld.idx.msk [tilespmem:v14+s18+$0x0], $0xffff;
	[tilespmem:v59+s28+$0x0] =	vst.idx.msk $0xffff, v23;
	v59 =	vadd.s32 $0x3003, v9  }
0x14c: {  	v22 =	vor.u32 $0x380, v22  }
0x14d: {  	v20 =	vld.idx.msk [tilespmem:v20+s18+$0x0], $0xffff  }
0x14e: {  	v38 =	vmovc v43;
	v43 =	vmov v25;
	[tilespmem:v8+s28+$0x0] =	vst.idx.msk $0xffff, v13;
	v6 =	vld [tilespmem:$0x1FFD0];
	v25 =	vmov v5;
	v5 =	vmov v32  }
0x14f: {  	v35 =	vmovc v21;
	v21 =	vadd.s32 $0x6006, v58;
	v24 =	vmov v16;
	v17 =	vadd.s32 $0x8008, v3;
	[tilespmem:$0x1FF30] =	vst v5;
	v5 =	vld [tilespmem:$0x1FF50]  }
0x150: {  	v49 =	vmov v21;
	v21 =	vadd.s32 $0xB00B, v58;
	[tilespmem:$0x1FF70] =	vst v24;
	v24 =	vor.u32 $0x2200, v2;
	v8 =	vld.idx.msk [tilespmem:v59+s18+$0x0], $0xffff  }
0x151: {  	[tilespmem:v22+s28+$0x0] =	vst.idx.msk $0xffff, v14;
	v14 =	vld [tilespmem:$0x1FEB0]  }
0x152: {  	v18 =	vor.u32 $0x380, v0;
	v41 =	vmovc v54;
	v54 =	vor.u32 $0x2380, v0;
	v23 =	vadd.s32 $0xE00E, v58  }
0x153: {  	v16 =	vor.u32 $0x2300, v0;
	v0 =	vadd.s32 $0xD00D, v33;
	v42 =	vmovc v21;
	v21 =	vmovc v37;
	v37 =	vmov v23;
	v23 =	vld [tilespmem:$0x1FEC0]  }
0x154: {  	v13 =	vmov v6;
	v6 =	vld.idx.msk [tilespmem:v17+s18+$0x0], $0xffff  }
0x155: {  	v62 =	vadd.s32 $0x3003, v58;
	v17 =	vld [tilespmem:$0x1FE80];
	[tilespmem:v24+s28+$0x0] =	vst.idx.msk $0xffff, v20  }
0x156: {  	s10 =	sadd.s32 $0x2, s10;
	v24 =	vld [tilespmem:$0x1FE90];
	[tilespmem:$0x1FFB0] =	vst v13  }
0x157: {  	p0 =	slt.u32 s10, $0x3E;
	v52 =	vadd.s32 $0x5005, v58;
	v27 =	vadd.s32 $0xD00D, v58;
	v20 =	vld [tilespmem:$0x1FEA0];
	[tilespmem:v5+s28+$0x0] =	vst.idx.msk $0xffff, v28  }
.Ltmp2:
0x158: {  	v57 =	vadd.s32 $0x4004, v58;
	v60 =	vadd.s32 $0x8008, v58;
	v31 =	vmovc v47;
	v0 =	vld.idx.msk [tilespmem:v0+s18+$0x0], $0xffff;
	v7 =	vmov v27;
	[tilespmem:v63+s28+$0x0] =	vst.idx.msk $0xffff, v19;
	(pc) =	sbr.rel @p0 .LBB2_7-.Ltmp2, $4  }
0x159: {  	v47 =	vadd.s32 $0x9009, v58;
	v45 =	vmovc v53;
	v53 =	vadd.s32 $0xC00C, v58;
	v58 =	vadd.s32 $0xF00F, v58;
	[tilespmem:$0x1FFD0] =	vst v7;
	v63 =	vld.idx.msk [tilespmem:v14+s18+$0x0], $0xffff;
	v14 =	vmovc v30  }
0x15a: {  	v59 =	vlaneseq.u32;
	v39 =	vmovc v15;
	v22 =	vmovc v34;
	v11 =	vor.u32 $0x180, v12;
	v27 =	vmov v10;
	[tilespmem:$0x1FF50] =	vst v14;
	v14 =	vld.idx.msk [tilespmem:v62+s18+$0x0], $0xffff  }
0x15b: {  	v10 =	vadd.s32 $0x9009, v3;
	v13 =	vadd.s32 $0x4004, v9;
	v7 =	vor.u32 $0x2000, v4;
	v32 =	vmovc v36;
	v5 =	vmovc v35;
	[tilespmem:v50+s28+$0x0] =	vst.idx.msk $0xffff, v26;
	v26 =	vld [tilespmem:$0x1FED0]  }
0x15c: {  	s30 =	sadd.s32 $0x20, s30;
	[tilespmem:$0x1FF40] =	vst v5;
	v5 =	vor.u32 $0x2280, v2;
	v19 =	vmovc v29;
	v29 =	vmovc v16;
	v62 =	vadd.s32 $0xE00E, v33;
	v50 =	vmov v18;
	v18 =	vld [tilespmem:$0x1FEE0]  }
0x15d: {  	_ =	sdelay $0x3  }
0x15e: {  	[tilespmem:v11+s28+$0x0] =	vst.idx.msk $0xffff, v8  }
0x15f: {  	v28 =	vor.u32 $0x200, v12;
	v8 =	vld.idx.msk [tilespmem:v13+s18+$0x0], $0xffff  }
0x160: {  	v34 =	vadd.s32 $0x5005, v9;
	_ =	sdelay $0x2  }
0x161: {  	[tilespmem:v55+s28+$0x0] =	vst.idx.msk $0xffff, v14  }
0x162: {  	v30 =	vld.idx.msk [tilespmem:v57+s18+$0x0], $0xffff;
	[tilespmem:v28+s28+$0x0] =	vst.idx.msk $0xffff, v8  }
0x163: {  	v35 =	vor.u32 $0x280, v12;
	v8 =	vld.idx.msk [tilespmem:v34+s18+$0x0], $0xffff  }
0x164: {  	v36 =	vadd.s32 $0x6006, v9;
	_ =	sdelay $0x2  }
0x165: {  	[tilespmem:v46+s28+$0x0] =	vst.idx.msk $0xffff, v30  }
0x166: {  	v13 =	vld.idx.msk [tilespmem:v52+s18+$0x0], $0xffff;
	[tilespmem:v35+s28+$0x0] =	vst.idx.msk $0xffff, v8  }
0x167: {  	v46 =	vor.u32 $0x300, v12;
	v8 =	vld.idx.msk [tilespmem:v36+s18+$0x0], $0xffff;
	_ =	sdelay $0x3  }
0x168: {  	[tilespmem:v45+s28+$0x0] =	vst.idx.msk $0xffff, v13  }
0x169: {  	v13 =	vld.idx.msk [tilespmem:v49+s18+$0x0], $0xffff;
	[tilespmem:v46+s28+$0x0] =	vst.idx.msk $0xffff, v8  }
0x16a: {  	v8 =	vld [tilespmem:$0x1FF70]  }
0x16b: {  	v49 =	vadd.s32 $0x7007, v9;
	_ =	sdelay $0x2  }
0x16c: {  	[tilespmem:v51+s28+$0x0] =	vst.idx.msk $0xffff, v13  }
0x16d: {  	v55 =	vld.idx.msk [tilespmem:v48+s18+$0x0], $0xffff;
	v8 =	vor.u32 v1, v8  }
0x16e: {  	v11 =	vld.idx.msk [tilespmem:v49+s18+$0x0], $0xffff;
	v8 =	vor.u32 $0x380, v8  }
0x16f: {  	v52 =	vadd.s32 $0x8008, v9;
	_ =	sdelay $0x1  }
0x170: {  	v57 =	vld.idx.msk [tilespmem:v24+s18+$0x0], $0xffff;
	[tilespmem:v7+s28+$0x0] =	vst.idx.msk $0xffff, v6  }
0x171: {  	v7 =	vor.u32 $0x2080, v4;
	v6 =	vld.idx.msk [tilespmem:v10+s18+$0x0], $0xffff;
	[tilespmem:v50+s28+$0x0] =	vst.idx.msk $0xffff, v55  }
0x172: {  	v15 =	vld.idx.msk [tilespmem:v60+s18+$0x0], $0xffff;
	[tilespmem:v8+s28+$0x0] =	vst.idx.msk $0xffff, v11  }
0x173: {  	v24 =	vor.u32 $0x2000, v12;
	v11 =	vld.idx.msk [tilespmem:v52+s18+$0x0], $0xffff;
	_ =	sdelay $0x1  }
0x174: {  	[tilespmem:v32+s28+$0x0] =	vst.idx.msk $0xffff, v57  }
0x175: {  	[tilespmem:v7+s28+$0x0] =	vst.idx.msk $0xffff, v6  }
0x176: {  	[tilespmem:v44+s28+$0x0] =	vst.idx.msk $0xffff, v15  }
0x177: {  	[tilespmem:v24+s28+$0x0] =	vst.idx.msk $0xffff, v11  }
0x178: {  	v6 =	vld [tilespmem:$0x1FF80];
	_ =	sdelay $0x1  }
0x179: {  	v28 =	vadd.s32 $0x9009, v9  }
0x17a: {  	v30 =	vadd.s32 $0xA00A, v3;
	v32 =	vld.idx.msk [tilespmem:v31+s18+$0x0], $0xffff;
	_ =	sdelay $0x2  }
0x17b: {  	v15 =	vld.idx.msk [tilespmem:v47+s18+$0x0], $0xffff  }
0x17c: {  	v34 =	vor.u32 $0x2080, v12;
	v11 =	vld.idx.msk [tilespmem:v28+s18+$0x0], $0xffff  }
0x17d: {  	v7 =	vor.u32 $0x2100, v4;
	[tilespmem:v6+s28+$0x0] =	vst.idx.msk $0xffff, v32;
	v6 =	vld.idx.msk [tilespmem:v30+s18+$0x0], $0xffff;
	_ =	sdelay $0x2  }
0x17e: {  	v35 =	vadd.s32 $0xA00A, v9;
	[tilespmem:v41+s28+$0x0] =	vst.idx.msk $0xffff, v15  }
0x17f: {  	[tilespmem:v34+s28+$0x0] =	vst.idx.msk $0xffff, v11  }
0x180: {  	[tilespmem:v7+s28+$0x0] =	vst.idx.msk $0xffff, v6  }
0x181: {  	v6 =	vld [tilespmem:$0x1FF90];
	_ =	sdelay $0x1  }
0x182: {  	v41 =	vor.u32 $0x2100, v12;
	v11 =	vld.idx.msk [tilespmem:v35+s18+$0x0], $0xffff  }
0x183: {  	v10 =	vld.idx.msk [tilespmem:v38+s18+$0x0], $0xffff  }
0x184: {  	v15 =	vld.idx.msk [tilespmem:v43+s18+$0x0], $0xffff;
	_ =	sdelay $0x2  }
0x185: {  	v36 =	vadd.s32 $0xB00B, v3;
	[tilespmem:v41+s28+$0x0] =	vst.idx.msk $0xffff, v11  }
0x186: {  	[tilespmem:v6+s28+$0x0] =	vst.idx.msk $0xffff, v10  }
0x187: {  	v10 =	vld [tilespmem:$0x1FFA0];
	[tilespmem:v39+s28+$0x0] =	vst.idx.msk $0xffff, v15  }
0x188: {  	v44 =	vadd.s32 $0xB00B, v9;
	v16 =	vld [tilespmem:$0x1FF00];
	_ =	sdelay $0x1  }
0x189: {  	v7 =	vor.u32 $0x2180, v4;
	v6 =	vld.idx.msk [tilespmem:v36+s18+$0x0], $0xffff;
	_ =	sdelay $0x2  }
0x18a: {  	v46 =	vor.u32 $0x2180, v12;
	v11 =	vld.idx.msk [tilespmem:v44+s18+$0x0], $0xffff  }
0x18b: {  	v15 =	vld.idx.msk [tilespmem:v42+s18+$0x0], $0xffff  }
0x18c: {  	[tilespmem:v7+s28+$0x0] =	vst.idx.msk $0xffff, v6  }
0x18d: {  	v45 =	vadd.s32 $0xC00C, v3;
	v10 =	vld.idx.msk [tilespmem:v10+s18+$0x0], $0xffff;
	[tilespmem:v16+s28+$0x0] =	vst.idx.msk $0xffff, v61  }
0x18e: {  	v6 =	vld [tilespmem:$0x1FF10]  }
0x18f: {  	v47 =	vadd.s32 $0xC00C, v9;
	[tilespmem:v46+s28+$0x0] =	vst.idx.msk $0xffff, v11  }
0x190: {  	[tilespmem:v56+s28+$0x0] =	vst.idx.msk $0xffff, v15  }
0x191: {  	[tilespmem:v5+s28+$0x0] =	vst.idx.msk $0xffff, v0  }
0x192: {  	v7 =	vld.idx.msk [tilespmem:v45+s18+$0x0], $0xffff;
	[tilespmem:v23+s28+$0x0] =	vst.idx.msk $0xffff, v10  }
0x193: {  	v48 =	vor.u32 $0x2200, v4;
	v15 =	vld [tilespmem:$0x1FF20]  }
0x194: {  	v51 =	vor.u32 $0x2200, v12;
	v13 =	vld.idx.msk [tilespmem:v47+s18+$0x0], $0xffff  }
0x195: {  	v50 =	vld.idx.msk [tilespmem:v26+s18+$0x0], $0xffff  }
0x196: {  	v6 =	vld.idx.msk [tilespmem:v6+s18+$0x0], $0xffff;
	_ =	sdelay $0x1  }
0x197: {  	[tilespmem:v48+s28+$0x0] =	vst.idx.msk $0xffff, v7  }
0x198: {  	[tilespmem:v51+s28+$0x0] =	vst.idx.msk $0xffff, v13  }
0x199: {  	[tilespmem:v40+s28+$0x0] =	vst.idx.msk $0xffff, v50  }
0x19a: {  	[tilespmem:v15+s28+$0x0] =	vst.idx.msk $0xffff, v6  }
0x19b: {  	v1 =	vld [tilespmem:$0x1FFC0];
	_ =	sdelay $0x2  }
0x19c: {  	v5 =	vld.idx.msk [tilespmem:v53+s18+$0x0], $0xffff;
	_ =	sdelay $0x4  }
0x19d: {  	v11 =	vld [tilespmem:$0x1FFB0];
	[tilespmem:v1+s28+$0x0] =	vst.idx.msk $0xffff, v5  }
0x19e: {  	v13 =	vld [tilespmem:$0x1FEF0];
	_ =	sdelay $0x6  }
0x19f: {  	v49 =	vadd.s32 $0xD00D, v3  }
0x1a0: {  	[tilespmem:v13+s28+$0x0] =	vst.idx.msk $0xffff, v63  }
0x1a1: {  	v1 =	vld [tilespmem:$0x1FFD0]  }
0x1a2: {  	v15 =	vld [tilespmem:$0x1FF30]  }
0x1a3: {  	v0 =	vadd.s32 $0xD00D, v9  }
0x1a4: {  	v52 =	vor.u32 $0x2280, v4;
	v7 =	vld.idx.msk [tilespmem:v49+s18+$0x0], $0xffff  }
0x1a5: {  	v6 =	vld.idx.msk [tilespmem:v25+s18+$0x0], $0xffff;
	_ =	sdelay $0x1  }
0x1a6: {  	v11 =	vld.idx.msk [tilespmem:v11+s18+$0x0], $0xffff  }
0x1a7: {  	v0 =	vld.idx.msk [tilespmem:v0+s18+$0x0], $0xffff;
	v5 =	vor.u32 $0x2280, v12  }
0x1a8: {  	[tilespmem:v52+s28+$0x0] =	vst.idx.msk $0xffff, v7;
	v56 =	vld.idx.msk [tilespmem:v1+s18+$0x0], $0xffff  }
0x1a9: {  	v57 =	vor.u32 $0x2300, v2;
	[tilespmem:v15+s28+$0x0] =	vst.idx.msk $0xffff, v6;
	v6 =	vld.idx.msk [tilespmem:v62+s18+$0x0], $0xffff  }
0x1aa: {  	v7 =	vld [tilespmem:$0x1FF40]  }
0x1ab: {  	[tilespmem:v22+s28+$0x0] =	vst.idx.msk $0xffff, v11  }
0x1ac: {  	v53 =	vadd.s32 $0xE00E, v3;
	[tilespmem:v5+s28+$0x0] =	vst.idx.msk $0xffff, v0  }
0x1ad: {  	[tilespmem:v27+s28+$0x0] =	vst.idx.msk $0xffff, v56  }
0x1ae: {  	[tilespmem:v57+s28+$0x0] =	vst.idx.msk $0xffff, v6  }
0x1af: {  	v63 =	vld [tilespmem:$0x1FF50];
	_ =	sdelay $0x1  }
0x1b0: {  	v60 =	vor.u32 $0x2300, v4;
	v8 =	vld.idx.msk [tilespmem:v53+s18+$0x0], $0xffff  }
0x1b1: {  	v55 =	vadd.s32 $0xE00E, v9;
	v7 =	vld.idx.msk [tilespmem:v7+s18+$0x0], $0xffff;
	_ =	sdelay $0x2  }
0x1b2: {  	v1 =	vadd.s32 $0xF00F, v33  }
0x1b3: {  	v0 =	vadd.s32 $0xF00F, v3;
	v3 =	vld.idx.msk [tilespmem:v21+s18+$0x0], $0xffff;
	[tilespmem:v60+s28+$0x0] =	vst.idx.msk $0xffff, v8  }
0x1b4: {  	v5 =	vld.idx.msk [tilespmem:v55+s18+$0x0], $0xffff;
	[tilespmem:v63+s28+$0x0] =	vst.idx.msk $0xffff, v7  }
0x1b5: {  	v61 =	vor.u32 $0x2300, v12;
	v7 =	vld [tilespmem:$0x1FF60]  }
0x1b6: {  	v6 =	vadd.s32 $0xF00F, v9;
	v62 =	vld.idx.msk [tilespmem:v37+s18+$0x0], $0xffff  }
0x1b7: {  	v2 =	vor.u32 $0x2380, v2;
	v1 =	vld.idx.msk [tilespmem:v1+s18+$0x0], $0xffff;
	_ =	sdelay $0x1  }
0x1b8: {  	v0 =	vld.idx.msk [tilespmem:v0+s18+$0x0], $0xffff;
	[tilespmem:v19+s28+$0x0] =	vst.idx.msk $0xffff, v3;
	v3 =	vor.u32 $0x2380, v4  }
0x1b9: {  	[tilespmem:v61+s28+$0x0] =	vst.idx.msk $0xffff, v5;
	v4 =	vld.idx.msk [tilespmem:v17+s18+$0x0], $0xffff  }
0x1ba: {  	[tilespmem:v29+s28+$0x0] =	vst.idx.msk $0xffff, v62;
	v5 =	vld.idx.msk [tilespmem:v6+s18+$0x0], $0xffff;
	v6 =	vor.u32 $0x2380, v12  }
0x1bb: {  	[tilespmem:v2+s28+$0x0] =	vst.idx.msk $0xffff, v1;
	v1 =	vld.idx.msk [tilespmem:v58+s18+$0x0], $0xffff  }
0x1bc: {  	v7 =	vld.idx.msk [tilespmem:v7+s18+$0x0], $0xffff  }
0x1bd: {  	s10 =	smul.u32 $0xC8000, s15;
	[tilespmem:v3+s28+$0x0] =	vst.idx.msk $0xffff, v0  }
0x1be: {  	s14 =	sshll.u32 s14, $0xE;
	[tilespmem:v18+s28+$0x0] =	vst.idx.msk $0xffff, v4  }
0x1bf: {  	s10 =	sadd.s32 s10, s14;
	[tilespmem:v6+s28+$0x0] =	vst.idx.msk $0xffff, v5  }
0x1c0: {  	s10 =	sshrl.u32 s10, $0x3;
	[tilespmem:v54+s28+$0x0] =	vst.idx.msk $0xffff, v1  }
0x1c1: {  	s10 =	sadd.s32 s2, s10;
	[tilespmem:v20+s28+$0x0] =	vst.idx.msk $0xffff, v7  }
0x1c2: {  	[hbm4b:s10+s3] =	stream.linear.scatter [tilespmem:s28], [sflag:$0x4], $0x4000, $0x38;
	[tilespmem:$0x1A080] =	vst v63  }
0x1c3: {  	_ =	swait.ge [sflag:s1], $0x400  }
0x1c4: {  	[sflag:s1] =	ssyncset.done $0x0  }
0x1c5: {  	[sflag:s1] =	ssyncadd.s32 $0xFFFFFC00  }
0x1c6: {  	_ =	swait.ge [sflag:s22], $0x400  }
0x1c7: {  	[sflag:s22] =	ssyncset.done $0x0  }
0x1c8: {  	[sflag:s22] =	ssyncadd.s32 $0xFFFFFC00  }
0x1c9: {  	_ =	swait.ge [sflag:s22], $0x400  }
0x1ca: {  	[sflag:s22] =	ssyncset.done $0x0  }
0x1cb: {  	s31 =	simm.s32 $0x20;
	[sflag:s22] =	ssyncadd.s32 $0xFFFFFC00  }
0x1cc: {  	s14 =	simm.s32 $0x420;
	v3 =	vld [tilespmem:s31+$0x10]  }
0x1cd: {  	v4 =	vld [tilespmem:s14+$0x10]  }
0x1ce: {  	v5 =	vld [tilespmem:s31+$0xFFFFFFF0]  }
0x1cf: {  	v0 =	vld [tilespmem:s31+$0x0]  }
0x1d0: {  	v1 =	vld [tilespmem:s31+$0xFFFFFFE0]  }
0x1d1: {  	v2 =	vld [tilespmem:s14+$0xFFFFFFE0];
	v3 =	vshll.u32 v3, $0xC  }
0x1d2: {  	s10 =	simm.s32 $0x1020;
	v4 =	vadd.s32 v4, v3;
	v3 =	vld [tilespmem:s14+$0xFFFFFFF0]  }
0x1d3: {  	s15 =	simm.s32 $0x0;
	s19 =	simm.s32 $0x60;
	v5 =	vshll.u32 v5, $0xC;
	[tilespmem:s10+$0x10] =	vst v4;
	v4 =	vld [tilespmem:s14+$0x0]  }
.LBB2_9:
0x1d4: {  	v6 =	vld [tilespmem:s19+$0x10];
	s15 =	sadd.s32 $0x4, s15;
	v7 =	vshll.u32 v0, $0xC;
	s14 =	sadd.s32 $0x40, s14  }
0x1d5: {  	v8 =	vld [tilespmem:s14+$0x10];
	p0 =	slt.u32 s15, $0x3C;
	v0 =	vshll.u32 v1, $0xC  }
0x1d6: {  	v9 =	vld [tilespmem:s19+$0xFFFFFFF0];
	v1 =	vadd.s32 v2, v0  }
.Ltmp3:
0x1d7: {  	v0 =	vld [tilespmem:s19+$0x0];
	[tilespmem:s10+$0xFFFFFFE0] =	vst v1;
	v2 =	vadd.s32 v3, v5;
	(pc) =	sbr.rel @p0 .LBB2_9-.Ltmp3, $4  }
0x1d8: {  	v1 =	vld [tilespmem:s19+$0xFFFFFFE0];
	[tilespmem:s10+$0xFFFFFFF0] =	vst v2;
	v3 =	vadd.s32 v4, v7  }
0x1d9: {  	v2 =	vld [tilespmem:s14+$0xFFFFFFE0];
	v4 =	vshll.u32 v6, $0xC;
	[tilespmem:s10+$0x0] =	vst v3  }
0x1da: {  	s10 =	sadd.s32 $0x40, s10;
	v3 =	vld [tilespmem:s14+$0xFFFFFFF0];
	v6 =	vadd.s32 v8, v4  }
0x1db: {  	s19 =	sadd.s32 $0x40, s19;
	v5 =	vshll.u32 v9, $0xC;
	v4 =	vld [tilespmem:s14+$0x0];
	[tilespmem:s10+$0x10] =	vst v6  }
0x1dc: {  	_ = 	snop  }
0x1dd: {  	v1 =	vshll.u32 v1, $0xC  }
0x1de: {  	v1 =	vadd.s32 v2, v1  }
0x1df: {  	v0 =	vshll.u32 v0, $0xC;
	[tilespmem:s10+$0xFFFFFFE0] =	vst v1;
	v1 =	vadd.s32 v3, v5  }
0x1e0: {  	[tilespmem:s10+$0xFFFFFFF0] =	vst v1;
	v0 =	vadd.s32 v4, v0  }
0x1e1: {  	[tilespmem:s10+$0x0] =	vst v0  }
0x1e2: {  	[tilespmem:s24], [sflag:$0x1] =	stream.indirect.gather [hbm4b:s5+s21], $0x1, s23, s21, $0xb8;
	[tilespmem:$0x1A080] =	vst v63  }
0x1e3: {  	_ =	swait.ge [sflag:s7], $0x4000  }
0x1e4: {  	[sflag:s7] =	ssyncset.done $0x0  }
0x1e5: {  	s31 =	simm.s32 $0x1C10;
	[sflag:s7] =	ssyncadd.s32 $0xFFFFC000  }
0x1e6: {  	v12 =	vld [tilespmem:s31+$0x0];
	_ =	sdelay $0x3  }
0x1e7: {  	s14 =	simm.s32 $0x10  }
0x1e8: {  	v0 =	vmov s14  }
0x1e9: {  	v1 =	vor.u32 s14, v59;
	v3 =	vshll.u32 v0, $0x3  }
0x1ea: {  	v4 =	vand.u32 $0x7F, v1;
	v0 =	vand.u32 $0x1C00, v3;
	v5 =	vld [tilespmem:s31+$0xFFFFFFF0]  }
0x1eb: {  	v16 =	vor.u32 v4, v0;
	v1 =	vld.idx.msk [tilespmem:v12+s18+$0x0], $0xffff  }
0x1ec: {  	v0 =	vadd.s32 $0x1001, v12;
	_ =	sdelay $0x2  }
0x1ed: {  	s15 =	simm.s32 $0x0  }
0x1ee: {  	v2 =	vmov s15;
	[tilespmem:v16+s29+$0x0] =	vst.idx.msk $0xffff, v1  }
0x1ef: {  	v13 =	vshll.u32 v2, $0x3;
	v2 =	vor.u32 $0x80, v16;
	v1 =	vor.u32 s15, v59;
	v0 =	vld.idx.msk [tilespmem:v0+s18+$0x0], $0xffff  }
0x1f0: {  	v6 =	vand.u32 $0x1C00, v13;
	v14 =	vand.u32 $0x6F, v1;
	v1 =	vadd.s32 $0x2002, v12  }
0x1f1: {  	v8 =	vor.u32 v14, v6;
	v6 =	vld.idx.msk [tilespmem:v5+s18+$0x0], $0xffff  }
0x1f2: {  	v7 =	vadd.s32 $0x1001, v5;
	_ =	sdelay $0x1  }
0x1f3: {  	[tilespmem:v2+s29+$0x0] =	vst.idx.msk $0xffff, v0  }
0x1f4: {  	v0 =	vld.idx.msk [tilespmem:v1+s18+$0x0], $0xffff;
	v1 =	vor.u32 $0x100, v16  }
0x1f5: {  	v2 =	vadd.s32 $0x3003, v12;
	[tilespmem:v8+s29+$0x0] =	vst.idx.msk $0xffff, v6  }
0x1f6: {  	v6 =	vor.u32 $0x80, v8;
	v7 =	vld.idx.msk [tilespmem:v7+s18+$0x0], $0xffff;
	_ =	sdelay $0x1  }
0x1f7: {  	v9 =	vadd.s32 $0x2002, v5  }
0x1f8: {  	[tilespmem:v1+s29+$0x0] =	vst.idx.msk $0xffff, v0  }
0x1f9: {  	v0 =	vld.idx.msk [tilespmem:v2+s18+$0x0], $0xffff;
	v2 =	vor.u32 $0x180, v16  }
0x1fa: {  	s19 =	simm.s32 $0x1C30;
	[tilespmem:v6+s29+$0x0] =	vst.idx.msk $0xffff, v7;
	v7 =	vadd.s32 $0x4004, v12  }
0x1fb: {  	v33 =	vld [tilespmem:s19+$0x0]  }
0x1fc: {  	v10 =	vor.u32 $0x100, v8;
	v9 =	vld.idx.msk [tilespmem:v9+s18+$0x0], $0xffff  }
0x1fd: {  	v11 =	vadd.s32 $0x3003, v5  }
0x1fe: {  	v6 =	vld [tilespmem:s19+$0xFFFFFFF0];
	[tilespmem:v2+s29+$0x0] =	vst.idx.msk $0xffff, v0  }
0x1ff: {  	v2 =	vor.u32 $0x200, v16;
	v0 =	vld.idx.msk [tilespmem:v7+s18+$0x0], $0xffff  }
0x200: {  	s30 =	simm.s32 $0x30;
	v7 =	vadd.s32 $0x5005, v12  }
0x201: {  	v19 =	vor.u32 s30, v59;
	s31 =	simm.s32 $0x20;
	v17 =	vadd.s32 $0x4004, v5;
	[tilespmem:v10+s29+$0x0] =	vst.idx.msk $0xffff, v9;
	v9 =	vmov s30  }
0x202: {  	v15 =	vor.u32 $0x180, v8;
	v10 =	vmov s31;
	v18 =	vld.idx.msk [tilespmem:v11+s18+$0x0], $0xffff;
	v9 =	vshll.u32 v9, $0x3  }
0x203: {  	v11 =	vshll.u32 v10, $0x3;
	v10 =	vand.u32 $0x7F, v19;
	v19 =	vand.u32 $0x1C00, v9  }
0x204: {  	v23 =	vor.u32 $0x280, v16;
	v20 =	vld.idx.msk [tilespmem:v33+s18+$0x0], $0xffff;
	[tilespmem:v2+s29+$0x0] =	vst.idx.msk $0xffff, v0;
	v0 =	vor.u32 s31, v59;
	v2 =	vor.u32 v10, v19  }
0x205: {  	v22 =	vadd.s32 $0x1001, v33;
	v21 =	vand.u32 $0x1C00, v11;
	v19 =	vld.idx.msk [tilespmem:v7+s18+$0x0], $0xffff;
	v0 =	vand.u32 $0x6F, v0  }
0x206: {  	v7 =	vor.u32 v0, v21;
	v21 =	vadd.s32 $0x6006, v12  }
0x207: {  	v24 =	vld.idx.msk [tilespmem:v6+s18+$0x0], $0xffff;
	[tilespmem:v15+s29+$0x0] =	vst.idx.msk $0xffff, v18  }
0x208: {  	v15 =	vadd.s32 $0x1001, v6;
	v18 =	vor.u32 $0x200, v8;
	v17 =	vld.idx.msk [tilespmem:v17+s18+$0x0], $0xffff  }
0x209: {  	v25 =	vadd.s32 $0x5005, v5;
	[tilespmem:v2+s29+$0x0] =	vst.idx.msk $0xffff, v20  }
0x20a: {  	v20 =	vld.idx.msk [tilespmem:v22+s18+$0x0], $0xffff;
	[tilespmem:v23+s29+$0x0] =	vst.idx.msk $0xffff, v19;
	v19 =	vor.u32 $0x80, v2  }
0x20b: {  	v22 =	vadd.s32 $0x2002, v33;
	v23 =	vor.u32 $0x300, v16;
	v21 =	vld.idx.msk [tilespmem:v21+s18+$0x0], $0xffff  }
0x20c: {  	v26 =	vadd.s32 $0x7007, v12;
	[tilespmem:v7+s29+$0x0] =	vst.idx.msk $0xffff, v24  }
0x20d: {  	v24 =	vor.u32 $0x80, v7;
	[tilespmem:v18+s29+$0x0] =	vst.idx.msk $0xffff, v17;
	v15 =	vld.idx.msk [tilespmem:v15+s18+$0x0], $0xffff  }
0x20e: {  	v17 =	vadd.s32 $0x2002, v6;
	v18 =	vor.u32 $0x280, v8;
	v25 =	vld.idx.msk [tilespmem:v25+s18+$0x0], $0xffff  }
0x20f: {  	v27 =	vadd.s32 $0x6006, v5;
	[tilespmem:v19+s29+$0x0] =	vst.idx.msk $0xffff, v20  }
0x210: {  	v3 =	vor.u32 v4, v3;
	v20 =	vor.u32 $0x100, v2;
	v19 =	vld.idx.msk [tilespmem:v22+s18+$0x0], $0xffff;
	[tilespmem:v23+s29+$0x0] =	vst.idx.msk $0xffff, v21  }
0x211: {  	v3 =	vor.u32 $0x380, v3;
	v21 =	vadd.s32 $0x3003, v33;
	v4 =	vld.idx.msk [tilespmem:v26+s18+$0x0], $0xffff  }
0x212: {  	v22 =	vadd.s32 $0x8008, v12;
	[tilespmem:v24+s29+$0x0] =	vst.idx.msk $0xffff, v15  }
0x213: {  	v13 =	vor.u32 v13, v14;
	v15 =	vor.u32 $0x100, v7;
	[tilespmem:v18+s29+$0x0] =	vst.idx.msk $0xffff, v25;
	v17 =	vld.idx.msk [tilespmem:v17+s18+$0x0], $0xffff  }
0x214: {  	v14 =	vadd.s32 $0x3003, v6;
	v18 =	vor.u32 $0x300, v13;
	v23 =	vld.idx.msk [tilespmem:v27+s18+$0x0], $0xffff  }
0x215: {  	v24 =	vadd.s32 $0x7007, v5;
	[tilespmem:v20+s29+$0x0] =	vst.idx.msk $0xffff, v19  }
0x216: {  	v19 =	vld.idx.msk [tilespmem:v21+s18+$0x0], $0xffff;
	[tilespmem:v3+s29+$0x0] =	vst.idx.msk $0xffff, v4;
	v4 =	vor.u32 $0x180, v2  }
0x217: {  	s14 =	simm.s32 $0x1C50;
	v21 =	vadd.s32 $0x4004, v33;
	v20 =	vld.idx.msk [tilespmem:v22+s18+$0x0], $0xffff;
	v22 =	vor.u32 $0x2000, v16  }
0x218: {  	v3 =	vld [tilespmem:s14+$0x0];
	[tilespmem:v15+s29+$0x0] =	vst.idx.msk $0xffff, v17;
	v15 =	vadd.s32 $0x9009, v12  }
0x219: {  	v25 =	vor.u32 $0x180, v7;
	[tilespmem:v18+s29+$0x0] =	vst.idx.msk $0xffff, v23;
	v14 =	vld.idx.msk [tilespmem:v14+s18+$0x0], $0xffff  }
0x21a: {  	v18 =	vor.u32 $0x380, v13;
	v23 =	vadd.s32 $0x4004, v6;
	v24 =	vld.idx.msk [tilespmem:v24+s18+$0x0], $0xffff  }
0x21b: {  	v26 =	vadd.s32 $0x8008, v5;
	v17 =	vld [tilespmem:s14+$0xFFFFFFF0];
	[tilespmem:v4+s29+$0x0] =	vst.idx.msk $0xffff, v19  }
0x21c: {  	v4 =	vld.idx.msk [tilespmem:v21+s18+$0x0], $0xffff;
	[tilespmem:v22+s29+$0x0] =	vst.idx.msk $0xffff, v20;
	v20 =	vor.u32 $0x200, v2  }
0x21d: {  	v36 =	vor.u32 $0x2100, v16;
	s15 =	simm.s32 $0x50;
	v1 =	vor.u32 $0x2080, v16;
	v22 =	vadd.s32 $0x5005, v33;
	v15 =	vld.idx.msk [tilespmem:v15+s18+$0x0], $0xffff  }
0x21e: {  	v32 =	vadd.s32 $0x5005, v6;
	[tilespmem:v25+s29+$0x0] =	vst.idx.msk $0xffff, v14;
	v14 =	vadd.s32 $0xA00A, v12;
	v25 =	vmov s15  }
0x21f: {  	v31 =	vor.u32 $0x200, v7;
	[tilespmem:v18+s29+$0x0] =	vst.idx.msk $0xffff, v24;
	v18 =	vor.u32 s15, v59;
	v23 =	vld.idx.msk [tilespmem:v23+s18+$0x0], $0xffff;
	v30 =	vshll.u32 v25, $0x3  }
0x220: {  	s19 =	simm.s32 $0x40;
	v27 =	vor.u32 $0x2000, v8;
	v24 =	vld.idx.msk [tilespmem:v26+s18+$0x0], $0xffff;
	v29 =	vand.u32 $0x7F, v18;
	v18 =	vand.u32 $0x1C00, v30  }
0x221: {  	v19 =	vadd.s32 $0x9009, v5;
	v25 =	vmov s19;
	v26 =	vld.idx.msk [tilespmem:v3+s18+$0x0], $0xffff;
	[tilespmem:v20+s29+$0x0] =	vst.idx.msk $0xffff, v4;
	v4 =	vor.u32 v29, v18  }
0x222: {  	v25 =	vshll.u32 v25, $0x3;
	v20 =	vor.u32 s19, v59;
	v22 =	vld.idx.msk [tilespmem:v22+s18+$0x0], $0xffff;
	[tilespmem:v1+s29+$0x0] =	vst.idx.msk $0xffff, v15;
	v1 =	vor.u32 $0x280, v2  }
0x223: {  	v18 =	vand.u32 $0x1C00, v25;
	v15 =	vadd.s32 $0x1001, v3;
	v34 =	vand.u32 $0x6F, v20;
	v14 =	vld.idx.msk [tilespmem:v14+s18+$0x0], $0xffff  }
0x224: {  	v39 =	vld.idx.msk [tilespmem:v17+s18+$0x0], $0xffff;
	v20 =	vadd.s32 $0x6006, v33;
	v18 =	vor.u32 v34, v18;
	[tilespmem:v31+s29+$0x0] =	vst.idx.msk $0xffff, v23  }
0x225: {  	v40 =	vor.u32 $0x280, v7;
	v23 =	vadd.s32 $0xB00B, v12;
	[tilespmem:v27+s29+$0x0] =	vst.idx.msk $0xffff, v24;
	v24 =	vld.idx.msk [tilespmem:v32+s18+$0x0], $0xffff  }
0x226: {  	v54 =	vor.u32 $0x2180, v16;
	v28 =	vor.u32 $0x2080, v8;
	v41 =	vadd.s32 $0x1001, v17;
	[tilespmem:v4+s29+$0x0] =	vst.idx.msk $0xffff, v26;
	v26 =	vld.idx.msk [tilespmem:v19+s18+$0x0], $0xffff  }
0x227: {  	v44 =	vadd.s32 $0xC00C, v5;
	v37 =	vadd.s32 $0xD00D, v5;
	v53 =	vadd.s32 $0x6006, v6;
	[tilespmem:v1+s29+$0x0] =	vst.idx.msk $0xffff, v22  }
0x228: {  	v38 =	vor.u32 $0x2100, v8;
	v35 =	vor.u32 $0x2280, v8;
	v21 =	vadd.s32 $0xA00A, v5;
	v15 =	vld.idx.msk [tilespmem:v15+s18+$0x0], $0xffff;
	[tilespmem:v36+s29+$0x0] =	vst.idx.msk $0xffff, v14  }
0x229: {  	v27 =	vor.u32 $0x2180, v8;
	v19 =	vor.u32 $0x2200, v8;
	v22 =	vor.u32 $0x80, v4;
	v8 =	vld.idx.msk [tilespmem:v20+s18+$0x0], $0xffff;
	[tilespmem:v18+s29+$0x0] =	vst.idx.msk $0xffff, v39  }
0x22a: {  	v11 =	vor.u32 v11, v0;
	v31 =	vadd.s32 $0xB00B, v5;
	v20 =	vor.u32 $0x300, v2;
	v23 =	vld.idx.msk [tilespmem:v23+s18+$0x0], $0xffff;
	[tilespmem:v40+s29+$0x0] =	vst.idx.msk $0xffff, v24  }
0x22b: {  	v14 =	vadd.s32 $0x2002, v3;
	v36 =	vadd.s32 $0xE00E, v5;
	v5 =	vadd.s32 $0xF00F, v5;
	v41 =	vld.idx.msk [tilespmem:v41+s18+$0x0], $0xffff;
	[tilespmem:v28+s29+$0x0] =	vst.idx.msk $0xffff, v26  }
0x22c: {  	v0 =	vor.u32 $0x80, v18;
	v1 =	vadd.s32 $0x7007, v33;
	v32 =	vld.idx.msk [tilespmem:v53+s18+$0x0], $0xffff;
	[tilespmem:$0x1FE60] =	vst v5;
	v5 =	vor.u32 $0x2380, v13  }
0x22d: {  	v55 =	vor.u32 $0x300, v11;
	v24 =	vadd.s32 $0xC00C, v12;
	[tilespmem:$0x1FD70] =	vst v5  }
0x22e: {  	v50 =	vor.u32 $0x2300, v13;
	v42 =	vadd.s32 $0x2002, v17;
	[tilespmem:v22+s29+$0x0] =	vst.idx.msk $0xffff, v15;
	v13 =	vld.idx.msk [tilespmem:v21+s18+$0x0], $0xffff  }
0x22f: {  	v5 =	vadd.s32 $0x7007, v6;
	[tilespmem:v20+s29+$0x0] =	vst.idx.msk $0xffff, v8  }
0x230: {  	v8 =	vor.u32 $0x100, v4;
	[tilespmem:v54+s29+$0x0] =	vst.idx.msk $0xffff, v23;
	v14 =	vld.idx.msk [tilespmem:v14+s18+$0x0], $0xffff  }
0x231: {  	[tilespmem:v0+s29+$0x0] =	vst.idx.msk $0xffff, v41;
	v15 =	vld.idx.msk [tilespmem:v1+s18+$0x0], $0xffff  }
0x232: {  	v9 =	vor.u32 v10, v9;
	v23 =	vld.idx.msk [tilespmem:v24+s18+$0x0], $0xffff;
	[tilespmem:v55+s29+$0x0] =	vst.idx.msk $0xffff, v32  }
0x233: {  	v9 =	vor.u32 $0x380, v9;
	v1 =	vld.idx.msk [tilespmem:v42+s18+$0x0], $0xffff;
	[tilespmem:v38+s29+$0x0] =	vst.idx.msk $0xffff, v13;
	v13 =	vor.u32 $0x2180, v7  }
0x234: {  	v26 =	vor.u32 $0x2200, v16;
	v20 =	vadd.s32 $0x3003, v3;
	v5 =	vld.idx.msk [tilespmem:v5+s18+$0x0], $0xffff;
	[tilespmem:$0x1FD80] =	vst v13  }
0x235: {  	v24 =	vadd.s32 $0x8008, v33;
	v13 =	vadd.s32 $0xC00C, v6;
	[tilespmem:v8+s29+$0x0] =	vst.idx.msk $0xffff, v14  }
0x236: {  	v28 =	vor.u32 $0x100, v18;
	v8 =	vld.idx.msk [tilespmem:v31+s18+$0x0], $0xffff;
	[tilespmem:$0x1FD90] =	vst v13;
	v13 =	vor.u32 $0x2200, v7  }
0x237: {  	v56 =	vadd.s32 $0xD00D, v12;
	[tilespmem:$0x1FDA0] =	vst v13  }
0x238: {  	v10 =	vadd.s32 $0x8008, v6;
	v43 =	vor.u32 $0x2100, v7;
	v57 =	vadd.s32 $0x3003, v17;
	[tilespmem:v9+s29+$0x0] =	vst.idx.msk $0xffff, v15  }
0x239: {  	v22 =	vor.u32 $0x2000, v7;
	v0 =	vor.u32 $0x2080, v7;
	v7 =	vor.u32 $0x2280, v7;
	v13 =	vld.idx.msk [tilespmem:v20+s18+$0x0], $0xffff;
	[tilespmem:v26+s29+$0x0] =	vst.idx.msk $0xffff, v23  }
0x23a: {  	v39 =	vadd.s32 $0xA00A, v6;
	v41 =	vadd.s32 $0x9009, v6;
	v14 =	vor.u32 $0x180, v4;
	v24 =	vld.idx.msk [tilespmem:v24+s18+$0x0], $0xffff;
	[tilespmem:$0x1FDB0] =	vst v7  }
0x23b: {  	v42 =	vadd.s32 $0xB00B, v6;
	v26 =	vor.u32 $0x2000, v2;
	v9 =	vadd.s32 $0xE00E, v6;
	[tilespmem:v28+s29+$0x0] =	vst.idx.msk $0xffff, v1  }
0x23c: {  	v23 =	vadd.s32 $0x4004, v3;
	v7 =	vld.idx.msk [tilespmem:v56+s18+$0x0], $0xffff;
	v1 =	vor.u32 $0x2280, v16;
	[tilespmem:$0x1FDC0] =	vst v9;
	v9 =	vor.u32 $0x2300, v11  }
0x23d: {  	v15 =	vadd.s32 $0xD00D, v6;
	v6 =	vadd.s32 $0xF00F, v6;
	v28 =	vadd.s32 $0x9009, v33;
	[tilespmem:$0x1FDD0] =	vst v9  }
0x23e: {  	s30 =	simm.s32 $0x1C70;
	v21 =	vor.u32 $0x380, v11;
	v31 =	vld.idx.msk [tilespmem:v57+s18+$0x0], $0xffff;
	[tilespmem:$0x1FDE0] =	vst v6  }
0x23f: {  	v58 =	vadd.s32 $0xE00E, v12;
	v9 =	vld [tilespmem:s30+$0x0];
	[tilespmem:v14+s29+$0x0] =	vst.idx.msk $0xffff, v13  }
0x240: {  	v45 =	vor.u32 v25, v34;
	v6 =	vor.u32 $0x180, v18;
	v51 =	vld [tilespmem:s30+$0xFFFFFFF0];
	[tilespmem:v26+s29+$0x0] =	vst.idx.msk $0xffff, v24  }
0x241: {  	v23 =	vld.idx.msk [tilespmem:v23+s18+$0x0], $0xffff;
	[tilespmem:v1+s29+$0x0] =	vst.idx.msk $0xffff, v7;
	v1 =	vor.u32 $0x380, v45  }
0x242: {  	v20 =	vor.u32 $0x2380, v11;
	v11 =	vadd.s32 $0x4004, v17;
	v28 =	vld.idx.msk [tilespmem:v28+s18+$0x0], $0xffff;
	[tilespmem:$0x1FE70] =	vst v1  }
0x243: {  	[tilespmem:v21+s29+$0x0] =	vst.idx.msk $0xffff, v5  }
0x244: {  	s14 =	simm.s32 $0x70;
	v25 =	vor.u32 $0x200, v4;
	v21 =	vld.idx.msk [tilespmem:v58+s18+$0x0], $0xffff;
	[tilespmem:v27+s29+$0x0] =	vst.idx.msk $0xffff, v8  }
0x245: {  	v8 =	vmov s14;
	[tilespmem:v6+s29+$0x0] =	vst.idx.msk $0xffff, v31;
	v6 =	vld.idx.msk [tilespmem:v10+s18+$0x0], $0xffff  }
0x246: {  	v7 =	vor.u32 $0x2080, v2;
	v26 =	vshll.u32 v8, $0x3;
	v8 =	vld.idx.msk [tilespmem:v44+s18+$0x0], $0xffff  }
0x247: {  	v46 =	vor.u32 $0x2300, v16;
	v5 =	vadd.s32 $0x5005, v3;
	v11 =	vld.idx.msk [tilespmem:v11+s18+$0x0], $0xffff  }
0x248: {  	v49 =	vld.idx.msk [tilespmem:v9+s18+$0x0], $0xffff;
	[tilespmem:$0x1FDF0] =	vst v26  }
0x249: {  	v60 =	vor.u32 $0x200, v18;
	v10 =	vadd.s32 $0xA00A, v33;
	[tilespmem:v25+s29+$0x0] =	vst.idx.msk $0xffff, v23;
	v25 =	vmovc v15;
	v15 =	vor.u32 $0x2080, v18  }
0x24a: {  	v27 =	vadd.s32 $0xF00F, v12;
	[tilespmem:$0x1FE00] =	vst v15  }
0x24b: {  	v12 =	vor.u32 s14, v59;
	[tilespmem:v7+s29+$0x0] =	vst.idx.msk $0xffff, v28  }
0x24c: {  	v61 =	vadd.s32 $0x5005, v17;
	v1 =	vand.u32 $0x7F, v12;
	v12 =	vand.u32 $0x1C00, v26;
	v5 =	vld.idx.msk [tilespmem:v5+s18+$0x0], $0xffff;
	[tilespmem:v46+s29+$0x0] =	vst.idx.msk $0xffff, v21  }
0x24d: {  	s31 =	simm.s32 $0x60;
	v12 =	vor.u32 v1, v12;
	[tilespmem:v22+s29+$0x0] =	vst.idx.msk $0xffff, v6;
	v55 =	vld.idx.msk [tilespmem:v51+s18+$0x0], $0xffff  }
0x24e: {  	v62 =	vmov s31;
	v53 =	vor.u32 $0x280, v4;
	v15 =	vor.u32 $0x2100, v18;
	[tilespmem:v60+s29+$0x0] =	vst.idx.msk $0xffff, v11;
	v10 =	vld.idx.msk [tilespmem:v10+s18+$0x0], $0xffff  }
0x24f: {  	v63 =	vadd.s32 $0x6006, v3;
	v44 =	vshll.u32 v62, $0x3;
	v52 =	vadd.s32 $0x1001, v9;
	v54 =	vld.idx.msk [tilespmem:v27+s18+$0x0], $0xffff;
	[tilespmem:$0x1FE10] =	vst v15  }
0x250: {  	v7 =	vor.u32 s31, v59;
	v6 =	vor.u32 $0x2100, v2;
	[tilespmem:v19+s29+$0x0] =	vst.idx.msk $0xffff, v8;
	v8 =	vadd.s32 $0xB00B, v17  }
0x251: {  	v16 =	vor.u32 $0x2380, v16;
	v21 =	vand.u32 $0x1C00, v44;
	v7 =	vand.u32 $0x6F, v7;
	v56 =	vld.idx.msk [tilespmem:v61+s18+$0x0], $0xffff;
	[tilespmem:$0x1FE20] =	vst v8  }
0x252: {  	v57 =	vor.u32 v7, v21;
	[tilespmem:v12+s29+$0x0] =	vst.idx.msk $0xffff, v49  }
0x253: {  	v13 =	vor.u32 $0x280, v18;
	v11 =	vadd.s32 $0xB00B, v33;
	[tilespmem:v53+s29+$0x0] =	vst.idx.msk $0xffff, v5;
	v5 =	vadd.s32 $0xD00D, v17  }
0x254: {  	v8 =	vadd.s32 $0x1001, v51;
	v41 =	vld.idx.msk [tilespmem:v41+s18+$0x0], $0xffff;
	[tilespmem:$0x1FE30] =	vst v5  }
0x255: {  	v5 =	vld.idx.msk [tilespmem:v52+s18+$0x0], $0xffff;
	[tilespmem:v6+s29+$0x0] =	vst.idx.msk $0xffff, v10;
	v6 =	vor.u32 $0x80, v12  }
0x256: {  	v14 =	vadd.s32 $0x6006, v17;
	v10 =	vld.idx.msk [tilespmem:v63+s18+$0x0], $0xffff;
	[tilespmem:v16+s29+$0x0] =	vst.idx.msk $0xffff, v54;
	v52 =	vor.u32 $0x300, v4  }
0x257: {  	[tilespmem:v57+s29+$0x0] =	vst.idx.msk $0xffff, v55;
	v37 =	vld.idx.msk [tilespmem:v37+s18+$0x0], $0xffff  }
0x258: {  	v34 =	vor.u32 $0x2180, v2;
	v49 =	vadd.s32 $0x2002, v9;
	[tilespmem:v13+s29+$0x0] =	vst.idx.msk $0xffff, v56;
	v11 =	vld.idx.msk [tilespmem:v11+s18+$0x0], $0xffff  }
0x259: {  	v53 =	vadd.s32 $0x7007, v3;
	v13 =	vor.u32 $0x80, v57;
	v8 =	vld.idx.msk [tilespmem:v8+s18+$0x0], $0xffff;
	[tilespmem:v0+s29+$0x0] =	vst.idx.msk $0xffff, v41  }
0x25a: {  	v58 =	vadd.s32 $0xC00C, v33;
	[tilespmem:v6+s29+$0x0] =	vst.idx.msk $0xffff, v5  }
0x25b: {  	v47 =	vadd.s32 $0x7007, v17;
	v48 =	vor.u32 $0x300, v45;
	v40 =	vor.u32 $0x2200, v18;
	v14 =	vld.idx.msk [tilespmem:v14+s18+$0x0], $0xffff;
	[tilespmem:v52+s29+$0x0] =	vst.idx.msk $0xffff, v10  }
0x25c: {  	v32 =	vor.u32 $0x2000, v18;
	v62 =	vadd.s32 $0x3003, v51;
	v60 =	vadd.s32 $0x2002, v51;
	v6 =	vld.idx.msk [tilespmem:v39+s18+$0x0], $0xffff;
	[tilespmem:v35+s29+$0x0] =	vst.idx.msk $0xffff, v37  }
0x25d: {  	v23 =	vor.u32 $0x2180, v18;
	v16 =	vor.u32 $0x100, v12;
	v10 =	vor.u32 v29, v30;
	v61 =	vld.idx.msk [tilespmem:v49+s18+$0x0], $0xffff;
	[tilespmem:v34+s29+$0x0] =	vst.idx.msk $0xffff, v11  }
0x25e: {  	v22 =	vor.u32 $0x2280, v18;
	v0 =	vor.u32 $0x2200, v57;
	v11 =	vld.idx.msk [tilespmem:v53+s18+$0x0], $0xffff;
	v10 =	vor.u32 $0x380, v10;
	[tilespmem:v13+s29+$0x0] =	vst.idx.msk $0xffff, v8  }
0x25f: {  	v18 =	vor.u32 $0x2380, v45;
	v19 =	vor.u32 $0x2300, v45;
	v34 =	vadd.s32 $0x3003, v9;
	v54 =	vld.idx.msk [tilespmem:v58+s18+$0x0], $0xffff;
	[tilespmem:$0x1FE40] =	vst v0  }
0x260: {  	v46 =	vor.u32 $0x200, v57;
	v45 =	vor.u32 $0x280, v57;
	v35 =	vor.u32 $0x2200, v2;
	v13 =	vld.idx.msk [tilespmem:v36+s18+$0x0], $0xffff;
	[tilespmem:v48+s29+$0x0] =	vst.idx.msk $0xffff, v14  }
0x261: {  	v27 =	vor.u32 $0x2280, v57;
	v63 =	vor.u32 $0x100, v57;
	v55 =	vor.u32 $0x180, v57;
	v14 =	vld.idx.msk [tilespmem:v60+s18+$0x0], $0xffff;
	[tilespmem:v43+s29+$0x0] =	vst.idx.msk $0xffff, v6  }
0x262: {  	v56 =	vor.u32 $0x2180, v57;
	v41 =	vor.u32 $0x2080, v57;
	v5 =	vor.u32 v44, v7;
	v15 =	vld.idx.msk [tilespmem:v47+s18+$0x0], $0xffff;
	[tilespmem:v16+s29+$0x0] =	vst.idx.msk $0xffff, v61  }
0x263: {  	v44 =	vor.u32 $0x2000, v57;
	v39 =	vor.u32 $0x2100, v57;
	v6 =	vadd.s32 $0xD00D, v51;
	v61 =	vld.idx.msk [tilespmem:v42+s18+$0x0], $0xffff;
	[tilespmem:v10+s29+$0x0] =	vst.idx.msk $0xffff, v11  }
0x264: {  	v57 =	vadd.s32 $0x4004, v51;
	v52 =	vadd.s32 $0x5005, v51;
	v37 =	vadd.s32 $0xE00E, v51;
	v8 =	vld.idx.msk [tilespmem:v34+s18+$0x0], $0xffff;
	[tilespmem:$0x1FE50] =	vst v6  }
0x265: {  	v49 =	vadd.s32 $0x6006, v51;
	v53 =	vadd.s32 $0xC00C, v51;
	v29 =	vor.u32 $0x2300, v5;
	[tilespmem:v35+s29+$0x0] =	vst.idx.msk $0xffff, v54  }
0x266: {  	v58 =	vadd.s32 $0xF00F, v51;
	v48 =	vadd.s32 $0x7007, v51;
	v60 =	vadd.s32 $0x8008, v51;
	[tilespmem:v50+s29+$0x0] =	vst.idx.msk $0xffff, v13  }
0x267: {  	v47 =	vadd.s32 $0x9009, v51;
	v43 =	vadd.s32 $0xA00A, v51;
	v42 =	vadd.s32 $0xB00B, v51;
	[tilespmem:v63+s29+$0x0] =	vst.idx.msk $0xffff, v14  }
0x268: {  	v51 =	vor.u32 $0x300, v5;
	v50 =	vor.u32 $0x380, v5;
	v54 =	vor.u32 $0x2380, v5;
	v5 =	vld [tilespmem:$0x1FE60];
	_ =	sdelay $0x7  }
0x269: {  	v63 =	vld.idx.msk [tilespmem:v5+s18+$0x0], $0xffff  }
0x26a: {  	v5 =	vld [tilespmem:$0x1FE70]  }
0x26b: {  	v0 =	vadd.s32 $0x8008, v3  }
0x26c: {  	v7 =	vadd.s32 $0xD00D, v33;
	_ =	sdelay $0x2  }
0x26d: {  	v38 =	vadd.s32 $0xA00A, v17;
	v24 =	vadd.s32 $0x8008, v17;
	v31 =	vadd.s32 $0x9009, v17  }
0x26e: {  	v26 =	vadd.s32 $0xC00C, v17;
	v21 =	vadd.s32 $0xE00E, v17;
	v17 =	vadd.s32 $0xF00F, v17;
	v6 =	vld.idx.msk [tilespmem:v0+s18+$0x0], $0xffff  }
0x26f: {  	v11 =	vor.u32 $0x180, v12;
	v10 =	vadd.s32 $0x9009, v3;
	v13 =	vadd.s32 $0x4004, v9;
	v0 =	vld.idx.msk [tilespmem:v7+s18+$0x0], $0xffff  }
0x270: {  	s10 =	simm.s32 $0x6;
	s15 =	simm.s32 $0x1C90;
	v7 =	vor.u32 $0x2000, v4;
	v14 =	vld.idx.msk [tilespmem:v62+s18+$0x0], $0xffff;
	v62 =	vadd.s32 $0xE00E, v33;
	[tilespmem:v5+s29+$0x0] =	vst.idx.msk $0xffff, v15;
	v5 =	vor.u32 $0x2280, v2  }
.LBB2_11:
0x271: {  	v16 =	vld [tilespmem:$0x1FD80];
	_ =	sdelay $0x6  }
0x272: {  	v15 =	vld [tilespmem:s15+$0x0];
	[tilespmem:v11+s29+$0x0] =	vst.idx.msk $0xffff, v8  }
0x273: {  	v11 =	vld [tilespmem:$0x1FD70];
	[tilespmem:v16+s29+$0x0] =	vst.idx.msk $0xffff, v61;
	v16 =	vmov v56  }
0x274: {  	[tilespmem:$0x1FD40] =	vst v16;
	v16 =	vld [tilespmem:$0x1FDE0];
	_ =	sdelay $0x4  }
0x275: {  	v28 =	vmov v23;
	v23 =	vmov v16;
	v16 =	vmov v17  }
0x276: {  	v8 =	vld.idx.msk [tilespmem:v13+s18+$0x0], $0xffff;
	[tilespmem:v7+s29+$0x0] =	vst.idx.msk $0xffff, v6  }
0x277: {  	[tilespmem:$0x1FDE0] =	vst v16  }
0x278: {  	v16 =	vmov v58;
	v58 =	vld [tilespmem:s15+$0xFFFFFFF0];
	[tilespmem:v11+s29+$0x0] =	vst.idx.msk $0xffff, v63  }
0x279: {  	v7 =	vld.idx.msk [tilespmem:v10+s18+$0x0], $0xffff;
	[tilespmem:v55+s29+$0x0] =	vst.idx.msk $0xffff, v14  }
0x27a: {  	[tilespmem:v5+s29+$0x0] =	vst.idx.msk $0xffff, v0;
	v13 =	vmov v20;
	v56 =	vld.idx.msk [tilespmem:v57+s18+$0x0], $0xffff  }
0x27b: {  	v0 =	vadd.s32 $0x5005, v9;
	[tilespmem:$0x1FD70] =	vst v13;
	v13 =	vadd.s32 $0xA00A, v3;
	v57 =	vadd.s32 $0xF00F, v33;
	v33 =	vmovc v3;
	v3 =	vmovc v9;
	v9 =	vld [tilespmem:$0x1FD90];
	_ =	sdelay $0x2  }
0x27c: {  	v11 =	vmov v18  }
0x27d: {  	[tilespmem:$0x1FD20] =	vst v11;
	v11 =	vld.idx.msk [tilespmem:v24+s18+$0x0], $0xffff;
	_ =	sdelay $0x2  }
0x27e: {  	v6 =	vor.u32 $0x200, v12;
	[tilespmem:$0x1FD80] =	vst v28;
	v18 =	vmov v60  }
0x27f: {  	v5 =	vor.u32 $0x2080, v4;
	[tilespmem:$0x1FD10] =	vst v18;
	v34 =	vld.idx.msk [tilespmem:v9+s18+$0x0], $0xffff  }
0x280: {  	s14 =	sadd.s32 $0x20, s14;
	v14 =	vor.u32 $0x2300, v2;
	v18 =	vor.u32 $0x2380, v2;
	v2 =	vmovc v4;
	[tilespmem:v32+s29+$0x0] =	vst.idx.msk $0xffff, v11;
	v11 =	vor.u32 $0x2100, v4;
	v4 =	vld [tilespmem:$0x1FDA0]  }
0x281: {  	s19 =	sadd.s32 $0xFFFFFFF0, s14;
	v36 =	vor.u32 s14, v59;
	v10 =	vld.idx.msk [tilespmem:v62+s18+$0x0], $0xffff;
	[tilespmem:$0x1FD00] =	vst v16;
	v55 =	vmov s14;
	v16 =	vmov v54  }
0x282: {  	v35 =	vmov s19;
	v28 =	vld [tilespmem:$0x1FDB0];
	v61 =	vand.u32 $0x7F, v36;
	[tilespmem:$0x1FD60] =	vst v16;
	v16 =	vshll.u32 v55, $0x3  }
0x283: {  	v60 =	vshll.u32 v35, $0x3;
	v35 =	vand.u32 $0x1C00, v16;
	v9 =	vmovc v15;
	v15 =	vld.idx.msk [tilespmem:v15+s18+$0x0], $0xffff;
	[tilespmem:v6+s29+$0x0] =	vst.idx.msk $0xffff, v8;
	v6 =	vmov v53  }
0x284: {  	v36 =	vor.u32 v61, v35;
	[tilespmem:$0x1FD50] =	vst v6;
	v6 =	vor.u32 s19, v59;
	v0 =	vld.idx.msk [tilespmem:v0+s18+$0x0], $0xffff  }
0x285: {  	[tilespmem:v5+s29+$0x0] =	vst.idx.msk $0xffff, v7;
	v59 =	vld.idx.msk [tilespmem:v58+s18+$0x0], $0xffff;
	v5 =	vand.u32 $0x6F, v6;
	v6 =	vadd.s32 $0x1001, v9  }
0x286: {  	v8 =	vand.u32 $0x1C00, v60;
	v7 =	vor.u32 $0x280, v12;
	[tilespmem:v46+s29+$0x0] =	vst.idx.msk $0xffff, v56;
	v13 =	vld.idx.msk [tilespmem:v13+s18+$0x0], $0xffff  }
0x287: {  	[tilespmem:v14+s29+$0x0] =	vst.idx.msk $0xffff, v10;
	v10 =	vadd.s32 $0x6006, v3;
	v20 =	vld.idx.msk [tilespmem:v52+s18+$0x0], $0xffff;
	v8 =	vor.u32 v5, v8  }
0x288: {  	[tilespmem:v4+s29+$0x0] =	vst.idx.msk $0xffff, v34;
	v34 =	vmov v27;
	v27 =	vld [tilespmem:$0x1FE00]  }
0x289: {  	v56 =	vadd.s32 $0xB00B, v33;
	v14 =	vld.idx.msk [tilespmem:v57+s18+$0x0], $0xffff;
	[tilespmem:v36+s29+$0x0] =	vst.idx.msk $0xffff, v15  }
0x28a: {  	[tilespmem:$0x1FD30] =	vst v23;
	v54 =	vadd.s32 $0x1001, v58;
	v6 =	vld.idx.msk [tilespmem:v6+s18+$0x0], $0xffff  }
0x28b: {  	[tilespmem:v7+s29+$0x0] =	vst.idx.msk $0xffff, v0;
	v4 =	vmov v12;
	v12 =	vmov v36;
	v15 =	vld.idx.msk [tilespmem:v31+s18+$0x0], $0xffff  }
0x28c: {  	v10 =	vld.idx.msk [tilespmem:v10+s18+$0x0], $0xffff;
	v7 =	vor.u32 $0x80, v12;
	[tilespmem:v8+s29+$0x0] =	vst.idx.msk $0xffff, v59  }
0x28d: {  	[tilespmem:v11+s29+$0x0] =	vst.idx.msk $0xffff, v13;
	v24 =	vld.idx.msk [tilespmem:v25+s18+$0x0], $0xffff  }
0x28e: {  	v23 =	vld.idx.msk [tilespmem:v56+s18+$0x0], $0xffff;
	[tilespmem:v18+s29+$0x0] =	vst.idx.msk $0xffff, v14  }
0x28f: {  	v25 =	vmov v40;
	v40 =	vld.idx.msk [tilespmem:v54+s18+$0x0], $0xffff;
	[tilespmem:v45+s29+$0x0] =	vst.idx.msk $0xffff, v20  }
0x290: {  	v17 =	vmov v26;
	v26 =	vld.idx.msk [tilespmem:v49+s18+$0x0], $0xffff;
	[tilespmem:v27+s29+$0x0] =	vst.idx.msk $0xffff, v15  }
0x291: {  	[tilespmem:v7+s29+$0x0] =	vst.idx.msk $0xffff, v6;
	v6 =	vld.idx.msk [tilespmem:v38+s18+$0x0], $0xffff  }
0x292: {  	[tilespmem:v28+s29+$0x0] =	vst.idx.msk $0xffff, v24;
	v28 =	vld [tilespmem:$0x1FDC0]  }
0x293: {  	[tilespmem:$0x1FD90] =	vst v17;
	v17 =	vor.u32 $0x80, v8  }
0x294: {  	v30 =	vmov v19;
	v19 =	vadd.s32 $0x2002, v58;
	_ =	sdelay $0x3  }
0x295: {  	[tilespmem:v17+s29+$0x0] =	vst.idx.msk $0xffff, v40  }
0x296: {  	v0 =	vor.u32 v60, v5;
	v5 =	vadd.s32 $0x7007, v58;
	v19 =	vld.idx.msk [tilespmem:v19+s18+$0x0], $0xffff  }
0x297: {  	v11 =	vor.u32 $0x300, v0;
	v13 =	vadd.s32 $0x2002, v9;
	v28 =	vld.idx.msk [tilespmem:v28+s18+$0x0], $0xffff  }
0x298: {  	v32 =	vmov v22;
	v22 =	vor.u32 $0x300, v4;
	[tilespmem:v51+s29+$0x0] =	vst.idx.msk $0xffff, v26;
	v51 =	vmov v11;
	v11 =	vld [tilespmem:$0x1FE10]  }
0x299: {  	v26 =	vld.idx.msk [tilespmem:v48+s18+$0x0], $0xffff;
	v48 =	vmov v5;
	v5 =	vmov v39  }
0x29a: {  	[tilespmem:$0x1FE10] =	vst v5;
	v5 =	vld [tilespmem:$0x1FE20];
	_ =	sdelay $0x1  }
0x29b: {  	v13 =	vld.idx.msk [tilespmem:v13+s18+$0x0], $0xffff  }
0x29c: {  	[tilespmem:v22+s29+$0x0] =	vst.idx.msk $0xffff, v10;
	v22 =	vld [tilespmem:$0x1FDF0];
	_ =	sdelay $0x3  }
0x29d: {  	[tilespmem:v11+s29+$0x0] =	vst.idx.msk $0xffff, v6  }
0x29e: {  	v22 =	vor.u32 v1, v22;
	v1 =	vmov v61;
	v61 =	vld.idx.msk [tilespmem:v5+s18+$0x0], $0xffff;
	v5 =	vmov v42  }
0x29f: {  	[tilespmem:$0x1FE20] =	vst v5;
	v5 =	vld [tilespmem:$0x1FE40];
	_ =	sdelay $0x1  }
0x2a0: {  	v63 =	vor.u32 $0x100, v8;
	v55 =	vor.u32 $0x180, v8  }
0x2a1: {  	v46 =	vor.u32 $0x200, v8;
	v14 =	vadd.s32 $0x7007, v3;
	v59 =	vor.u32 $0x2180, v2;
	v7 =	vmovc v41  }
0x2a2: {  	v53 =	vor.u32 $0x280, v8;
	v36 =	vmovc v44;
	v44 =	vor.u32 $0x2000, v8;
	[tilespmem:$0x1FE00] =	vst v7;
	v7 =	vor.u32 $0x2200, v8  }
0x2a3: {  	v56 =	vor.u32 $0x2180, v8;
	v20 =	vadd.s32 $0xC00C, v33;
	v54 =	vor.u32 $0x2080, v8;
	v40 =	vmovc v5;
	v5 =	vmovc v7  }
0x2a4: {  	v10 =	vor.u32 $0x2280, v8;
	v15 =	vor.u32 $0x2100, v8;
	v8 =	vor.u32 $0x100, v12;
	[tilespmem:$0x1FE40] =	vst v5;
	v5 =	vld [tilespmem:$0x1FE30]  }
0x2a5: {  	[tilespmem:$0x1FDA0] =	vst v25  }
0x2a6: {  	v25 =	vadd.s32 $0xA00A, v58;
	v14 =	vld.idx.msk [tilespmem:v14+s18+$0x0], $0xffff;
	[tilespmem:v59+s29+$0x0] =	vst.idx.msk $0xffff, v23;
	v59 =	vadd.s32 $0x3003, v9  }
0x2a7: {  	v22 =	vor.u32 $0x380, v22  }
0x2a8: {  	v20 =	vld.idx.msk [tilespmem:v20+s18+$0x0], $0xffff  }
0x2a9: {  	v38 =	vmovc v43;
	v43 =	vmov v25;
	[tilespmem:v8+s29+$0x0] =	vst.idx.msk $0xffff, v13;
	v6 =	vld [tilespmem:$0x1FE50];
	v25 =	vmov v5;
	v5 =	vmov v32  }
0x2aa: {  	v35 =	vmovc v21;
	v21 =	vadd.s32 $0x6006, v58;
	v24 =	vmov v16;
	v17 =	vadd.s32 $0x8008, v3;
	[tilespmem:$0x1FDB0] =	vst v5;
	v5 =	vld [tilespmem:$0x1FDD0]  }
0x2ab: {  	v49 =	vmov v21;
	v21 =	vadd.s32 $0xB00B, v58;
	[tilespmem:$0x1FDF0] =	vst v24;
	v24 =	vor.u32 $0x2200, v2;
	v8 =	vld.idx.msk [tilespmem:v59+s18+$0x0], $0xffff  }
0x2ac: {  	[tilespmem:v22+s29+$0x0] =	vst.idx.msk $0xffff, v14;
	v14 =	vld [tilespmem:$0x1FD30]  }
0x2ad: {  	v18 =	vor.u32 $0x380, v0;
	v41 =	vmovc v54;
	v54 =	vor.u32 $0x2380, v0;
	v23 =	vadd.s32 $0xE00E, v58  }
0x2ae: {  	v16 =	vor.u32 $0x2300, v0;
	v0 =	vadd.s32 $0xD00D, v33;
	v42 =	vmovc v21;
	v21 =	vmovc v37;
	v37 =	vmov v23;
	v23 =	vld [tilespmem:$0x1FD40]  }
0x2af: {  	v13 =	vmov v6;
	v6 =	vld.idx.msk [tilespmem:v17+s18+$0x0], $0xffff  }
0x2b0: {  	v62 =	vadd.s32 $0x3003, v58;
	v17 =	vld [tilespmem:$0x1FD00];
	[tilespmem:v24+s29+$0x0] =	vst.idx.msk $0xffff, v20  }
0x2b1: {  	s10 =	sadd.s32 $0x2, s10;
	v24 =	vld [tilespmem:$0x1FD10];
	[tilespmem:$0x1FE30] =	vst v13  }
0x2b2: {  	p0 =	slt.u32 s10, $0x3E;
	v52 =	vadd.s32 $0x5005, v58;
	v27 =	vadd.s32 $0xD00D, v58;
	v20 =	vld [tilespmem:$0x1FD20];
	[tilespmem:v5+s29+$0x0] =	vst.idx.msk $0xffff, v28  }
.Ltmp4:
0x2b3: {  	v57 =	vadd.s32 $0x4004, v58;
	v60 =	vadd.s32 $0x8008, v58;
	v31 =	vmovc v47;
	v0 =	vld.idx.msk [tilespmem:v0+s18+$0x0], $0xffff;
	v7 =	vmov v27;
	[tilespmem:v63+s29+$0x0] =	vst.idx.msk $0xffff, v19;
	(pc) =	sbr.rel @p0 .LBB2_11-.Ltmp4, $4  }
0x2b4: {  	v47 =	vadd.s32 $0x9009, v58;
	v45 =	vmovc v53;
	v53 =	vadd.s32 $0xC00C, v58;
	v58 =	vadd.s32 $0xF00F, v58;
	[tilespmem:$0x1FE50] =	vst v7;
	v63 =	vld.idx.msk [tilespmem:v14+s18+$0x0], $0xffff;
	v14 =	vmovc v30  }
0x2b5: {  	v59 =	vlaneseq.u32;
	v39 =	vmovc v15;
	v22 =	vmovc v34;
	v11 =	vor.u32 $0x180, v12;
	v27 =	vmov v10;
	[tilespmem:$0x1FDD0] =	vst v14;
	v14 =	vld.idx.msk [tilespmem:v62+s18+$0x0], $0xffff  }
0x2b6: {  	v10 =	vadd.s32 $0x9009, v3;
	v13 =	vadd.s32 $0x4004, v9;
	v7 =	vor.u32 $0x2000, v4;
	v32 =	vmovc v36;
	v5 =	vmovc v35;
	[tilespmem:v50+s29+$0x0] =	vst.idx.msk $0xffff, v26;
	v26 =	vld [tilespmem:$0x1FD50]  }
0x2b7: {  	s15 =	sadd.s32 $0x20, s15;
	[tilespmem:$0x1FDC0] =	vst v5;
	v5 =	vor.u32 $0x2280, v2;
	v19 =	vmovc v29;
	v29 =	vmovc v16;
	v62 =	vadd.s32 $0xE00E, v33;
	v50 =	vmov v18;
	v18 =	vld [tilespmem:$0x1FD60]  }
0x2b8: {  	_ =	sdelay $0x3  }
0x2b9: {  	[tilespmem:v11+s29+$0x0] =	vst.idx.msk $0xffff, v8  }
0x2ba: {  	v34 =	vor.u32 $0x200, v12;
	v8 =	vld.idx.msk [tilespmem:v13+s18+$0x0], $0xffff;
	[tilespmem:v55+s29+$0x0] =	vst.idx.msk $0xffff, v14  }
0x2bb: {  	v36 =	vadd.s32 $0x5005, v9;
	v35 =	vld.idx.msk [tilespmem:v57+s18+$0x0], $0xffff;
	_ =	sdelay $0x3  }
0x2bc: {  	[tilespmem:v34+s29+$0x0] =	vst.idx.msk $0xffff, v8  }
0x2bd: {  	v8 =	vld.idx.msk [tilespmem:v36+s18+$0x0], $0xffff;
	[tilespmem:v46+s29+$0x0] =	vst.idx.msk $0xffff, v35;
	v46 =	vor.u32 $0x280, v12  }
0x2be: {  	v55 =	vadd.s32 $0x6006, v9;
	_ =	sdelay $0x3  }
0x2bf: {  	v13 =	vld.idx.msk [tilespmem:v52+s18+$0x0], $0xffff;
	[tilespmem:v46+s29+$0x0] =	vst.idx.msk $0xffff, v8  }
0x2c0: {  	v57 =	vor.u32 $0x300, v12;
	v8 =	vld.idx.msk [tilespmem:v55+s18+$0x0], $0xffff;
	_ =	sdelay $0x3  }
0x2c1: {  	[tilespmem:v45+s29+$0x0] =	vst.idx.msk $0xffff, v13  }
0x2c2: {  	v13 =	vld.idx.msk [tilespmem:v49+s18+$0x0], $0xffff;
	[tilespmem:v57+s29+$0x0] =	vst.idx.msk $0xffff, v8  }
0x2c3: {  	v8 =	vld [tilespmem:$0x1FDF0]  }
0x2c4: {  	v16 =	vadd.s32 $0x7007, v9;
	_ =	sdelay $0x2  }
0x2c5: {  	[tilespmem:v51+s29+$0x0] =	vst.idx.msk $0xffff, v13  }
0x2c6: {  	v30 =	vld.idx.msk [tilespmem:v48+s18+$0x0], $0xffff;
	v8 =	vor.u32 v1, v8  }
0x2c7: {  	v11 =	vld.idx.msk [tilespmem:v16+s18+$0x0], $0xffff;
	v8 =	vor.u32 $0x380, v8  }
0x2c8: {  	v28 =	vadd.s32 $0x8008, v9;
	_ =	sdelay $0x1  }
0x2c9: {  	v34 =	vld.idx.msk [tilespmem:v24+s18+$0x0], $0xffff;
	[tilespmem:v7+s29+$0x0] =	vst.idx.msk $0xffff, v6  }
0x2ca: {  	v45 =	vor.u32 $0x2080, v4;
	v6 =	vld.idx.msk [tilespmem:v10+s18+$0x0], $0xffff;
	[tilespmem:v50+s29+$0x0] =	vst.idx.msk $0xffff, v30  }
0x2cb: {  	v15 =	vld.idx.msk [tilespmem:v60+s18+$0x0], $0xffff;
	[tilespmem:v8+s29+$0x0] =	vst.idx.msk $0xffff, v11  }
0x2cc: {  	v35 =	vor.u32 $0x2000, v12;
	v11 =	vld.idx.msk [tilespmem:v28+s18+$0x0], $0xffff;
	_ =	sdelay $0x1  }
0x2cd: {  	v46 =	vadd.s32 $0xA00A, v3;
	[tilespmem:v32+s29+$0x0] =	vst.idx.msk $0xffff, v34  }
0x2ce: {  	v36 =	vadd.s32 $0x9009, v9;
	[tilespmem:v45+s29+$0x0] =	vst.idx.msk $0xffff, v6  }
0x2cf: {  	[tilespmem:v44+s29+$0x0] =	vst.idx.msk $0xffff, v15  }
0x2d0: {  	v15 =	vld.idx.msk [tilespmem:v47+s18+$0x0], $0xffff;
	[tilespmem:v35+s29+$0x0] =	vst.idx.msk $0xffff, v11  }
0x2d1: {  	v6 =	vld [tilespmem:$0x1FE00]  }
0x2d2: {  	v52 =	vor.u32 $0x2100, v4;
	v51 =	vld.idx.msk [tilespmem:v46+s18+$0x0], $0xffff  }
0x2d3: {  	v49 =	vor.u32 $0x2080, v12;
	v11 =	vld.idx.msk [tilespmem:v36+s18+$0x0], $0xffff  }
0x2d4: {  	v48 =	vld.idx.msk [tilespmem:v31+s18+$0x0], $0xffff;
	_ =	sdelay $0x1  }
0x2d5: {  	[tilespmem:v41+s29+$0x0] =	vst.idx.msk $0xffff, v15  }
0x2d6: {  	v50 =	vadd.s32 $0xA00A, v9;
	[tilespmem:v52+s29+$0x0] =	vst.idx.msk $0xffff, v51  }
0x2d7: {  	[tilespmem:v49+s29+$0x0] =	vst.idx.msk $0xffff, v11  }
0x2d8: {  	[tilespmem:v6+s29+$0x0] =	vst.idx.msk $0xffff, v48  }
0x2d9: {  	v6 =	vld [tilespmem:$0x1FE10];
	_ =	sdelay $0x1  }
0x2da: {  	v57 =	vor.u32 $0x2100, v12;
	v11 =	vld.idx.msk [tilespmem:v50+s18+$0x0], $0xffff  }
0x2db: {  	v10 =	vld.idx.msk [tilespmem:v38+s18+$0x0], $0xffff  }
0x2dc: {  	v15 =	vld.idx.msk [tilespmem:v43+s18+$0x0], $0xffff;
	_ =	sdelay $0x2  }
0x2dd: {  	v55 =	vadd.s32 $0xB00B, v3;
	[tilespmem:v57+s29+$0x0] =	vst.idx.msk $0xffff, v11  }
0x2de: {  	[tilespmem:v6+s29+$0x0] =	vst.idx.msk $0xffff, v10  }
0x2df: {  	v10 =	vld [tilespmem:$0x1FE20];
	[tilespmem:v39+s29+$0x0] =	vst.idx.msk $0xffff, v15  }
0x2e0: {  	v60 =	vadd.s32 $0xB00B, v9;
	v16 =	vld [tilespmem:$0x1FD80];
	_ =	sdelay $0x1  }
0x2e1: {  	v24 =	vor.u32 $0x2180, v4;
	v1 =	vld.idx.msk [tilespmem:v55+s18+$0x0], $0xffff;
	_ =	sdelay $0x2  }
0x2e2: {  	v30 =	vor.u32 $0x2180, v12;
	v11 =	vld.idx.msk [tilespmem:v60+s18+$0x0], $0xffff  }
0x2e3: {  	v15 =	vld.idx.msk [tilespmem:v42+s18+$0x0], $0xffff  }
0x2e4: {  	[tilespmem:v24+s29+$0x0] =	vst.idx.msk $0xffff, v1  }
0x2e5: {  	v28 =	vadd.s32 $0xC00C, v3;
	v10 =	vld.idx.msk [tilespmem:v10+s18+$0x0], $0xffff;
	[tilespmem:v16+s29+$0x0] =	vst.idx.msk $0xffff, v61  }
0x2e6: {  	v6 =	vld [tilespmem:$0x1FD90]  }
0x2e7: {  	v31 =	vadd.s32 $0xC00C, v9;
	[tilespmem:v30+s29+$0x0] =	vst.idx.msk $0xffff, v11  }
0x2e8: {  	[tilespmem:v56+s29+$0x0] =	vst.idx.msk $0xffff, v15  }
0x2e9: {  	[tilespmem:v5+s29+$0x0] =	vst.idx.msk $0xffff, v0  }
0x2ea: {  	v7 =	vld.idx.msk [tilespmem:v28+s18+$0x0], $0xffff;
	[tilespmem:v23+s29+$0x0] =	vst.idx.msk $0xffff, v10  }
0x2eb: {  	v32 =	vor.u32 $0x2200, v4;
	v15 =	vld [tilespmem:$0x1FDA0]  }
0x2ec: {  	v36 =	vor.u32 $0x2200, v12;
	v13 =	vld.idx.msk [tilespmem:v31+s18+$0x0], $0xffff  }
0x2ed: {  	v35 =	vld.idx.msk [tilespmem:v26+s18+$0x0], $0xffff  }
0x2ee: {  	v6 =	vld.idx.msk [tilespmem:v6+s18+$0x0], $0xffff;
	_ =	sdelay $0x1  }
0x2ef: {  	[tilespmem:v32+s29+$0x0] =	vst.idx.msk $0xffff, v7  }
0x2f0: {  	[tilespmem:v36+s29+$0x0] =	vst.idx.msk $0xffff, v13  }
0x2f1: {  	[tilespmem:v40+s29+$0x0] =	vst.idx.msk $0xffff, v35  }
0x2f2: {  	[tilespmem:v15+s29+$0x0] =	vst.idx.msk $0xffff, v6  }
0x2f3: {  	v42 =	vld [tilespmem:$0x1FE40];
	_ =	sdelay $0x2  }
0x2f4: {  	v39 =	vld.idx.msk [tilespmem:v53+s18+$0x0], $0xffff;
	_ =	sdelay $0x4  }
0x2f5: {  	v11 =	vld [tilespmem:$0x1FE30];
	[tilespmem:v42+s29+$0x0] =	vst.idx.msk $0xffff, v39  }
0x2f6: {  	v13 =	vld [tilespmem:$0x1FD70];
	_ =	sdelay $0x6  }
0x2f7: {  	v34 =	vadd.s32 $0xD00D, v3  }
0x2f8: {  	[tilespmem:v13+s29+$0x0] =	vst.idx.msk $0xffff, v63  }
0x2f9: {  	v1 =	vld [tilespmem:$0x1FE50]  }
0x2fa: {  	v15 =	vld [tilespmem:$0x1FDB0]  }
0x2fb: {  	v38 =	vadd.s32 $0xD00D, v9  }
0x2fc: {  	v7 =	vld.idx.msk [tilespmem:v34+s18+$0x0], $0xffff;
	v40 =	vor.u32 $0x2280, v4  }
0x2fd: {  	v6 =	vld.idx.msk [tilespmem:v25+s18+$0x0], $0xffff;
	_ =	sdelay $0x1  }
0x2fe: {  	v11 =	vld.idx.msk [tilespmem:v11+s18+$0x0], $0xffff  }
0x2ff: {  	v43 =	vor.u32 $0x2280, v12;
	v0 =	vld.idx.msk [tilespmem:v38+s18+$0x0], $0xffff  }
0x300: {  	v47 =	vor.u32 $0x2300, v2;
	v46 =	vld.idx.msk [tilespmem:v62+s18+$0x0], $0xffff;
	[tilespmem:v40+s29+$0x0] =	vst.idx.msk $0xffff, v7  }
0x301: {  	v45 =	vld.idx.msk [tilespmem:v1+s18+$0x0], $0xffff;
	[tilespmem:v15+s29+$0x0] =	vst.idx.msk $0xffff, v6  }
0x302: {  	v7 =	vld [tilespmem:$0x1FDC0]  }
0x303: {  	[tilespmem:v22+s29+$0x0] =	vst.idx.msk $0xffff, v11  }
0x304: {  	v41 =	vadd.s32 $0xE00E, v3;
	[tilespmem:v43+s29+$0x0] =	vst.idx.msk $0xffff, v0  }
0x305: {  	[tilespmem:v47+s29+$0x0] =	vst.idx.msk $0xffff, v46  }
0x306: {  	[tilespmem:v27+s29+$0x0] =	vst.idx.msk $0xffff, v45  }
0x307: {  	v56 =	vld [tilespmem:$0x1FDD0];
	_ =	sdelay $0x1  }
0x308: {  	v49 =	vor.u32 $0x2300, v4;
	v8 =	vld.idx.msk [tilespmem:v41+s18+$0x0], $0xffff  }
0x309: {  	v44 =	vadd.s32 $0xE00E, v9;
	v7 =	vld.idx.msk [tilespmem:v7+s18+$0x0], $0xffff;
	_ =	sdelay $0x3  }
0x30a: {  	v48 =	vadd.s32 $0xF00F, v33;
	v51 =	vld.idx.msk [tilespmem:v21+s18+$0x0], $0xffff;
	[tilespmem:v49+s29+$0x0] =	vst.idx.msk $0xffff, v8  }
0x30b: {  	v50 =	vadd.s32 $0xF00F, v3;
	v5 =	vld.idx.msk [tilespmem:v44+s18+$0x0], $0xffff;
	[tilespmem:v56+s29+$0x0] =	vst.idx.msk $0xffff, v7  }
0x30c: {  	v52 =	vor.u32 $0x2300, v12;
	v7 =	vld [tilespmem:$0x1FDE0]  }
0x30d: {  	v53 =	vadd.s32 $0xF00F, v9;
	v55 =	vld.idx.msk [tilespmem:v37+s18+$0x0], $0xffff;
	_ =	sdelay $0x1  }
0x30e: {  	v57 =	vor.u32 $0x2380, v2;
	v1 =	vld.idx.msk [tilespmem:v48+s18+$0x0], $0xffff  }
0x30f: {  	v60 =	vor.u32 $0x2380, v4;
	v0 =	vld.idx.msk [tilespmem:v50+s18+$0x0], $0xffff;
	[tilespmem:v19+s29+$0x0] =	vst.idx.msk $0xffff, v51  }
0x310: {  	[tilespmem:v52+s29+$0x0] =	vst.idx.msk $0xffff, v5;
	v61 =	vld.idx.msk [tilespmem:v17+s18+$0x0], $0xffff  }
0x311: {  	v62 =	vor.u32 $0x2380, v12;
	[tilespmem:v29+s29+$0x0] =	vst.idx.msk $0xffff, v55;
	v5 =	vld.idx.msk [tilespmem:v53+s18+$0x0], $0xffff  }
0x312: {  	v63 =	vld.idx.msk [tilespmem:v58+s18+$0x0], $0xffff  }
0x313: {  	[tilespmem:v57+s29+$0x0] =	vst.idx.msk $0xffff, v1;
	v7 =	vld.idx.msk [tilespmem:v7+s18+$0x0], $0xffff  }
0x314: {  	s10 =	smul.u32 $0xC8000, s17;
	[tilespmem:v60+s29+$0x0] =	vst.idx.msk $0xffff, v0  }
0x315: {  	s6 =	sshll.u32 s6, $0xE;
	[tilespmem:v18+s29+$0x0] =	vst.idx.msk $0xffff, v61  }
0x316: {  	s6 =	sadd.s32 s6, s10;
	[tilespmem:v62+s29+$0x0] =	vst.idx.msk $0xffff, v5  }
0x317: {  	s6 =	sshrl.u32 s6, $0x3;
	[tilespmem:v54+s29+$0x0] =	vst.idx.msk $0xffff, v63  }
0x318: {  	s6 =	sadd.s32 s2, s6;
	[tilespmem:v20+s29+$0x0] =	vst.idx.msk $0xffff, v7  }
0x319: {  	[hbm4b:s6+s3] =	stream.linear.scatter [tilespmem:s29], [sflag:$0x5], $0x4000, $0x38;
	[tilespmem:$0x1A080] =	vst v63  }
0x31a: {  	_ =	swait.ge [sflag:s12], $0x400  }
0x31b: {  	[sflag:s12] =	ssyncset.done $0x0  }
0x31c: {  	s13 =	sadd.s32 $0x1, s13;
	[sflag:s12] =	ssyncadd.s32 $0xFFFFFC00  }
0x31d: {  	p0 =	sne.s32 s13, $0x28;
	_ =	swait.ge [sflag:s22], $0x400  }
.Ltmp5:
0x31e: {  	[sflag:s22] =	ssyncset.done $0x0;
	(pc) =	sbr.rel @p0 .LBB2_4-.Ltmp5, $4  }
0x31f: {  	[sflag:s22] =	ssyncadd.s32 $0xFFFFFC00  }
0x320: {  	_ =	swait.ge [sflag:s22], $0x400  }
0x321: {  	[sflag:s22] =	ssyncset.done $0x0  }
0x322: {  	s14 =	smov.u32 s16;
	s15 =	smov.u32 s9;
	[sflag:s22] =	ssyncadd.s32 $0xFFFFFC00  }
0x323: {  	_ =	swait.ge [sflag:s0], $0x4000  }
0x324: {  	[sflag:s0] =	ssyncset.done $0x0  }
0x325: {  	[sflag:s0] =	ssyncadd.s32 $0xFFFFC000  }
0x326: {  	_ =	swait.ge [sflag:s7], $0x4000  }
0x327: {  	s9 =	rddreg [dreg:$0xd]  }
0x328: {  	s6 =	rddreg [dreg:$0xc];
	s9 =	sadd.s32 $0x1, s9  }
0x329: {  	p0 =	sne.s32 s9, s6  }
.Ltmp6:
0x32a: {  	_ = 	snop;
	(pc) =	sbr.rel @p0 .LBB2_1-.Ltmp6, $3  }
0x32b: {  	_ =	sdelay $0x1  }
0x32c: {  	[sflag:s7] =	ssyncset.done $0x0  }
0x32d: {  	[sflag:s7] =	ssyncadd.s32 $0xFFFFC000  }
0x32e: {  	_ =	sfence.sel $0x180000  }
0x32f: {  	[bflag:$0x0] =	sbarrier.arrive $0xFFFF  }
0x330: {  	_ =	strace $0x9000004A  }
0x331: {  	s0 =	stileid.u32;
	[bflag:$0x2] =	sbarrier.arrive $0xFFFF  }
0x332: {  	p0 =	sne.s32 s0, $0x0;
	s0 =	rddreg [dreg:$0x2]  }
0x333: {  	s0 =	sadd.s32 @!p0 $0x100000, s0  }
0x334: {  	[sflag:s0] =	ssyncadd.tile.s32 @!p0 $0x1;
	_ =	shalt  }
.Lfunc_end2:
_tile_overlayer_lowered:
.L_overlay_start_2:
0x335: {  	(tag) =	ssettag $0x2  }
0x336: {  	s0 =	rddreg [dreg:$0x0];
	s2 =	stileid.u32  }
0x337: {  	s1 =	rddreg [dreg:$0x1];
	p0 =	sne.s32 s2, $0x0  }
0x338: {  	s3 =	rddreg [dreg:$0x2];
	[bflag:$0x3] =	sbarrier.arrive $0xFFFF;
	s2 =	simm.s32 @!p0 $0x1C06  }
0x339: {  	[timem:s3], [sflag:s2] =	dma.local @!p0 [hbm:s0], s1  }
0x33a: {  	s0 =	simm.s32 @!p0 $0x6  }
0x33b: {  	_ =	swait.ge @!p0 [sflag:s0], s1  }
0x33c: {  	s1 =	ssub.s32 @!p0 $0x0, s1;
	[sflag:s0] =	ssyncset.done @!p0 $0x0  }
0x33d: {  	[sflag:s0] =	ssyncadd.s32 @!p0 s1  }
0x33e: {  	[bflag:$0x3] =	sbarrier.arrive $0xFFFF  }
0x33f: {  	_ =	shalt  }

// kernel: sparse-core-data-format-call.cloned.1.call-start
scs
called_computation_lowered:
.L_overlay_start_0:
0x0: {  	s2 =	sld [smem:$0x3FD9]  }
0x1: {  	s3 =	sld [smem:$0x3FFE];
	_ =	sdelay $0x1  }
0x2: {  	s1 =	srdreg.scid  }
0x3: {  	s0 =	sand.u32 $0x1, s1  }
0x4: {  	s18 =	sshll.u32 s0, $0xA;
	s2 =	sadd.s32 s3, s2  }
0x5: {  	s2 =	sadd.s32 s2, s18  }
0x6: {  	[smem:$0x3FC5] =	sst s2  }
0x7: {  	_ = 	snop  }
0x8: {  	s2 =	sld [smem:$0x3FC8];
	(tm) =	ssettm $0x1  }
0x9: {  	s19 =	sld [smem:$0x3FFB];
	_ =	sdelay $0x3  }
0xa: {  	_ =	strace s19  }
0xb: {  	s3 =	sld [smem:$0x3FFC];
	_ =	sdelay $0x3  }
0xc: {  	_ =	strace s3  }
0xd: {  	s3 =	sld [smem:$0x3FFD];
	_ =	sdelay $0x3  }
0xe: {  	_ =	strace s3  }
0xf: {  	_ =	strace $0x8FFFFFFF  }
0x10: {  	s20 =	sld [smem:$0x3FDB];
	_ =	sdelay $0x1  }
0x11: {  	s4 =	simm.s32 $_scs_section_size  }
0x12: {  	s5 =	simm.s32 $_size__tile_overlayer_lowered;
	s6 =	simm.s32 $_tile_overlayer_lowered  }
0x13: {  	s23 =	simm.s32 $0x1BFF;
	s22 =	sshll.u32 s6, $0x1;
	s3 =	sadd.s32 s4, s20  }
0x14: {  	s7 =	simm.s32 $0x0;
	s21 =	sshll.u32 s5, $0x1;
	s5 =	sadd.s32 s22, s3  }
0x15: {  	[timem:s7], [sflag:s23] =	dma.local [hbm:s5], s21  }
0x16: {  	_ =	swait.ge [sflag:s23], s21  }
0x17: {  	s4 =	ssub.s32 $0x0, s21;
	[sflag:s23] =	ssyncset.done $0x0  }
0x18: {  	[sflag:s23] =	ssyncadd.s32 s4;
	_ =	sdelay $0x1  }
0x19: {  	s24 =	simm.s32 $0x1B8B  }
0x1a: {  	_ =	swait.ge [sflag:s24], $0x1  }
0x1b: {  	[sflag:s24] =	ssyncset.done $0x0  }
0x1c: {  	s26 =	simm.s32 $0x1B8E;
	s25 =	sld [smem:$0x3FFE];
	[sflag:s24] =	ssyncadd.s32 $0xFFFFFFFF  }
0x1d: {  	s27 =	simm.s32 $execute0_lowered;
	[smem:$0x3FD2] =	sst s26  }
0x1e: {  	s5 =	sshll.u32 s27, $0x1;
	_ =	strace $0x80000046;
	[dreg:$0x1] =	wrdreg $0xFFFFFFFF  }
0x1f: {  	s28 =	simm.s32 $_size_execute0_lowered;
	s3 =	sadd.s32 s3, s5;
	[dreg:$0x0] =	wrdreg $0x0  }
0x20: {  	s5 =	sshll.u32 s28, $0x1;
	[dreg:$0x2] =	wrdreg s3  }
0x21: {  	[dreg:$0x3] =	wrdreg s5  }
0x22: {  	[dreg:$0x4] =	wrdreg $0xC0  }
0x23: {  	_ =	task [dreg:s7], $0x5FFFF  }
0x24: {  	[dreg:$0x1] =	wrdreg $0xFFFFFFFF  }
0x25: {  	[dreg:$0x0] =	wrdreg $0x60  }
0x26: {  	[dreg:$0x2] =	wrdreg s2  }
0x27: {  	[dreg:$0x3] =	wrdreg s25  }
0x28: {  	[dreg:$0x4] =	wrdreg $0x9  }
0x29: {  	_ =	task.clear_ibuf [dreg:s7], $0x5FFFF;
	_ =	strace $0x90000046  }
0x2a: {  	s29 =	simm.s32 $0x9;
	_ =	strace $0x80000048  }
0x2b: {  	_ =	swait.ge [sflag:s29], $0x1  }
0x2c: {  	[sflag:s29] =	ssyncadd.s32 $0xFFFFFFFF  }
0x2d: {  	_ =	strace $0x90000048  }
0x2e: {  	_ =	sfence  }
0x2f: {  	s30 =	sld [smem:$0x0];
	_ =	sdelay $0x2  }
0x30: {  	s31 =	sshll.u32 s1, $0xD;
	s1 =	sshrl.u32 s1, $0x2  }
0x31: {  	s3 =	sand.u32 $0x4000, s31;
	s1 =	sadd.s32 s1, s30  }
0x32: {  	s0 =	sor.u32 s3, s0;
	s1 =	sshll.u32 s1, $0x11  }
0x33: {  	s0 =	sor.u32 s1, s0  }
0x34: {  	s0 =	sadd.s32 $0x8F2B, s0  }
0x35: {  	[sflag:s0] =	ssyncadd.remote.s32 $0x1  }
0x36: {  	_ =	sfence.sel $0xFFFF  }
0x37: {  	[dreg:$0x0] =	wrdreg $0xFFFFFFFF;
	(pc) =	sbr.abs _section_cstart, $3  }
0x38: {  	[dreg:$0x1] =	wrdreg $0xFFFFFFFF  }
0x39: {  	_ =	task.clear_ibuf [dreg:s7], $0x2FFFF;
	_ =	strace $0x9FFFFFFF  }
0x3a: {  	(tm) =	ssettm $0x7FFFFFFF  }
0x3b: {  	_ =	shalt  }
tec
execute0_lowered:
.L_overlay_start_1:
0x0: {  	(tag) =	ssettag $0x1  }
0x1: {  	s2 =	rddreg [dreg:$0x0]  }
0x2: {  	s1 =	rddreg [dreg:$0x1]  }
0x3: {  	s0 =	rddreg [dreg:$0x2];
	_ =	strace $0x80000047;
	s4 =	srdreg.scid  }
0x4: {  	s6 =	simm.s32 $0x2;
	s11 =	simm.s32 $0x0;
	p0 =	por $0x0, $0x0  }
.Ltmp0:
0x5: {  	s7 =	simm.s32 $0x1000;
	s12 =	simm.s32 $0x0;
	(pc) =	sbr.rel .LBB1_1-.Ltmp0, $4  }
0x6: {  	s9 =	simm.s32 $0x0;
	s3 =	sadd.s32 $0xC00, s1;
	s5 =	sshll.u32 s4, $0x4  }
0x7: {  	s1 =	stileid.u32;
	s4 =	simm.s32 $0x1;
	s5 =	sand.u32 $0x10, s5  }
0x8: {  	s8 =	simm.s32 $0x0;
	[sflag:s4] =	ssyncpa.u1 $0x0;
	s5 =	sor.u32 s1, s5  }
0x9: {  	[sflag:s6] =	ssyncpa.u1 $0x0;
	s6 =	simm.s32 $0x800;
	s10 =	smov.u32 s5  }
.LBB1_7:
0xa: {  	s13 =	sadd.s32 $0x10, s9  }
0xb: {  	s11 =	sadd.s32 $0x20, s10;
	s15 =	smov.u32 s10;
	p2 =	sgt.s32 s13, $0x1F  }
0xc: {  	p1 =	slt.u32 s8, $0x2;
	s15 =	smov.u32 @p2 s11  }
0xd: {  	s8 =	sadd.s32 $0x1, s8;
	s13 =	simm.s32 @p2 $0x0;
	p2 =	sgt.s32 s15, $0x1FF  }
0xe: {  	s15 =	smov.u32 @p2 s5;
	p2 =	sne.s32 s8, $0x22  }
.Ltmp1:
0xf: {  	_ = 	snop;
	(pc) =	sbr.rel @!p2 .LBB1_8-.Ltmp1, $4  }
0x10: {  	s14 =	simm.s32 @!p1 $0x2  }
0x11: {  	s12 =	smov.u32 s10;
	_ =	swait.ge @!p1 [sflag:s14], $0x4000  }
0x12: {  	p0 =	por !p0, !p0;
	s11 =	smov.u32 s9;
	[sflag:s14] =	ssyncset.done @!p1 $0x0  }
0x13: {  	s9 =	smov.u32 s13;
	[sflag:s14] =	ssyncadd.s32 @!p1 $0xFFFFC000;
	s10 =	smov.u32 s15  }
.LBB1_1:
0x14: {  	p1 =	sgt.u32 s8, $0x1F  }
0x15: {  	s13 =	sxor.u32 @!p1 $0xFFFFFFFF, s8;
	s14 =	sshll.u32 @!p1 s10, $0xC  }
0x16: {  	s15 =	sshll.u32 @!p1 s9, $0x7;
	s13 =	sshll.u32 @!p1 s13, $0xE;
	s14 =	sadd.s32 @!p1 s2, s14  }
0x17: {  	s13 =	sand.u32 @!p1 $0x4000, s13;
	s14 =	sadd.s32 @!p1 s15, s14;
	s15 =	simm.s32 @!p1 $0x0  }
0x18: {  	[tilespmem:s13], [sflag:$0x1] =	stream.linear.gather @!p1 [hbm4b:s14+s15], $0x4000, $0x38;
	[tilespmem:$0x10000] =	vst v63  }
0x19: {  	p1 =	seq.s32 s8, $0x0  }
0x1a: {  	p2 =	seq.s32 @!p1 s8, $0x21  }
0x1b: {  	p1 =	por p1, p2  }
.Ltmp2:
0x1c: {  	_ = 	snop;
	(pc) =	sbr.rel @p1 .LBB1_7-.Ltmp2, $1  }
0x1d: {  	_ =	sdelay $0x3  }
0x1e: {  	s13 =	simm.s32 $0x1;
	_ =	swait.ge [sflag:s4], $0x4000;
	s16 =	sshll.u32 s8, $0xE  }
0x1f: {  	s13 =	simm.s32 @!p0 $0x0;
	[sflag:s4] =	ssyncset.done $0x0;
	s31 =	sand.u32 $0x4000, s16  }
0x20: {  	s16 =	simm.s32 $0x0;
	s14 =	sshll.u32 s13, $0xE;
	[sflag:s4] =	ssyncadd.s32 $0xFFFFC000  }
0x21: {  	s13 =	sor.u32 $0x8040, s14;
	s15 =	sor.u32 $0x40, s14;
	s14 =	sor.u32 $0x8000, s31  }
.LBB1_3:
0x22: {  	v0 =	vmov s15;
	_ =	sdelay $0x3  }
0x23: {  	s18 =	simm.s32 $0x0  }
0x24: {  	v6 =	vld.idx.msk [tilespmem:v0+s18+$0x30 ss:$0x1], $0xffff  }
0x25: {  	v7 =	vld.idx.msk [tilespmem:v0+s18+$0xFFFFFFC0 ss:$0x1], $0xffff  }
0x26: {  	v5 =	vld.idx.msk [tilespmem:v0+s18+$0xFFFFFFD0 ss:$0x1], $0xffff  }
0x27: {  	v4 =	vld.idx.msk [tilespmem:v0+s18+$0xFFFFFFE0 ss:$0x1], $0xffff  }
0x28: {  	v3 =	vld.idx.msk [tilespmem:v0+s18+$0xFFFFFFF0 ss:$0x1], $0xffff  }
0x29: {  	v1 =	vld.idx.msk [tilespmem:v0+s18+$0x0 ss:$0x1], $0xffff  }
0x2a: {  	v2 =	vld.idx.msk [tilespmem:v0+s18+$0x10 ss:$0x1], $0xffff;
	[tilespmem:s13+$0x30] =	vst v6  }
0x2b: {  	s17 =	simm.s32 $0x80;
	s19 =	simm.s32 $0x400;
	[tilespmem:s13+$0xFFFFFFC0] =	vst v7;
	v6 =	vld.idx.msk [tilespmem:v0+s18+$0x20 ss:$0x1], $0xffff;
	s18 =	smov.u32 s13  }
.LBB1_4:
0x2c: {  	p1 =	sne.s32 s19, $0xE00;
	v7 =	vld.idx.msk [tilespmem:v0+s17+$0x30 ss:$0x1], $0xffff;
	[tilespmem:s18+$0xFFFFFFD0] =	vst v5  }
0x2d: {  	v8 =	vld.idx.msk [tilespmem:v0+s17+$0xFFFFFFC0 ss:$0x1], $0xffff;
	[tilespmem:s18+$0xFFFFFFE0] =	vst v4  }
0x2e: {  	v5 =	vld.idx.msk [tilespmem:v0+s17+$0xFFFFFFD0 ss:$0x1], $0xffff;
	[tilespmem:s18+$0xFFFFFFF0] =	vst v3  }
.Ltmp3:
0x2f: {  	v4 =	vld.idx.msk [tilespmem:v0+s17+$0xFFFFFFE0 ss:$0x1], $0xffff;
	[tilespmem:s18+$0x0] =	vst v1;
	(pc) =	sbr.rel @p1 .LBB1_4-.Ltmp3, $4  }
0x30: {  	v3 =	vld.idx.msk [tilespmem:v0+s17+$0xFFFFFFF0 ss:$0x1], $0xffff;
	[tilespmem:s18+$0x10] =	vst v2  }
0x31: {  	v1 =	vld.idx.msk [tilespmem:v0+s17+$0x0 ss:$0x1], $0xffff;
	[tilespmem:s18+$0x20] =	vst v6;
	s18 =	sadd.s32 $0x800, s18  }
0x32: {  	v2 =	vld.idx.msk [tilespmem:v0+s17+$0x10 ss:$0x1], $0xffff;
	[tilespmem:s18+$0x30] =	vst v7  }
0x33: {  	[tilespmem:s18+$0xFFFFFFC0] =	vst v8;
	v6 =	vld.idx.msk [tilespmem:v0+s17+$0x20 ss:$0x1], $0xffff;
	s17 =	sshra.s32 s19, $0x2;
	s19 =	sadd.s32 $0x200, s19  }
0x34: {  	_ =	sdelay $0x2  }
0x35: {  	[tilespmem:s18+$0xFFFFFFD0] =	vst v5  }
0x36: {  	v56 =	vld.idx.msk [tilespmem:v0+s17+$0x30 ss:$0x1], $0xffff;
	[tilespmem:s18+$0xFFFFFFE0] =	vst v4  }
0x37: {  	v57 =	vld.idx.msk [tilespmem:v0+s17+$0xFFFFFFC0 ss:$0x1], $0xffff;
	[tilespmem:s18+$0xFFFFFFF0] =	vst v3  }
0x38: {  	v58 =	vld.idx.msk [tilespmem:v0+s17+$0xFFFFFFD0 ss:$0x1], $0xffff;
	[tilespmem:s18+$0x0] =	vst v1  }
0x39: {  	v59 =	vld.idx.msk [tilespmem:v0+s17+$0xFFFFFFE0 ss:$0x1], $0xffff;
	[tilespmem:s18+$0x10] =	vst v2  }
0x3a: {  	v60 =	vld.idx.msk [tilespmem:v0+s17+$0xFFFFFFF0 ss:$0x1], $0xffff;
	s31 =	sadd.s32 $0x800, s18;
	[tilespmem:s18+$0x20] =	vst v6  }
0x3b: {  	v61 =	vld.idx.msk [tilespmem:v0+s17+$0x0 ss:$0x1], $0xffff;
	[tilespmem:s31+$0x30] =	vst v56  }
0x3c: {  	v62 =	vld.idx.msk [tilespmem:v0+s17+$0x10 ss:$0x1], $0xffff;
	s16 =	sadd.s32 $0x1, s16;
	[tilespmem:s31+$0xFFFFFFC0] =	vst v57  }
0x3d: {  	v63 =	vld.idx.msk [tilespmem:v0+s17+$0x20 ss:$0x1], $0xffff;
	p1 =	sne.s32 s16, $0x10;
	[tilespmem:s31+$0xFFFFFFD0] =	vst v58  }
.Ltmp4:
0x3e: {  	[tilespmem:s31+$0xFFFFFFE0] =	vst v59;
	(pc) =	sbr.rel @p1 .LBB1_3-.Ltmp4, $4  }
0x3f: {  	[tilespmem:s31+$0xFFFFFFF0] =	vst v60  }
0x40: {  	[tilespmem:s31+$0x0] =	vst v61  }
0x41: {  	[tilespmem:s31+$0x10] =	vst v62  }
0x42: {  	s13 =	sadd.s32 $0x80, s13;
	s15 =	sadd.s32 $0x400, s15;
	[tilespmem:s31+$0x20] =	vst v63  }
.Ltmp5:
0x43: {  	(pc) =	sbr.rel .LBB1_7-.Ltmp5, $4  }
0x44: {  	s12 =	sshll.u32 s12, $0xC;
	s11 =	sshll.u32 s11, $0x4  }
0x45: {  	s11 =	sand.u32 $0x1F0, s11;
	s12 =	sadd.s32 s3, s12  }
0x46: {  	s11 =	sadd.s32 s11, s12  }
0x47: {  	[hbm4b:s11+s6] =	stream.strided.scatter [tilespmem:s14], [sflag:$0x2], $0x4000, s7, s6, $0x38;
	[tilespmem:$0x10000] =	vst v63  }
.LBB1_8:
0x48: {  	_ =	sfence.sel $0x180000  }
0x49: {  	s2 =	simm.s32 $0x1;
	[bflag:$0x0] =	sbarrier.arrive $0xFFFF  }
0x4a: {  	s31 =	simm.s32 $0x2;
	[sflag:s2] =	ssyncpa.u1 $0x1  }
0x4b: {  	[sflag:s31] =	ssyncpa.u1 $0x1  }
0x4c: {  	p0 =	sne.s32 s1, $0x0;
	_ =	strace $0x90000047  }
0x4d: {  	s0 =	sadd.s32 @!p0 $0x100000, s0;
	[bflag:$0x2] =	sbarrier.arrive $0xFFFF  }
0x4e: {  	[sflag:s0] =	ssyncadd.tile.s32 @!p0 $0x1;
	_ =	shalt  }
.Lfunc_end1:
_tile_overlayer_lowered:
.L_overlay_start_2:
0x4f: {  	(tag) =	ssettag $0x2  }
0x50: {  	s0 =	rddreg [dreg:$0x0];
	s2 =	stileid.u32  }
0x51: {  	s1 =	rddreg [dreg:$0x1];
	p0 =	sne.s32 s2, $0x0  }
0x52: {  	s3 =	rddreg [dreg:$0x2];
	[bflag:$0x3] =	sbarrier.arrive $0xFFFF;
	s2 =	simm.s32 @!p0 $0x1C01  }
0x53: {  	[timem:s3], [sflag:s2] =	dma.local @!p0 [hbm:s0], s1  }
0x54: {  	s0 =	simm.s32 @!p0 $0x1  }
0x55: {  	_ =	swait.ge @!p0 [sflag:s0], s1  }
0x56: {  	s1 =	ssub.s32 @!p0 $0x0, s1;
	[sflag:s0] =	ssyncset.done @!p0 $0x0  }
0x57: {  	[sflag:s0] =	ssyncadd.s32 @!p0 s1  }
0x58: {  	[bflag:$0x3] =	sbarrier.arrive $0xFFFF  }
0x59: {  	_ =	shalt  }

</sc_bundles>
